<compile_context>
chip_gen: v7x
topology: tpu7x:2x2x1
jax: 0.10.2.dev20260603
libtpu: 0.0.44.dev20260713+nightly
codegen_flags: <defaults>
</compile_context>

<pallas_src>
import jax
import jax.numpy as jnp
from jax import lax
from jax.experimental import pallas as pl
from jax.experimental.pallas import tpu as pltpu
from jax.experimental.pallas import tpu_sc as plsc

N_NODES = 10000
D_IN = 128
D_HID = 256
D_OUT = 128

NC = 2
NS = 16
NW = NC * NS
CH = 128

N_ACC = 10112
RPT = N_ACC // NS
ROW_BLK = 2528

_MESH = plsc.VectorSubcoreMesh(core_axis_name="c", subcore_axis_name="s")


def _zero_rows(buf, nrows, width):
    zero16 = jnp.zeros((16,), jnp.float32)

    @pl.loop(0, nrows)
    def _(r):
        @pl.loop(0, width, step=16)
        def _(c):
            buf[r, pl.ds(c, 16)] = zero16


def _zero_acc_slice(zbuf, acc, base, width_rows):
    nfull = RPT // width_rows
    rem = RPT - nfull * width_rows

    @pl.loop(0, nfull)
    def _(k):
        pltpu.sync_copy(zbuf, acc.at[pl.ds(base + k * width_rows, width_rows)])

    if rem:
        pltpu.sync_copy(zbuf.at[pl.ds(0, rem)],
                        acc.at[pl.ds(base + nfull * width_rows, rem)])


FAST_CORE = 1
A_CHUNKS = 128
B_CHUNKS = 32
PASS_CH = 32


def _make_agg():
    scratch = [
        pltpu.VMEM((PASS_CH, CH), jnp.int32),
        pltpu.VMEM((PASS_CH, CH), jnp.int32),
        pltpu.VMEM((CH, D_IN), jnp.float32),
        pltpu.VMEM((CH, D_IN), jnp.float32),
        pltpu.VMEM_SHARED((N_ACC, D_IN), jnp.float32),
        pltpu.SemaphoreType.DMA,
        pltpu.SemaphoreType.DMA,
    ]

    def body(x_hbm, src_hbm, dst_hbm, sum_out,
             src_v, dst_v, rows0, rows1, acc, sem0, sem1):
        cid = lax.axis_index("c")
        sid = lax.axis_index("s")
        base = sid * RPT

        _zero_rows(rows0, CH, D_IN)
        _zero_acc_slice(rows0, acc, base, CH)
        plsc.subcore_barrier()

        def issue(c, rows, sem):
            pltpu.async_copy(x_hbm.at[src_v.at[c]], rows, sem)

        def drain(rows, sem):
            pltpu.make_async_copy(x_hbm.at[pl.ds(0, CH)], rows, sem).wait()

        def scat(c, rows):
            pltpu.sync_copy(rows, acc.at[dst_v.at[c]], add=True)

        def run_passes(npass, cpp, tile_base):
            @pl.loop(0, npass)
            def _(p):
                row0 = tile_base + p * cpp
                pltpu.sync_copy(src_hbm.at[pl.ds(row0, cpp)],
                                src_v.at[pl.ds(0, cpp)])
                pltpu.sync_copy(dst_hbm.at[pl.ds(row0, cpp)],
                                dst_v.at[pl.ds(0, cpp)])

                issue(0, rows0, sem0)
                issue(1, rows1, sem1)

                @pl.loop(0, cpp - 2, step=2)
                def _(c):
                    drain(rows0, sem0)
                    scat(c, rows0)
                    issue(c + 2, rows0, sem0)
                    drain(rows1, sem1)
                    scat(c + 1, rows1)
                    issue(c + 3, rows1, sem1)

                drain(rows0, sem0)
                scat(cpp - 2, rows0)
                drain(rows1, sem1)
                scat(cpp - 1, rows1)

        @pl.when(cid == FAST_CORE)
        def _():
            run_passes(A_CHUNKS // PASS_CH, PASS_CH, sid * A_CHUNKS)

        @pl.when(cid != FAST_CORE)
        def _():
            run_passes(max(1, B_CHUNKS // PASS_CH), min(B_CHUNKS, PASS_CH),
                       NS * A_CHUNKS + sid * B_CHUNKS)

        plsc.subcore_barrier()
        pltpu.sync_copy(acc.at[pl.ds(base, RPT)],
                        sum_out.at[cid, pl.ds(base, RPT)])

    return pl.kernel(
        body,
        out_type=jax.ShapeDtypeStruct((NC, N_ACC, D_IN), jnp.float32),
        mesh=_MESH,
        scratch_types=scratch,
    )


def _make_cnt(cpt: int):
    scratch = [
        pltpu.VMEM((cpt, CH), jnp.int32),
        pltpu.VMEM((CH, D_IN), jnp.float32),
        pltpu.VMEM_SHARED((N_ACC, D_IN), jnp.float32),
        pltpu.SemaphoreType.DMA,
    ]

    def body(dst_hbm, cnt_out, dst_v, ones_v, cacc, sem):
        cid = lax.axis_index("c")
        sid = lax.axis_index("s")
        wid = sid * NC + cid
        base = sid * RPT

        pltpu.sync_copy(dst_hbm.at[pl.ds(wid * cpt, cpt)], dst_v)

        _zero_rows(ones_v, CH, D_IN)
        _zero_acc_slice(ones_v, cacc, base, CH)

        one16 = jnp.ones((16,), jnp.float32)

        @pl.loop(0, CH)
        def _(r):
            @pl.loop(0, D_IN, step=16)
            def _(c):
                ones_v[r, pl.ds(c, 16)] = one16

        plsc.subcore_barrier()

        grp = 8

        @pl.loop(0, cpt, step=grp)
        def _(c0):
            for k in range(grp):
                pltpu.async_copy(ones_v, cacc.at[dst_v.at[c0 + k]], sem,
                                 add=True)
            for k in range(grp):
                pltpu.make_async_copy(ones_v, cacc.at[dst_v.at[c0]],
                                      sem).wait()

        plsc.subcore_barrier()
        pltpu.sync_copy(cacc.at[pl.ds(base, RPT)],
                        cnt_out.at[cid, pl.ds(base, RPT)])

    return pl.kernel(
        body,
        out_type=jax.ShapeDtypeStruct((NC, N_ACC, D_IN), jnp.float32),
        mesh=_MESH,
        scratch_types=scratch,
    )


def _tc1_body(s3, c3, xb, w1l, w1r, w2l, w2r, b1, b2, hl_out, r2_out):
    cnt = c3[0, :, 0:1] + c3[1, :, 0:1]
    inv = 1.0 / jnp.maximum(cnt, 1.0)
    mean = (s3[0] + s3[1]) * inv
    h = jnp.dot(mean, w1l[...], preferred_element_type=jnp.float32)
    h = h + jnp.dot(xb[...], w1r[...], preferred_element_type=jnp.float32)
    h = jnp.maximum(h + b1[...], 0.0)
    hl_out[...] = jnp.dot(h, w2l[...], preferred_element_type=jnp.float32)
    r2_out[...] = jnp.dot(h, w2r[...], preferred_element_type=jnp.float32) + b2[...]


def _tc2_body(s3, c3, r2, out):
    cnt = c3[0, :, 0:1] + c3[1, :, 0:1]
    inv = 1.0 / jnp.maximum(cnt, 1.0)
    out[...] = (s3[0] + s3[1]) * inv + r2[...]


def _row_spec(width):
    return pl.BlockSpec((2, ROW_BLK, width), lambda i: (0, i, 0))


def _full_spec(shape):
    return pl.BlockSpec(shape, lambda i: tuple(0 for _ in shape))


def kernel(x, edge_index, W1l, b1, W1r, W2l, b2, W2r):
    src = edge_index[0].astype(jnp.int32)
    dst = edge_index[1].astype(jnp.int32)
    e = src.shape[0]
    ct = NS * (A_CHUNKS + B_CHUNKS)
    e_pad = ct * CH
    src_p = jnp.concatenate(
        [src, jnp.zeros((e_pad - e,), jnp.int32)]).reshape(ct, CH)
    dst_p = jnp.concatenate(
        [dst, jnp.full((e_pad - e,), N_NODES, jnp.int32)]).reshape(ct, CH)

    x_pad = jnp.pad(x, ((0, N_ACC - N_NODES), (0, 0)))

    cnt1 = _make_cnt(ct // NW)(dst_p)
    sum1 = _make_agg()(x, src_p, dst_p)

    grid = N_ACC // ROW_BLK
    hl, r2 = pl.pallas_call(
        _tc1_body,
        grid=(grid,),
        in_specs=[
            _row_spec(D_IN), _row_spec(D_IN),
            pl.BlockSpec((ROW_BLK, D_IN), lambda i: (i, 0)),
            _full_spec((D_IN, D_HID)), _full_spec((D_IN, D_HID)),
            _full_spec((D_HID, D_OUT)), _full_spec((D_HID, D_OUT)),
            _full_spec((1, D_HID)), _full_spec((1, D_OUT)),
        ],
        out_specs=[pl.BlockSpec((ROW_BLK, D_IN), lambda i: (i, 0)),
                   pl.BlockSpec((ROW_BLK, D_OUT), lambda i: (i, 0))],
        out_shape=[jax.ShapeDtypeStruct((N_ACC, D_OUT), jnp.float32),
                   jax.ShapeDtypeStruct((N_ACC, D_OUT), jnp.float32)],
    )(sum1, cnt1, x_pad, W1l.T, W1r.T, W2l.T, W2r.T,
      b1.reshape(1, D_HID), b2.reshape(1, D_OUT))

    sum2 = _make_agg()(hl, src_p, dst_p)

    out = pl.pallas_call(
        _tc2_body,
        grid=(grid,),
        in_specs=[_row_spec(D_OUT), _row_spec(D_IN),
                  pl.BlockSpec((ROW_BLK, D_OUT), lambda i: (i, 0))],
        out_specs=pl.BlockSpec((ROW_BLK, D_OUT), lambda i: (i, 0)),
        out_shape=jax.ShapeDtypeStruct((N_ACC, D_OUT), jnp.float32),
    )(sum2, cnt1, r2)

    return out[:N_NODES]

# --- scband reference (transcript-rebuilt; emitter-appended) ---
"""Pipeline reference for scband-sagenet-47330539602644 (READ-ONLY COPY).

The authoritative reference and input builder live on the scoring server;
editing this copy changes nothing except your own understanding.
"""

import jax, jax.numpy as jnp
import numpy as np

N_NODES = 10000
N_EDGES = 320000
D_IN = 128
D_HID = 256
D_OUT = 128


def _glorot(key, shape):
    fan_in, fan_out = shape[1], shape[0]
    limit = np.sqrt(6.0 / (fan_in + fan_out))
    return jax.random.uniform(key, shape, minval=-limit, maxval=limit, dtype=jnp.float32)


def setup_inputs(seed: int = 0) -> dict:
    key = jax.random.key(seed)
    ks = jax.random.split(key, 8)
    x = jax.random.normal(ks[0], (N_NODES, D_IN), dtype=jnp.float32)
    edge_index = jax.random.randint(ks[1], (2, N_EDGES), 0, N_NODES, dtype=jnp.int64)
    # SAGEConv layer 1: lin_l (neighbor agg, with bias), lin_r (root, no bias)
    W1l = _glorot(ks[2], (D_HID, D_IN))
    b1 = jnp.zeros((D_HID,), dtype=jnp.float32)
    W1r = _glorot(ks[3], (D_HID, D_IN))
    # SAGEConv layer 2
    W2l = _glorot(ks[4], (D_OUT, D_HID))
    b2 = jnp.zeros((D_OUT,), dtype=jnp.float32)
    W2r = _glorot(ks[5], (D_OUT, D_HID))
    return {"x": x, "edge_index": edge_index, "W1l": W1l, "b1": b1, "W1r": W1r,
            "W2l": W2l, "b2": b2, "W2r": W2r}


def _sage_conv(x, edge_index, Wl, bl, Wr):
    # PyG SAGEConv with mean aggregation:
    #   out = lin_l(mean_{j in N(i)} x_j) + lin_r(x_i)
    src = edge_index[0]
    dst = edge_index[1]
    n = x.shape[0]
    msg = jnp.take(x, src, axis=0)                      # gather (SparseCore)
    summed = jax.ops.segment_sum(msg, dst, num_segments=n)  # scatter-add
    cnt = jax.ops.segment_sum(jnp.ones((msg.shape[0],), dtype=x.dtype), dst, num_segments=n)
    mean = summed / jnp.maximum(cnt, 1.0)[:, None]
    return mean @ Wl.T + bl + x @ Wr.T


def reference(x, edge_index, W1l, b1, W1r, W2l, b2, W2r):
    h = jax.nn.relu(_sage_conv(x, edge_index, W1l, b1, W1r))
    # F.dropout(training=False) in eval mode is identity
    out = _sage_conv(h, edge_index, W2l, b2, W2r)
    return out

if __name__ == "__main__":
    import jax
    _d = setup_inputs()
    print(jax.jit(kernel)(*tuple(_d.values())))

</pallas_src>

<mosaic_0001>
#map = affine_map<(d0, d1) -> (0, 0)>
#map1 = affine_map<(d0, d1) -> (0, 0, 0)>
module attributes {stable_mosaic.version = 14 : i64} {
  func.func @body(%arg0: i32, %arg1: i32, %arg2: memref<10000x128xf32, #tpu.memory_space<hbm>>, %arg3: memref<2560x128xi32, #tpu.memory_space<hbm>>, %arg4: memref<2560x128xi32, #tpu.memory_space<hbm>>, %arg5: memref<2x10112x128xf32, #tpu.memory_space<hbm>>, %arg6: memref<32x128xi32, #tpu.memory_space<vmem>>, %arg7: memref<32x128xi32, #tpu.memory_space<vmem>>, %arg8: memref<128x128xf32, #tpu.memory_space<vmem>>, %arg9: memref<128x128xf32, #tpu.memory_space<vmem>>, %arg10: memref<10112x128xf32, #tpu.memory_space<vmem_shared>>, %arg11: memref<!tpu.dma_semaphore, #tpu.memory_space<semaphore_mem>>, %arg12: memref<!tpu.dma_semaphore, #tpu.memory_space<semaphore_mem>>) attributes {dimension_semantics = [#tpu.dimension_semantics<core_parallel>, #tpu.dimension_semantics<subcore_parallel>], iteration_bounds = array<i64: 2, 16>, scalar_prefetch = 0 : i64, scratch_operands = 7 : i64, tpu.core_type = #tpu.core_type<sc_vector_subcore>, window_params = [{transform_indices = #map}, {transform_indices = #map}, {transform_indices = #map}, {transform_indices = #map1}]} {
    %mul3A = arith.constant 632 : i32
    %mul3A_0 = arith.muli %arg1, %mul3A : i32
    %broadcast_in_dim3A = arith.constant 0.000000e+00 : f32
    %broadcast_in_dim3A_1 = vector.broadcast %broadcast_in_dim3A : f32 to vector<16xf32>
    %scan3A = arith.constant 0 : i32
    %scan3A_2 = arith.constant 128 : i32
    %scan3A_3 = arith.addi %scan3A, %scan3A_2 : i32
    %scan3A_4 = arith.constant 1 : i32
    scf.for %scan3A_19 = %scan3A to %scan3A_3 step %scan3A_4  : i32 {
      %mul3A_20 = arith.constant 1 : i32
      %mul3A_21 = arith.muli %scan3A_19, %mul3A_20 : i32
      %add3A_22 = arith.constant 0 : i32
      %add3A_23 = arith.addi %add3A_22, %mul3A_21 : i32
      %scan3A_24 = arith.constant 0 : i32
      %scan3A_25 = arith.constant 8 : i32
      %scan3A_26 = arith.addi %scan3A_24, %scan3A_25 : i32
      %scan3A_27 = arith.constant 1 : i32
      scf.for %scan3A_29 = %scan3A_24 to %scan3A_26 step %scan3A_27  : i32 {
        %mul3A_30 = arith.constant 16 : i32
        %mul3A_31 = arith.muli %scan3A_29, %mul3A_30 : i32
        %add3A_32 = arith.constant 0 : i32
        %add3A_33 = arith.addi %add3A_32, %mul3A_31 : i32
        %swap3A = arith.index_cast %add3A_23 : i32 to index
        %swap3A_34 = arith.index_cast %add3A_33 : i32 to index
        %swap3A_35 = tpu.vector_load %arg8[%swap3A, %swap3A_34] {strides = array<i32>} : memref<128x128xf32, #tpu.memory_space<vmem>>, vector<1x16xf32>,
        %swap3A_36 = vector.shape_cast %swap3A_35 : vector<1x16xf32> to vector<16xf32>
        %swap3A_37 = vector.shape_cast %broadcast_in_dim3A_1 : vector<16xf32> to vector<1x16xf32>
        tpu.vector_store %arg8[%swap3A, %swap3A_34], %swap3A_37 {strides = array<i32>} : memref<128x128xf32, #tpu.memory_space<vmem>>, vector<1x16xf32>,
      }
      %scan3A_28 = arith.constant 8 : i32
    }
    %scan3A_5 = arith.constant 128 : i32
    %scan3A_6 = arith.constant 0 : i32
    %scan3A_7 = arith.constant 4 : i32
    %scan3A_8 = arith.addi %scan3A_6, %scan3A_7 : i32
    %scan3A_9 = arith.constant 1 : i32
    scf.for %scan3A_19 = %scan3A_6 to %scan3A_8 step %scan3A_9  : i32 {
      %mul3A_20 = arith.constant 1 : i32
      %mul3A_21 = arith.muli %scan3A_19, %mul3A_20 : i32
      %add3A_22 = arith.constant 0 : i32
      %add3A_23 = arith.addi %add3A_22, %mul3A_21 : i32
      %mul3A_24 = arith.constant 128 : i32
      %mul3A_25 = arith.muli %add3A_23, %mul3A_24 : i32
      %add3A_26 = arith.addi %mul3A_0, %mul3A_25 : i32
      "tpu.region"() ({
        %run_scoped3A = tpu.sem_alloc : memref<!tpu.dma_semaphore, #tpu.memory_space<semaphore_mem>>
        %dma_start3A = arith.constant 0 : i32
        %dma_start3A_27 = tpu.memref_slice %arg10[%add3A_26, %dma_start3A] : memref<10112x128xf32, #tpu.memory_space<vmem_shared>> -> memref<128x128xf32, #tpu.memory_space<vmem_shared>>
        %dma_start3A_28 = arith.constant 0 : i32
        %dma_start3A_29 = tpu.memref_slice %arg10[%add3A_26, %dma_start3A_28] : memref<10112x128xf32, #tpu.memory_space<vmem_shared>> -> memref<128x128xf32, #tpu.memory_space<vmem_shared>>
        tpu.enqueue_dma source(%arg8 : memref<128x128xf32, #tpu.memory_space<vmem>>) target(%dma_start3A_29 : memref<128x128xf32, #tpu.memory_space<vmem_shared>>) target_semaphore(%run_scoped3A : memref<!tpu.dma_semaphore, #tpu.memory_space<semaphore_mem>>)
        %dma_wait3A = arith.constant 0 : i32
        %dma_wait3A_30 = tpu.memref_slice %arg10[%add3A_26, %dma_wait3A] : memref<10112x128xf32, #tpu.memory_space<vmem_shared>> -> memref<128x128xf32, #tpu.memory_space<vmem_shared>>
        %dma_wait3A_31 = arith.constant 0 : i32
        %dma_wait3A_32 = tpu.memref_slice %arg10[%add3A_26, %dma_wait3A_31] : memref<10112x128xf32, #tpu.memory_space<vmem_shared>> -> memref<128x128xf32, #tpu.memory_space<vmem_shared>>
        tpu.wait_dma2 semaphore(%run_scoped3A : memref<!tpu.dma_semaphore, #tpu.memory_space<semaphore_mem>>) src(%arg8 : memref<128x128xf32, #tpu.memory_space<vmem>>) dst(%dma_wait3A_32 : memref<128x128xf32, #tpu.memory_space<vmem_shared>>)
        tpu.yield
      }) : () -> ()
    }
    %scan3A_10 = arith.constant 4 : i32
    %add3A = arith.constant 512 : i32
    %add3A_11 = arith.addi %mul3A_0, %add3A : i32
    "tpu.region"() ({
      %run_scoped3A = tpu.sem_alloc : memref<!tpu.dma_semaphore, #tpu.memory_space<semaphore_mem>>
      %dma_start3A = arith.constant 0 : i32
      %dma_start3A_19 = arith.constant 0 : i32
      %dma_start3A_20 = tpu.memref_slice %arg8[%dma_start3A, %dma_start3A_19] : memref<128x128xf32, #tpu.memory_space<vmem>> -> memref<120x128xf32, #tpu.memory_space<vmem>>
      %dma_start3A_21 = arith.constant 0 : i32
      %dma_start3A_22 = tpu.memref_slice %arg10[%add3A_11, %dma_start3A_21] : memref<10112x128xf32, #tpu.memory_space<vmem_shared>> -> memref<120x128xf32, #tpu.memory_space<vmem_shared>>
      %dma_start3A_23 = arith.constant 0 : i32
      %dma_start3A_24 = tpu.memref_slice %arg10[%add3A_11, %dma_start3A_23] : memref<10112x128xf32, #tpu.memory_space<vmem_shared>> -> memref<120x128xf32, #tpu.memory_space<vmem_shared>>
      %dma_start3A_25 = arith.constant 0 : i32
      %dma_start3A_26 = arith.constant 0 : i32
      %dma_start3A_27 = tpu.memref_slice %arg8[%dma_start3A_25, %dma_start3A_26] : memref<128x128xf32, #tpu.memory_space<vmem>> -> memref<120x128xf32, #tpu.memory_space<vmem>>
      tpu.enqueue_dma source(%dma_start3A_27 : memref<120x128xf32, #tpu.memory_space<vmem>>) target(%dma_start3A_24 : memref<120x128xf32, #tpu.memory_space<vmem_shared>>) target_semaphore(%run_scoped3A : memref<!tpu.dma_semaphore, #tpu.memory_space<semaphore_mem>>)
      %dma_wait3A = arith.constant 0 : i32
      %dma_wait3A_28 = arith.constant 0 : i32
      %dma_wait3A_29 = tpu.memref_slice %arg8[%dma_wait3A, %dma_wait3A_28] : memref<128x128xf32, #tpu.memory_space<vmem>> -> memref<120x128xf32, #tpu.memory_space<vmem>>
      %dma_wait3A_30 = arith.constant 0 : i32
      %dma_wait3A_31 = tpu.memref_slice %arg10[%add3A_11, %dma_wait3A_30] : memref<10112x128xf32, #tpu.memory_space<vmem_shared>> -> memref<120x128xf32, #tpu.memory_space<vmem_shared>>
      %dma_wait3A_32 = arith.constant 0 : i32
      %dma_wait3A_33 = tpu.memref_slice %arg10[%add3A_11, %dma_wait3A_32] : memref<10112x128xf32, #tpu.memory_space<vmem_shared>> -> memref<120x128xf32, #tpu.memory_space<vmem_shared>>
      %dma_wait3A_34 = arith.constant 0 : i32
      %dma_wait3A_35 = arith.constant 0 : i32
      %dma_wait3A_36 = tpu.memref_slice %arg8[%dma_wait3A_34, %dma_wait3A_35] : memref<128x128xf32, #tpu.memory_space<vmem>> -> memref<120x128xf32, #tpu.memory_space<vmem>>
      tpu.wait_dma2 semaphore(%run_scoped3A : memref<!tpu.dma_semaphore, #tpu.memory_space<semaphore_mem>>) src(%dma_wait3A_36 : memref<120x128xf32, #tpu.memory_space<vmem>>) dst(%dma_wait3A_33 : memref<120x128xf32, #tpu.memory_space<vmem_shared>>)
      tpu.yield
    }) : () -> ()
    %barrier3A = arith.constant 0 : index
    tpu.barrier barrier_id(%barrier3A)
    %eq3A = arith.constant 1 : i32
    %eq3A_12 = arith.cmpi eq, %arg0, %eq3A : i32
    %convert_element_type3A = arith.extui %eq3A_12 : i1 to i32
    %cond3A = arith.constant 0 : i32
    %cond3A_13 = arith.cmpi ne, %convert_element_type3A, %cond3A : i32
    scf.if %cond3A_13 {
      %mul3A_19 = arith.constant 128 : i32
      %mul3A_20 = arith.muli %arg1, %mul3A_19 : i32
      %scan3A_21 = arith.constant 0 : i32
      %scan3A_22 = arith.constant 4 : i32
      %scan3A_23 = arith.addi %scan3A_21, %scan3A_22 : i32
      %scan3A_24 = arith.constant 1 : i32
      scf.for %scan3A_26 = %scan3A_21 to %scan3A_23 step %scan3A_24  : i32 {
        %mul3A_27 = arith.constant 1 : i32
        %mul3A_28 = arith.muli %scan3A_26, %mul3A_27 : i32
        %add3A_29 = arith.constant 0 : i32
        %add3A_30 = arith.addi %add3A_29, %mul3A_28 : i32
        %mul3A_31 = arith.constant 32 : i32
        %mul3A_32 = arith.muli %add3A_30, %mul3A_31 : i32
        %add3A_33 = arith.addi %mul3A_20, %mul3A_32 : i32
        "tpu.region"() ({
          %run_scoped3A_64 = tpu.sem_alloc : memref<!tpu.dma_semaphore, #tpu.memory_space<semaphore_mem>>
          %dma_start3A_65 = arith.constant 0 : i32
          %dma_start3A_66 = arith.constant 0 : i32
          %dma_start3A_67 = tpu.memref_slice %arg6[%dma_start3A_65, %dma_start3A_66] : memref<32x128xi32, #tpu.memory_space<vmem>> -> memref<32x128xi32, #tpu.memory_space<vmem>>
          %dma_start3A_68 = arith.constant 0 : i32
          %dma_start3A_69 = tpu.memref_slice %arg3[%add3A_33, %dma_start3A_68] : memref<2560x128xi32, #tpu.memory_space<hbm>> -> memref<32x128xi32, #tpu.memory_space<hbm>>
          %dma_start3A_70 = arith.constant 0 : i32
          %dma_start3A_71 = arith.constant 0 : i32
          %dma_start3A_72 = tpu.memref_slice %arg6[%dma_start3A_70, %dma_start3A_71] : memref<32x128xi32, #tpu.memory_space<vmem>> -> memref<32x128xi32, #tpu.memory_space<vmem>>
          %dma_start3A_73 = arith.constant 0 : i32
          %dma_start3A_74 = tpu.memref_slice %arg3[%add3A_33, %dma_start3A_73] : memref<2560x128xi32, #tpu.memory_space<hbm>> -> memref<32x128xi32, #tpu.memory_space<hbm>>
          tpu.enqueue_dma source(%dma_start3A_74 : memref<32x128xi32, #tpu.memory_space<hbm>>) target(%dma_start3A_72 : memref<32x128xi32, #tpu.memory_space<vmem>>) target_semaphore(%run_scoped3A_64 : memref<!tpu.dma_semaphore, #tpu.memory_space<semaphore_mem>>)
          %dma_wait3A_75 = arith.constant 0 : i32
          %dma_wait3A_76 = arith.constant 0 : i32
          %dma_wait3A_77 = tpu.memref_slice %arg6[%dma_wait3A_75, %dma_wait3A_76] : memref<32x128xi32, #tpu.memory_space<vmem>> -> memref<32x128xi32, #tpu.memory_space<vmem>>
          %dma_wait3A_78 = arith.constant 0 : i32
          %dma_wait3A_79 = tpu.memref_slice %arg3[%add3A_33, %dma_wait3A_78] : memref<2560x128xi32, #tpu.memory_space<hbm>> -> memref<32x128xi32, #tpu.memory_space<hbm>>
          %dma_wait3A_80 = arith.constant 0 : i32
          %dma_wait3A_81 = arith.constant 0 : i32
          %dma_wait3A_82 = tpu.memref_slice %arg6[%dma_wait3A_80, %dma_wait3A_81] : memref<32x128xi32, #tpu.memory_space<vmem>> -> memref<32x128xi32, #tpu.memory_space<vmem>>
          %dma_wait3A_83 = arith.constant 0 : i32
          %dma_wait3A_84 = tpu.memref_slice %arg3[%add3A_33, %dma_wait3A_83] : memref<2560x128xi32, #tpu.memory_space<hbm>> -> memref<32x128xi32, #tpu.memory_space<hbm>>
          tpu.wait_dma2 semaphore(%run_scoped3A_64 : memref<!tpu.dma_semaphore, #tpu.memory_space<semaphore_mem>>) src(%dma_wait3A_84 : memref<32x128xi32, #tpu.memory_space<hbm>>) dst(%dma_wait3A_82 : memref<32x128xi32, #tpu.memory_space<vmem>>)
          tpu.yield
        }) : () -> ()
        "tpu.region"() ({
          %run_scoped3A_64 = tpu.sem_alloc : memref<!tpu.dma_semaphore, #tpu.memory_space<semaphore_mem>>
          %dma_start3A_65 = arith.constant 0 : i32
          %dma_start3A_66 = arith.constant 0 : i32
          %dma_start3A_67 = tpu.memref_slice %arg7[%dma_start3A_65, %dma_start3A_66] : memref<32x128xi32, #tpu.memory_space<vmem>> -> memref<32x128xi32, #tpu.memory_space<vmem>>
          %dma_start3A_68 = arith.constant 0 : i32
          %dma_start3A_69 = tpu.memref_slice %arg4[%add3A_33, %dma_start3A_68] : memref<2560x128xi32, #tpu.memory_space<hbm>> -> memref<32x128xi32, #tpu.memory_space<hbm>>
          %dma_start3A_70 = arith.constant 0 : i32
          %dma_start3A_71 = arith.constant 0 : i32
          %dma_start3A_72 = tpu.memref_slice %arg7[%dma_start3A_70, %dma_start3A_71] : memref<32x128xi32, #tpu.memory_space<vmem>> -> memref<32x128xi32, #tpu.memory_space<vmem>>
          %dma_start3A_73 = arith.constant 0 : i32
          %dma_start3A_74 = tpu.memref_slice %arg4[%add3A_33, %dma_start3A_73] : memref<2560x128xi32, #tpu.memory_space<hbm>> -> memref<32x128xi32, #tpu.memory_space<hbm>>
          tpu.enqueue_dma source(%dma_start3A_74 : memref<32x128xi32, #tpu.memory_space<hbm>>) target(%dma_start3A_72 : memref<32x128xi32, #tpu.memory_space<vmem>>) target_semaphore(%run_scoped3A_64 : memref<!tpu.dma_semaphore, #tpu.memory_space<semaphore_mem>>)
          %dma_wait3A_75 = arith.constant 0 : i32
          %dma_wait3A_76 = arith.constant 0 : i32
          %dma_wait3A_77 = tpu.memref_slice %arg7[%dma_wait3A_75, %dma_wait3A_76] : memref<32x128xi32, #tpu.memory_space<vmem>> -> memref<32x128xi32, #tpu.memory_space<vmem>>
          %dma_wait3A_78 = arith.constant 0 : i32
          %dma_wait3A_79 = tpu.memref_slice %arg4[%add3A_33, %dma_wait3A_78] : memref<2560x128xi32, #tpu.memory_space<hbm>> -> memref<32x128xi32, #tpu.memory_space<hbm>>
          %dma_wait3A_80 = arith.constant 0 : i32
          %dma_wait3A_81 = arith.constant 0 : i32
          %dma_wait3A_82 = tpu.memref_slice %arg7[%dma_wait3A_80, %dma_wait3A_81] : memref<32x128xi32, #tpu.memory_space<vmem>> -> memref<32x128xi32, #tpu.memory_space<vmem>>
          %dma_wait3A_83 = arith.constant 0 : i32
          %dma_wait3A_84 = tpu.memref_slice %arg4[%add3A_33, %dma_wait3A_83] : memref<2560x128xi32, #tpu.memory_space<hbm>> -> memref<32x128xi32, #tpu.memory_space<hbm>>
          tpu.wait_dma2 semaphore(%run_scoped3A_64 : memref<!tpu.dma_semaphore, #tpu.memory_space<semaphore_mem>>) src(%dma_wait3A_84 : memref<32x128xi32, #tpu.memory_space<hbm>>) dst(%dma_wait3A_82 : memref<32x128xi32, #tpu.memory_space<vmem>>)
          tpu.yield
        }) : () -> ()
        %dma_start3A = arith.constant 0 : i32
        %dma_start3A_34 = arith.constant 0 : i32
        %dma_start3A_35 = tpu.memref_slice %arg6[%dma_start3A, %dma_start3A_34] : memref<32x128xi32, #tpu.memory_space<vmem>> -> memref<1x128xi32, #tpu.memory_space<vmem>>
        %dma_start3A_36 = tpu.memref_squeeze %dma_start3A_35 : memref<1x128xi32, #tpu.memory_space<vmem>> -> memref<128xi32, #tpu.memory_space<vmem>>
        %dma_start3A_37 = arith.constant 0 : i32
        %dma_start3A_38 = arith.constant 0 : i32
        %dma_start3A_39 = tpu.memref_slice %arg2[%dma_start3A_37, %dma_start3A_38] : memref<10000x128xf32, #tpu.memory_space<hbm>> -> memref<10000x128xf32, #tpu.memory_space<hbm>>
        tpu.enqueue_indirect_dma source(%dma_start3A_39 : memref<10000x128xf32, #tpu.memory_space<hbm>>) target(%arg8 : memref<128x128xf32, #tpu.memory_space<vmem>>) offsets(%dma_start3A_36 : memref<128xi32, #tpu.memory_space<vmem>>) semaphore(%arg11 : memref<!tpu.dma_semaphore, #tpu.memory_space<semaphore_mem>>)
        %dma_start3A_40 = arith.constant 1 : i32
        %dma_start3A_41 = arith.constant 0 : i32
        %dma_start3A_42 = tpu.memref_slice %arg6[%dma_start3A_40, %dma_start3A_41] : memref<32x128xi32, #tpu.memory_space<vmem>> -> memref<1x128xi32, #tpu.memory_space<vmem>>
        %dma_start3A_43 = tpu.memref_squeeze %dma_start3A_42 : memref<1x128xi32, #tpu.memory_space<vmem>> -> memref<128xi32, #tpu.memory_space<vmem>>
        %dma_start3A_44 = arith.constant 0 : i32
        %dma_start3A_45 = arith.constant 0 : i32
        %dma_start3A_46 = tpu.memref_slice %arg2[%dma_start3A_44, %dma_start3A_45] : memref<10000x128xf32, #tpu.memory_space<hbm>> -> memref<10000x128xf32, #tpu.memory_space<hbm>>
        tpu.enqueue_indirect_dma source(%dma_start3A_46 : memref<10000x128xf32, #tpu.memory_space<hbm>>) target(%arg9 : memref<128x128xf32, #tpu.memory_space<vmem>>) offsets(%dma_start3A_43 : memref<128xi32, #tpu.memory_space<vmem>>) semaphore(%arg12 : memref<!tpu.dma_semaphore, #tpu.memory_space<semaphore_mem>>)
        %scan3A_47 = arith.constant 0 : i32
        %scan3A_48 = arith.constant 15 : i32
        %scan3A_49 = arith.addi %scan3A_47, %scan3A_48 : i32
        %scan3A_50 = arith.constant 1 : i32
        scf.for %scan3A_64 = %scan3A_47 to %scan3A_49 step %scan3A_50  : i32 {
          %mul3A_65 = arith.constant 2 : i32
          %mul3A_66 = arith.muli %scan3A_64, %mul3A_65 : i32
          %add3A_67 = arith.constant 0 : i32
          %add3A_68 = arith.addi %add3A_67, %mul3A_66 : i32
          %dma_wait3A_69 = arith.constant 0 : i32
          %dma_wait3A_70 = arith.constant 0 : i32
          %dma_wait3A_71 = tpu.memref_slice %arg2[%dma_wait3A_69, %dma_wait3A_70] : memref<10000x128xf32, #tpu.memory_space<hbm>> -> memref<128x128xf32, #tpu.memory_space<hbm>>
          %dma_wait3A_72 = arith.constant 0 : i32
          %dma_wait3A_73 = arith.constant 0 : i32
          %dma_wait3A_74 = tpu.memref_slice %arg2[%dma_wait3A_72, %dma_wait3A_73] : memref<10000x128xf32, #tpu.memory_space<hbm>> -> memref<128x128xf32, #tpu.memory_space<hbm>>
          tpu.wait_dma2 semaphore(%arg11 : memref<!tpu.dma_semaphore, #tpu.memory_space<semaphore_mem>>) src(%dma_wait3A_74 : memref<128x128xf32, #tpu.memory_space<hbm>>) dst(%arg8 : memref<128x128xf32, #tpu.memory_space<vmem>>)
          "tpu.region"() ({
            %run_scoped3A_99 = tpu.sem_alloc : memref<!tpu.dma_semaphore, #tpu.memory_space<semaphore_mem>>
            %dma_start3A_100 = arith.constant 0 : i32
            %dma_start3A_101 = tpu.memref_slice %arg7[%add3A_68, %dma_start3A_100] : memref<32x128xi32, #tpu.memory_space<vmem>> -> memref<1x128xi32, #tpu.memory_space<vmem>>
            %dma_start3A_102 = tpu.memref_squeeze %dma_start3A_101 : memref<1x128xi32, #tpu.memory_space<vmem>> -> memref<128xi32, #tpu.memory_space<vmem>>
            %dma_start3A_103 = arith.constant 0 : i32
            %dma_start3A_104 = arith.constant 0 : i32
            %dma_start3A_105 = tpu.memref_slice %arg10[%dma_start3A_103, %dma_start3A_104] : memref<10112x128xf32, #tpu.memory_space<vmem_shared>> -> memref<10112x128xf32, #tpu.memory_space<vmem_shared>>
            tpu.enqueue_indirect_dma source(%arg8 : memref<128x128xf32, #tpu.memory_space<vmem>>) target(%dma_start3A_105 : memref<10112x128xf32, #tpu.memory_space<vmem_shared>>) offsets(%dma_start3A_102 : memref<128xi32, #tpu.memory_space<vmem>>) semaphore(%run_scoped3A_99 : memref<!tpu.dma_semaphore, #tpu.memory_space<semaphore_mem>>) {add = true}
            %dma_wait3A_106 = arith.constant 0 : i32
            %dma_wait3A_107 = tpu.memref_slice %arg7[%add3A_68, %dma_wait3A_106] : memref<32x128xi32, #tpu.memory_space<vmem>> -> memref<1x128xi32, #tpu.memory_space<vmem>>
            %dma_wait3A_108 = tpu.memref_squeeze %dma_wait3A_107 : memref<1x128xi32, #tpu.memory_space<vmem>> -> memref<128xi32, #tpu.memory_space<vmem>>
            %dma_wait3A_109 = arith.constant 0 : i32
            %dma_wait3A_110 = arith.constant 0 : i32
            %dma_wait3A_111 = tpu.memref_slice %arg10[%dma_wait3A_109, %dma_wait3A_110] : memref<10112x128xf32, #tpu.memory_space<vmem_shared>> -> memref<10112x128xf32, #tpu.memory_space<vmem_shared>>
            tpu.wait_indirect_dma semaphore(%run_scoped3A_99 : memref<!tpu.dma_semaphore, #tpu.memory_space<semaphore_mem>>) src(%arg8 : memref<128x128xf32, #tpu.memory_space<vmem>>) dst(%dma_wait3A_111 : memref<10112x128xf32, #tpu.memory_space<vmem_shared>>)
            tpu.yield
          }) : () -> ()
          %add3A_75 = arith.constant 2 : i32
          %add3A_76 = arith.addi %add3A_68, %add3A_75 : i32
          %dma_start3A_77 = arith.constant 0 : i32
          %dma_start3A_78 = tpu.memref_slice %arg6[%add3A_76, %dma_start3A_77] : memref<32x128xi32, #tpu.memory_space<vmem>> -> memref<1x128xi32, #tpu.memory_space<vmem>>
          %dma_start3A_79 = tpu.memref_squeeze %dma_start3A_78 : memref<1x128xi32, #tpu.memory_space<vmem>> -> memref<128xi32, #tpu.memory_space<vmem>>
          %dma_start3A_80 = arith.constant 0 : i32
          %dma_start3A_81 = arith.constant 0 : i32
          %dma_start3A_82 = tpu.memref_slice %arg2[%dma_start3A_80, %dma_start3A_81] : memref<10000x128xf32, #tpu.memory_space<hbm>> -> memref<10000x128xf32, #tpu.memory_space<hbm>>
          tpu.enqueue_indirect_dma source(%dma_start3A_82 : memref<10000x128xf32, #tpu.memory_space<hbm>>) target(%arg8 : memref<128x128xf32, #tpu.memory_space<vmem>>) offsets(%dma_start3A_79 : memref<128xi32, #tpu.memory_space<vmem>>) semaphore(%arg11 : memref<!tpu.dma_semaphore, #tpu.memory_space<semaphore_mem>>)
          %dma_wait3A_83 = arith.constant 0 : i32
          %dma_wait3A_84 = arith.constant 0 : i32
          %dma_wait3A_85 = tpu.memref_slice %arg2[%dma_wait3A_83, %dma_wait3A_84] : memref<10000x128xf32, #tpu.memory_space<hbm>> -> memref<128x128xf32, #tpu.memory_space<hbm>>
          %dma_wait3A_86 = arith.constant 0 : i32
          %dma_wait3A_87 = arith.constant 0 : i32
          %dma_wait3A_88 = tpu.memref_slice %arg2[%dma_wait3A_86, %dma_wait3A_87] : memref<10000x128xf32, #tpu.memory_space<hbm>> -> memref<128x128xf32, #tpu.memory_space<hbm>>
          tpu.wait_dma2 semaphore(%arg12 : memref<!tpu.dma_semaphore, #tpu.memory_space<semaphore_mem>>) src(%dma_wait3A_88 : memref<128x128xf32, #tpu.memory_space<hbm>>) dst(%arg9 : memref<128x128xf32, #tpu.memory_space<vmem>>)
          %add3A_89 = arith.constant 1 : i32
          %add3A_90 = arith.addi %add3A_68, %add3A_89 : i32
          "tpu.region"() ({
            %run_scoped3A_99 = tpu.sem_alloc : memref<!tpu.dma_semaphore, #tpu.memory_space<semaphore_mem>>
            %dma_start3A_100 = arith.constant 0 : i32
            %dma_start3A_101 = tpu.memref_slice %arg7[%add3A_90, %dma_start3A_100] : memref<32x128xi32, #tpu.memory_space<vmem>> -> memref<1x128xi32, #tpu.memory_space<vmem>>
            %dma_start3A_102 = tpu.memref_squeeze %dma_start3A_101 : memref<1x128xi32, #tpu.memory_space<vmem>> -> memref<128xi32, #tpu.memory_space<vmem>>
            %dma_start3A_103 = arith.constant 0 : i32
            %dma_start3A_104 = arith.constant 0 : i32
            %dma_start3A_105 = tpu.memref_slice %arg10[%dma_start3A_103, %dma_start3A_104] : memref<10112x128xf32, #tpu.memory_space<vmem_shared>> -> memref<10112x128xf32, #tpu.memory_space<vmem_shared>>
            tpu.enqueue_indirect_dma source(%arg9 : memref<128x128xf32, #tpu.memory_space<vmem>>) target(%dma_start3A_105 : memref<10112x128xf32, #tpu.memory_space<vmem_shared>>) offsets(%dma_start3A_102 : memref<128xi32, #tpu.memory_space<vmem>>) semaphore(%run_scoped3A_99 : memref<!tpu.dma_semaphore, #tpu.memory_space<semaphore_mem>>) {add = true}
            %dma_wait3A_106 = arith.constant 0 : i32
            %dma_wait3A_107 = tpu.memref_slice %arg7[%add3A_90, %dma_wait3A_106] : memref<32x128xi32, #tpu.memory_space<vmem>> -> memref<1x128xi32, #tpu.memory_space<vmem>>
            %dma_wait3A_108 = tpu.memref_squeeze %dma_wait3A_107 : memref<1x128xi32, #tpu.memory_space<vmem>> -> memref<128xi32, #tpu.memory_space<vmem>>
            %dma_wait3A_109 = arith.constant 0 : i32
            %dma_wait3A_110 = arith.constant 0 : i32
            %dma_wait3A_111 = tpu.memref_slice %arg10[%dma_wait3A_109, %dma_wait3A_110] : memref<10112x128xf32, #tpu.memory_space<vmem_shared>> -> memref<10112x128xf32, #tpu.memory_space<vmem_shared>>
            tpu.wait_indirect_dma semaphore(%run_scoped3A_99 : memref<!tpu.dma_semaphore, #tpu.memory_space<semaphore_mem>>) src(%arg9 : memref<128x128xf32, #tpu.memory_space<vmem>>) dst(%dma_wait3A_111 : memref<10112x128xf32, #tpu.memory_space<vmem_shared>>)
            tpu.yield
          }) : () -> ()
          %add3A_91 = arith.constant 3 : i32
          %add3A_92 = arith.addi %add3A_68, %add3A_91 : i32
          %dma_start3A_93 = arith.constant 0 : i32
          %dma_start3A_94 = tpu.memref_slice %arg6[%add3A_92, %dma_start3A_93] : memref<32x128xi32, #tpu.memory_space<vmem>> -> memref<1x128xi32, #tpu.memory_space<vmem>>
          %dma_start3A_95 = tpu.memref_squeeze %dma_start3A_94 : memref<1x128xi32, #tpu.memory_space<vmem>> -> memref<128xi32, #tpu.memory_space<vmem>>
          %dma_start3A_96 = arith.constant 0 : i32
          %dma_start3A_97 = arith.constant 0 : i32
          %dma_start3A_98 = tpu.memref_slice %arg2[%dma_start3A_96, %dma_start3A_97] : memref<10000x128xf32, #tpu.memory_space<hbm>> -> memref<10000x128xf32, #tpu.memory_space<hbm>>
          tpu.enqueue_indirect_dma source(%dma_start3A_98 : memref<10000x128xf32, #tpu.memory_space<hbm>>) target(%arg9 : memref<128x128xf32, #tpu.memory_space<vmem>>) offsets(%dma_start3A_95 : memref<128xi32, #tpu.memory_space<vmem>>) semaphore(%arg12 : memref<!tpu.dma_semaphore, #tpu.memory_space<semaphore_mem>>)
        }
        %scan3A_51 = arith.constant 15 : i32
        %dma_wait3A = arith.constant 0 : i32
        %dma_wait3A_52 = arith.constant 0 : i32
        %dma_wait3A_53 = tpu.memref_slice %arg2[%dma_wait3A, %dma_wait3A_52] : memref<10000x128xf32, #tpu.memory_space<hbm>> -> memref<128x128xf32, #tpu.memory_space<hbm>>
        %dma_wait3A_54 = arith.constant 0 : i32
        %dma_wait3A_55 = arith.constant 0 : i32
        %dma_wait3A_56 = tpu.memref_slice %arg2[%dma_wait3A_54, %dma_wait3A_55] : memref<10000x128xf32, #tpu.memory_space<hbm>> -> memref<128x128xf32, #tpu.memory_space<hbm>>
        tpu.wait_dma2 semaphore(%arg11 : memref<!tpu.dma_semaphore, #tpu.memory_space<semaphore_mem>>) src(%dma_wait3A_56 : memref<128x128xf32, #tpu.memory_space<hbm>>) dst(%arg8 : memref<128x128xf32, #tpu.memory_space<vmem>>)
        %run_scoped3A = arith.constant 30 : i32
        "tpu.region"() ({
          %run_scoped3A_64 = tpu.sem_alloc : memref<!tpu.dma_semaphore, #tpu.memory_space<semaphore_mem>>
          %dma_start3A_65 = arith.constant 0 : i32
          %dma_start3A_66 = tpu.memref_slice %arg7[%run_scoped3A, %dma_start3A_65] : memref<32x128xi32, #tpu.memory_space<vmem>> -> memref<1x128xi32, #tpu.memory_space<vmem>>
          %dma_start3A_67 = tpu.memref_squeeze %dma_start3A_66 : memref<1x128xi32, #tpu.memory_space<vmem>> -> memref<128xi32, #tpu.memory_space<vmem>>
          %dma_start3A_68 = arith.constant 0 : i32
          %dma_start3A_69 = arith.constant 0 : i32
          %dma_start3A_70 = tpu.memref_slice %arg10[%dma_start3A_68, %dma_start3A_69] : memref<10112x128xf32, #tpu.memory_space<vmem_shared>> -> memref<10112x128xf32, #tpu.memory_space<vmem_shared>>
          tpu.enqueue_indirect_dma source(%arg8 : memref<128x128xf32, #tpu.memory_space<vmem>>) target(%dma_start3A_70 : memref<10112x128xf32, #tpu.memory_space<vmem_shared>>) offsets(%dma_start3A_67 : memref<128xi32, #tpu.memory_space<vmem>>) semaphore(%run_scoped3A_64 : memref<!tpu.dma_semaphore, #tpu.memory_space<semaphore_mem>>) {add = true}
          %dma_wait3A_71 = arith.constant 0 : i32
          %dma_wait3A_72 = tpu.memref_slice %arg7[%run_scoped3A, %dma_wait3A_71] : memref<32x128xi32, #tpu.memory_space<vmem>> -> memref<1x128xi32, #tpu.memory_space<vmem>>
          %dma_wait3A_73 = tpu.memref_squeeze %dma_wait3A_72 : memref<1x128xi32, #tpu.memory_space<vmem>> -> memref<128xi32, #tpu.memory_space<vmem>>
          %dma_wait3A_74 = arith.constant 0 : i32
          %dma_wait3A_75 = arith.constant 0 : i32
          %dma_wait3A_76 = tpu.memref_slice %arg10[%dma_wait3A_74, %dma_wait3A_75] : memref<10112x128xf32, #tpu.memory_space<vmem_shared>> -> memref<10112x128xf32, #tpu.memory_space<vmem_shared>>
          tpu.wait_indirect_dma semaphore(%run_scoped3A_64 : memref<!tpu.dma_semaphore, #tpu.memory_space<semaphore_mem>>) src(%arg8 : memref<128x128xf32, #tpu.memory_space<vmem>>) dst(%dma_wait3A_76 : memref<10112x128xf32, #tpu.memory_space<vmem_shared>>)
          tpu.yield
        }) : () -> ()
        %dma_wait3A_57 = arith.constant 0 : i32
        %dma_wait3A_58 = arith.constant 0 : i32
        %dma_wait3A_59 = tpu.memref_slice %arg2[%dma_wait3A_57, %dma_wait3A_58] : memref<10000x128xf32, #tpu.memory_space<hbm>> -> memref<128x128xf32, #tpu.memory_space<hbm>>
        %dma_wait3A_60 = arith.constant 0 : i32
        %dma_wait3A_61 = arith.constant 0 : i32
        %dma_wait3A_62 = tpu.memref_slice %arg2[%dma_wait3A_60, %dma_wait3A_61] : memref<10000x128xf32, #tpu.memory_space<hbm>> -> memref<128x128xf32, #tpu.memory_space<hbm>>
        tpu.wait_dma2 semaphore(%arg12 : memref<!tpu.dma_semaphore, #tpu.memory_space<semaphore_mem>>) src(%dma_wait3A_62 : memref<128x128xf32, #tpu.memory_space<hbm>>) dst(%arg9 : memref<128x128xf32, #tpu.memory_space<vmem>>)
        %run_scoped3A_63 = arith.constant 31 : i32
        "tpu.region"() ({
          %run_scoped3A_64 = tpu.sem_alloc : memref<!tpu.dma_semaphore, #tpu.memory_space<semaphore_mem>>
          %dma_start3A_65 = arith.constant 0 : i32
          %dma_start3A_66 = tpu.memref_slice %arg7[%run_scoped3A_63, %dma_start3A_65] : memref<32x128xi32, #tpu.memory_space<vmem>> -> memref<1x128xi32, #tpu.memory_space<vmem>>
          %dma_start3A_67 = tpu.memref_squeeze %dma_start3A_66 : memref<1x128xi32, #tpu.memory_space<vmem>> -> memref<128xi32, #tpu.memory_space<vmem>>
          %dma_start3A_68 = arith.constant 0 : i32
          %dma_start3A_69 = arith.constant 0 : i32
          %dma_start3A_70 = tpu.memref_slice %arg10[%dma_start3A_68, %dma_start3A_69] : memref<10112x128xf32, #tpu.memory_space<vmem_shared>> -> memref<10112x128xf32, #tpu.memory_space<vmem_shared>>
          tpu.enqueue_indirect_dma source(%arg9 : memref<128x128xf32, #tpu.memory_space<vmem>>) target(%dma_start3A_70 : memref<10112x128xf32, #tpu.memory_space<vmem_shared>>) offsets(%dma_start3A_67 : memref<128xi32, #tpu.memory_space<vmem>>) semaphore(%run_scoped3A_64 : memref<!tpu.dma_semaphore, #tpu.memory_space<semaphore_mem>>) {add = true}
          %dma_wait3A_71 = arith.constant 0 : i32
          %dma_wait3A_72 = tpu.memref_slice %arg7[%run_scoped3A_63, %dma_wait3A_71] : memref<32x128xi32, #tpu.memory_space<vmem>> -> memref<1x128xi32, #tpu.memory_space<vmem>>
          %dma_wait3A_73 = tpu.memref_squeeze %dma_wait3A_72 : memref<1x128xi32, #tpu.memory_space<vmem>> -> memref<128xi32, #tpu.memory_space<vmem>>
          %dma_wait3A_74 = arith.constant 0 : i32
          %dma_wait3A_75 = arith.constant 0 : i32
          %dma_wait3A_76 = tpu.memref_slice %arg10[%dma_wait3A_74, %dma_wait3A_75] : memref<10112x128xf32, #tpu.memory_space<vmem_shared>> -> memref<10112x128xf32, #tpu.memory_space<vmem_shared>>
          tpu.wait_indirect_dma semaphore(%run_scoped3A_64 : memref<!tpu.dma_semaphore, #tpu.memory_space<semaphore_mem>>) src(%arg9 : memref<128x128xf32, #tpu.memory_space<vmem>>) dst(%dma_wait3A_76 : memref<10112x128xf32, #tpu.memory_space<vmem_shared>>)
          tpu.yield
        }) : () -> ()
      }
      %scan3A_25 = arith.constant 4 : i32
    } else {
    }
    %ne3A = arith.constant 1 : i32
    %ne3A_14 = arith.cmpi ne, %arg0, %ne3A : i32
    %convert_element_type3A_15 = arith.extui %ne3A_14 : i1 to i32
    %cond3A_16 = arith.constant 0 : i32
    %cond3A_17 = arith.cmpi ne, %convert_element_type3A_15, %cond3A_16 : i32
    scf.if %cond3A_17 {
      %mul3A_19 = arith.constant 32 : i32
      %mul3A_20 = arith.muli %arg1, %mul3A_19 : i32
      %add3A_21 = arith.constant 2048 : i32
      %add3A_22 = arith.addi %add3A_21, %mul3A_20 : i32
      %scan3A_23 = arith.constant 0 : i32
      %mul3A_24 = arith.constant 1 : i32
      %mul3A_25 = arith.muli %scan3A_23, %mul3A_24 : i32
      %add3A_26 = arith.constant 0 : i32
      %add3A_27 = arith.addi %add3A_26, %mul3A_25 : i32
      %mul3A_28 = arith.constant 32 : i32
      %mul3A_29 = arith.muli %add3A_27, %mul3A_28 : i32
      %add3A_30 = arith.addi %add3A_22, %mul3A_29 : i32
      "tpu.region"() ({
        %run_scoped3A_62 = tpu.sem_alloc : memref<!tpu.dma_semaphore, #tpu.memory_space<semaphore_mem>>
        %dma_start3A_63 = arith.constant 0 : i32
        %dma_start3A_64 = arith.constant 0 : i32
        %dma_start3A_65 = tpu.memref_slice %arg6[%dma_start3A_63, %dma_start3A_64] : memref<32x128xi32, #tpu.memory_space<vmem>> -> memref<32x128xi32, #tpu.memory_space<vmem>>
        %dma_start3A_66 = arith.constant 0 : i32
        %dma_start3A_67 = tpu.memref_slice %arg3[%add3A_30, %dma_start3A_66] : memref<2560x128xi32, #tpu.memory_space<hbm>> -> memref<32x128xi32, #tpu.memory_space<hbm>>
        %dma_start3A_68 = arith.constant 0 : i32
        %dma_start3A_69 = arith.constant 0 : i32
        %dma_start3A_70 = tpu.memref_slice %arg6[%dma_start3A_68, %dma_start3A_69] : memref<32x128xi32, #tpu.memory_space<vmem>> -> memref<32x128xi32, #tpu.memory_space<vmem>>
        %dma_start3A_71 = arith.constant 0 : i32
        %dma_start3A_72 = tpu.memref_slice %arg3[%add3A_30, %dma_start3A_71] : memref<2560x128xi32, #tpu.memory_space<hbm>> -> memref<32x128xi32, #tpu.memory_space<hbm>>
        tpu.enqueue_dma source(%dma_start3A_72 : memref<32x128xi32, #tpu.memory_space<hbm>>) target(%dma_start3A_70 : memref<32x128xi32, #tpu.memory_space<vmem>>) target_semaphore(%run_scoped3A_62 : memref<!tpu.dma_semaphore, #tpu.memory_space<semaphore_mem>>)
        %dma_wait3A_73 = arith.constant 0 : i32
        %dma_wait3A_74 = arith.constant 0 : i32
        %dma_wait3A_75 = tpu.memref_slice %arg6[%dma_wait3A_73, %dma_wait3A_74] : memref<32x128xi32, #tpu.memory_space<vmem>> -> memref<32x128xi32, #tpu.memory_space<vmem>>
        %dma_wait3A_76 = arith.constant 0 : i32
        %dma_wait3A_77 = tpu.memref_slice %arg3[%add3A_30, %dma_wait3A_76] : memref<2560x128xi32, #tpu.memory_space<hbm>> -> memref<32x128xi32, #tpu.memory_space<hbm>>
        %dma_wait3A_78 = arith.constant 0 : i32
        %dma_wait3A_79 = arith.constant 0 : i32
        %dma_wait3A_80 = tpu.memref_slice %arg6[%dma_wait3A_78, %dma_wait3A_79] : memref<32x128xi32, #tpu.memory_space<vmem>> -> memref<32x128xi32, #tpu.memory_space<vmem>>
        %dma_wait3A_81 = arith.constant 0 : i32
        %dma_wait3A_82 = tpu.memref_slice %arg3[%add3A_30, %dma_wait3A_81] : memref<2560x128xi32, #tpu.memory_space<hbm>> -> memref<32x128xi32, #tpu.memory_space<hbm>>
        tpu.wait_dma2 semaphore(%run_scoped3A_62 : memref<!tpu.dma_semaphore, #tpu.memory_space<semaphore_mem>>) src(%dma_wait3A_82 : memref<32x128xi32, #tpu.memory_space<hbm>>) dst(%dma_wait3A_80 : memref<32x128xi32, #tpu.memory_space<vmem>>)
        tpu.yield
      }) : () -> ()
      "tpu.region"() ({
        %run_scoped3A_62 = tpu.sem_alloc : memref<!tpu.dma_semaphore, #tpu.memory_space<semaphore_mem>>
        %dma_start3A_63 = arith.constant 0 : i32
        %dma_start3A_64 = arith.constant 0 : i32
        %dma_start3A_65 = tpu.memref_slice %arg7[%dma_start3A_63, %dma_start3A_64] : memref<32x128xi32, #tpu.memory_space<vmem>> -> memref<32x128xi32, #tpu.memory_space<vmem>>
        %dma_start3A_66 = arith.constant 0 : i32
        %dma_start3A_67 = tpu.memref_slice %arg4[%add3A_30, %dma_start3A_66] : memref<2560x128xi32, #tpu.memory_space<hbm>> -> memref<32x128xi32, #tpu.memory_space<hbm>>
        %dma_start3A_68 = arith.constant 0 : i32
        %dma_start3A_69 = arith.constant 0 : i32
        %dma_start3A_70 = tpu.memref_slice %arg7[%dma_start3A_68, %dma_start3A_69] : memref<32x128xi32, #tpu.memory_space<vmem>> -> memref<32x128xi32, #tpu.memory_space<vmem>>
        %dma_start3A_71 = arith.constant 0 : i32
        %dma_start3A_72 = tpu.memref_slice %arg4[%add3A_30, %dma_start3A_71] : memref<2560x128xi32, #tpu.memory_space<hbm>> -> memref<32x128xi32, #tpu.memory_space<hbm>>
        tpu.enqueue_dma source(%dma_start3A_72 : memref<32x128xi32, #tpu.memory_space<hbm>>) target(%dma_start3A_70 : memref<32x128xi32, #tpu.memory_space<vmem>>) target_semaphore(%run_scoped3A_62 : memref<!tpu.dma_semaphore, #tpu.memory_space<semaphore_mem>>)
        %dma_wait3A_73 = arith.constant 0 : i32
        %dma_wait3A_74 = arith.constant 0 : i32
        %dma_wait3A_75 = tpu.memref_slice %arg7[%dma_wait3A_73, %dma_wait3A_74] : memref<32x128xi32, #tpu.memory_space<vmem>> -> memref<32x128xi32, #tpu.memory_space<vmem>>
        %dma_wait3A_76 = arith.constant 0 : i32
        %dma_wait3A_77 = tpu.memref_slice %arg4[%add3A_30, %dma_wait3A_76] : memref<2560x128xi32, #tpu.memory_space<hbm>> -> memref<32x128xi32, #tpu.memory_space<hbm>>
        %dma_wait3A_78 = arith.constant 0 : i32
        %dma_wait3A_79 = arith.constant 0 : i32
        %dma_wait3A_80 = tpu.memref_slice %arg7[%dma_wait3A_78, %dma_wait3A_79] : memref<32x128xi32, #tpu.memory_space<vmem>> -> memref<32x128xi32, #tpu.memory_space<vmem>>
        %dma_wait3A_81 = arith.constant 0 : i32
        %dma_wait3A_82 = tpu.memref_slice %arg4[%add3A_30, %dma_wait3A_81] : memref<2560x128xi32, #tpu.memory_space<hbm>> -> memref<32x128xi32, #tpu.memory_space<hbm>>
        tpu.wait_dma2 semaphore(%run_scoped3A_62 : memref<!tpu.dma_semaphore, #tpu.memory_space<semaphore_mem>>) src(%dma_wait3A_82 : memref<32x128xi32, #tpu.memory_space<hbm>>) dst(%dma_wait3A_80 : memref<32x128xi32, #tpu.memory_space<vmem>>)
        tpu.yield
      }) : () -> ()
      %dma_start3A = arith.constant 0 : i32
      %dma_start3A_31 = arith.constant 0 : i32
      %dma_start3A_32 = tpu.memref_slice %arg6[%dma_start3A, %dma_start3A_31] : memref<32x128xi32, #tpu.memory_space<vmem>> -> memref<1x128xi32, #tpu.memory_space<vmem>>
      %dma_start3A_33 = tpu.memref_squeeze %dma_start3A_32 : memref<1x128xi32, #tpu.memory_space<vmem>> -> memref<128xi32, #tpu.memory_space<vmem>>
      %dma_start3A_34 = arith.constant 0 : i32
      %dma_start3A_35 = arith.constant 0 : i32
      %dma_start3A_36 = tpu.memref_slice %arg2[%dma_start3A_34, %dma_start3A_35] : memref<10000x128xf32, #tpu.memory_space<hbm>> -> memref<10000x128xf32, #tpu.memory_space<hbm>>
      tpu.enqueue_indirect_dma source(%dma_start3A_36 : memref<10000x128xf32, #tpu.memory_space<hbm>>) target(%arg8 : memref<128x128xf32, #tpu.memory_space<vmem>>) offsets(%dma_start3A_33 : memref<128xi32, #tpu.memory_space<vmem>>) semaphore(%arg11 : memref<!tpu.dma_semaphore, #tpu.memory_space<semaphore_mem>>)
      %dma_start3A_37 = arith.constant 1 : i32
      %dma_start3A_38 = arith.constant 0 : i32
      %dma_start3A_39 = tpu.memref_slice %arg6[%dma_start3A_37, %dma_start3A_38] : memref<32x128xi32, #tpu.memory_space<vmem>> -> memref<1x128xi32, #tpu.memory_space<vmem>>
      %dma_start3A_40 = tpu.memref_squeeze %dma_start3A_39 : memref<1x128xi32, #tpu.memory_space<vmem>> -> memref<128xi32, #tpu.memory_space<vmem>>
      %dma_start3A_41 = arith.constant 0 : i32
      %dma_start3A_42 = arith.constant 0 : i32
      %dma_start3A_43 = tpu.memref_slice %arg2[%dma_start3A_41, %dma_start3A_42] : memref<10000x128xf32, #tpu.memory_space<hbm>> -> memref<10000x128xf32, #tpu.memory_space<hbm>>
      tpu.enqueue_indirect_dma source(%dma_start3A_43 : memref<10000x128xf32, #tpu.memory_space<hbm>>) target(%arg9 : memref<128x128xf32, #tpu.memory_space<vmem>>) offsets(%dma_start3A_40 : memref<128xi32, #tpu.memory_space<vmem>>) semaphore(%arg12 : memref<!tpu.dma_semaphore, #tpu.memory_space<semaphore_mem>>)
      %scan3A_44 = arith.constant 0 : i32
      %scan3A_45 = arith.constant 15 : i32
      %scan3A_46 = arith.addi %scan3A_44, %scan3A_45 : i32
      %scan3A_47 = arith.constant 1 : i32
      scf.for %scan3A_62 = %scan3A_44 to %scan3A_46 step %scan3A_47  : i32 {
        %mul3A_63 = arith.constant 2 : i32
        %mul3A_64 = arith.muli %scan3A_62, %mul3A_63 : i32
        %add3A_65 = arith.constant 0 : i32
        %add3A_66 = arith.addi %add3A_65, %mul3A_64 : i32
        %dma_wait3A_67 = arith.constant 0 : i32
        %dma_wait3A_68 = arith.constant 0 : i32
        %dma_wait3A_69 = tpu.memref_slice %arg2[%dma_wait3A_67, %dma_wait3A_68] : memref<10000x128xf32, #tpu.memory_space<hbm>> -> memref<128x128xf32, #tpu.memory_space<hbm>>
        %dma_wait3A_70 = arith.constant 0 : i32
        %dma_wait3A_71 = arith.constant 0 : i32
        %dma_wait3A_72 = tpu.memref_slice %arg2[%dma_wait3A_70, %dma_wait3A_71] : memref<10000x128xf32, #tpu.memory_space<hbm>> -> memref<128x128xf32, #tpu.memory_space<hbm>>
        tpu.wait_dma2 semaphore(%arg11 : memref<!tpu.dma_semaphore, #tpu.memory_space<semaphore_mem>>) src(%dma_wait3A_72 : memref<128x128xf32, #tpu.memory_space<hbm>>) dst(%arg8 : memref<128x128xf32, #tpu.memory_space<vmem>>)
        "tpu.region"() ({
          %run_scoped3A_97 = tpu.sem_alloc : memref<!tpu.dma_semaphore, #tpu.memory_space<semaphore_mem>>
          %dma_start3A_98 = arith.constant 0 : i32
          %dma_start3A_99 = tpu.memref_slice %arg7[%add3A_66, %dma_start3A_98] : memref<32x128xi32, #tpu.memory_space<vmem>> -> memref<1x128xi32, #tpu.memory_space<vmem>>
          %dma_start3A_100 = tpu.memref_squeeze %dma_start3A_99 : memref<1x128xi32, #tpu.memory_space<vmem>> -> memref<128xi32, #tpu.memory_space<vmem>>
          %dma_start3A_101 = arith.constant 0 : i32
          %dma_start3A_102 = arith.constant 0 : i32
          %dma_start3A_103 = tpu.memref_slice %arg10[%dma_start3A_101, %dma_start3A_102] : memref<10112x128xf32, #tpu.memory_space<vmem_shared>> -> memref<10112x128xf32, #tpu.memory_space<vmem_shared>>
          tpu.enqueue_indirect_dma source(%arg8 : memref<128x128xf32, #tpu.memory_space<vmem>>) target(%dma_start3A_103 : memref<10112x128xf32, #tpu.memory_space<vmem_shared>>) offsets(%dma_start3A_100 : memref<128xi32, #tpu.memory_space<vmem>>) semaphore(%run_scoped3A_97 : memref<!tpu.dma_semaphore, #tpu.memory_space<semaphore_mem>>) {add = true}
          %dma_wait3A_104 = arith.constant 0 : i32
          %dma_wait3A_105 = tpu.memref_slice %arg7[%add3A_66, %dma_wait3A_104] : memref<32x128xi32, #tpu.memory_space<vmem>> -> memref<1x128xi32, #tpu.memory_space<vmem>>
          %dma_wait3A_106 = tpu.memref_squeeze %dma_wait3A_105 : memref<1x128xi32, #tpu.memory_space<vmem>> -> memref<128xi32, #tpu.memory_space<vmem>>
          %dma_wait3A_107 = arith.constant 0 : i32
          %dma_wait3A_108 = arith.constant 0 : i32
          %dma_wait3A_109 = tpu.memref_slice %arg10[%dma_wait3A_107, %dma_wait3A_108] : memref<10112x128xf32, #tpu.memory_space<vmem_shared>> -> memref<10112x128xf32, #tpu.memory_space<vmem_shared>>
          tpu.wait_indirect_dma semaphore(%run_scoped3A_97 : memref<!tpu.dma_semaphore, #tpu.memory_space<semaphore_mem>>) src(%arg8 : memref<128x128xf32, #tpu.memory_space<vmem>>) dst(%dma_wait3A_109 : memref<10112x128xf32, #tpu.memory_space<vmem_shared>>)
          tpu.yield
        }) : () -> ()
        %add3A_73 = arith.constant 2 : i32
        %add3A_74 = arith.addi %add3A_66, %add3A_73 : i32
        %dma_start3A_75 = arith.constant 0 : i32
        %dma_start3A_76 = tpu.memref_slice %arg6[%add3A_74, %dma_start3A_75] : memref<32x128xi32, #tpu.memory_space<vmem>> -> memref<1x128xi32, #tpu.memory_space<vmem>>
        %dma_start3A_77 = tpu.memref_squeeze %dma_start3A_76 : memref<1x128xi32, #tpu.memory_space<vmem>> -> memref<128xi32, #tpu.memory_space<vmem>>
        %dma_start3A_78 = arith.constant 0 : i32
        %dma_start3A_79 = arith.constant 0 : i32
        %dma_start3A_80 = tpu.memref_slice %arg2[%dma_start3A_78, %dma_start3A_79] : memref<10000x128xf32, #tpu.memory_space<hbm>> -> memref<10000x128xf32, #tpu.memory_space<hbm>>
        tpu.enqueue_indirect_dma source(%dma_start3A_80 : memref<10000x128xf32, #tpu.memory_space<hbm>>) target(%arg8 : memref<128x128xf32, #tpu.memory_space<vmem>>) offsets(%dma_start3A_77 : memref<128xi32, #tpu.memory_space<vmem>>) semaphore(%arg11 : memref<!tpu.dma_semaphore, #tpu.memory_space<semaphore_mem>>)
        %dma_wait3A_81 = arith.constant 0 : i32
        %dma_wait3A_82 = arith.constant 0 : i32
        %dma_wait3A_83 = tpu.memref_slice %arg2[%dma_wait3A_81, %dma_wait3A_82] : memref<10000x128xf32, #tpu.memory_space<hbm>> -> memref<128x128xf32, #tpu.memory_space<hbm>>
        %dma_wait3A_84 = arith.constant 0 : i32
        %dma_wait3A_85 = arith.constant 0 : i32
        %dma_wait3A_86 = tpu.memref_slice %arg2[%dma_wait3A_84, %dma_wait3A_85] : memref<10000x128xf32, #tpu.memory_space<hbm>> -> memref<128x128xf32, #tpu.memory_space<hbm>>
        tpu.wait_dma2 semaphore(%arg12 : memref<!tpu.dma_semaphore, #tpu.memory_space<semaphore_mem>>) src(%dma_wait3A_86 : memref<128x128xf32, #tpu.memory_space<hbm>>) dst(%arg9 : memref<128x128xf32, #tpu.memory_space<vmem>>)
        %add3A_87 = arith.constant 1 : i32
        %add3A_88 = arith.addi %add3A_66, %add3A_87 : i32
        "tpu.region"() ({
          %run_scoped3A_97 = tpu.sem_alloc : memref<!tpu.dma_semaphore, #tpu.memory_space<semaphore_mem>>
          %dma_start3A_98 = arith.constant 0 : i32
          %dma_start3A_99 = tpu.memref_slice %arg7[%add3A_88, %dma_start3A_98] : memref<32x128xi32, #tpu.memory_space<vmem>> -> memref<1x128xi32, #tpu.memory_space<vmem>>
          %dma_start3A_100 = tpu.memref_squeeze %dma_start3A_99 : memref<1x128xi32, #tpu.memory_space<vmem>> -> memref<128xi32, #tpu.memory_space<vmem>>
          %dma_start3A_101 = arith.constant 0 : i32
          %dma_start3A_102 = arith.constant 0 : i32
          %dma_start3A_103 = tpu.memref_slice %arg10[%dma_start3A_101, %dma_start3A_102] : memref<10112x128xf32, #tpu.memory_space<vmem_shared>> -> memref<10112x128xf32, #tpu.memory_space<vmem_shared>>
          tpu.enqueue_indirect_dma source(%arg9 : memref<128x128xf32, #tpu.memory_space<vmem>>) target(%dma_start3A_103 : memref<10112x128xf32, #tpu.memory_space<vmem_shared>>) offsets(%dma_start3A_100 : memref<128xi32, #tpu.memory_space<vmem>>) semaphore(%run_scoped3A_97 : memref<!tpu.dma_semaphore, #tpu.memory_space<semaphore_mem>>) {add = true}
          %dma_wait3A_104 = arith.constant 0 : i32
          %dma_wait3A_105 = tpu.memref_slice %arg7[%add3A_88, %dma_wait3A_104] : memref<32x128xi32, #tpu.memory_space<vmem>> -> memref<1x128xi32, #tpu.memory_space<vmem>>
          %dma_wait3A_106 = tpu.memref_squeeze %dma_wait3A_105 : memref<1x128xi32, #tpu.memory_space<vmem>> -> memref<128xi32, #tpu.memory_space<vmem>>
          %dma_wait3A_107 = arith.constant 0 : i32
          %dma_wait3A_108 = arith.constant 0 : i32
          %dma_wait3A_109 = tpu.memref_slice %arg10[%dma_wait3A_107, %dma_wait3A_108] : memref<10112x128xf32, #tpu.memory_space<vmem_shared>> -> memref<10112x128xf32, #tpu.memory_space<vmem_shared>>
          tpu.wait_indirect_dma semaphore(%run_scoped3A_97 : memref<!tpu.dma_semaphore, #tpu.memory_space<semaphore_mem>>) src(%arg9 : memref<128x128xf32, #tpu.memory_space<vmem>>) dst(%dma_wait3A_109 : memref<10112x128xf32, #tpu.memory_space<vmem_shared>>)
          tpu.yield
        }) : () -> ()
        %add3A_89 = arith.constant 3 : i32
        %add3A_90 = arith.addi %add3A_66, %add3A_89 : i32
        %dma_start3A_91 = arith.constant 0 : i32
        %dma_start3A_92 = tpu.memref_slice %arg6[%add3A_90, %dma_start3A_91] : memref<32x128xi32, #tpu.memory_space<vmem>> -> memref<1x128xi32, #tpu.memory_space<vmem>>
        %dma_start3A_93 = tpu.memref_squeeze %dma_start3A_92 : memref<1x128xi32, #tpu.memory_space<vmem>> -> memref<128xi32, #tpu.memory_space<vmem>>
        %dma_start3A_94 = arith.constant 0 : i32
        %dma_start3A_95 = arith.constant 0 : i32
        %dma_start3A_96 = tpu.memref_slice %arg2[%dma_start3A_94, %dma_start3A_95] : memref<10000x128xf32, #tpu.memory_space<hbm>> -> memref<10000x128xf32, #tpu.memory_space<hbm>>
        tpu.enqueue_indirect_dma source(%dma_start3A_96 : memref<10000x128xf32, #tpu.memory_space<hbm>>) target(%arg9 : memref<128x128xf32, #tpu.memory_space<vmem>>) offsets(%dma_start3A_93 : memref<128xi32, #tpu.memory_space<vmem>>) semaphore(%arg12 : memref<!tpu.dma_semaphore, #tpu.memory_space<semaphore_mem>>)
      }
      %scan3A_48 = arith.constant 15 : i32
      %dma_wait3A = arith.constant 0 : i32
      %dma_wait3A_49 = arith.constant 0 : i32
      %dma_wait3A_50 = tpu.memref_slice %arg2[%dma_wait3A, %dma_wait3A_49] : memref<10000x128xf32, #tpu.memory_space<hbm>> -> memref<128x128xf32, #tpu.memory_space<hbm>>
      %dma_wait3A_51 = arith.constant 0 : i32
      %dma_wait3A_52 = arith.constant 0 : i32
      %dma_wait3A_53 = tpu.memref_slice %arg2[%dma_wait3A_51, %dma_wait3A_52] : memref<10000x128xf32, #tpu.memory_space<hbm>> -> memref<128x128xf32, #tpu.memory_space<hbm>>
      tpu.wait_dma2 semaphore(%arg11 : memref<!tpu.dma_semaphore, #tpu.memory_space<semaphore_mem>>) src(%dma_wait3A_53 : memref<128x128xf32, #tpu.memory_space<hbm>>) dst(%arg8 : memref<128x128xf32, #tpu.memory_space<vmem>>)
      %run_scoped3A = arith.constant 30 : i32
      "tpu.region"() ({
        %run_scoped3A_62 = tpu.sem_alloc : memref<!tpu.dma_semaphore, #tpu.memory_space<semaphore_mem>>
        %dma_start3A_63 = arith.constant 0 : i32
        %dma_start3A_64 = tpu.memref_slice %arg7[%run_scoped3A, %dma_start3A_63] : memref<32x128xi32, #tpu.memory_space<vmem>> -> memref<1x128xi32, #tpu.memory_space<vmem>>
        %dma_start3A_65 = tpu.memref_squeeze %dma_start3A_64 : memref<1x128xi32, #tpu.memory_space<vmem>> -> memref<128xi32, #tpu.memory_space<vmem>>
        %dma_start3A_66 = arith.constant 0 : i32
        %dma_start3A_67 = arith.constant 0 : i32
        %dma_start3A_68 = tpu.memref_slice %arg10[%dma_start3A_66, %dma_start3A_67] : memref<10112x128xf32, #tpu.memory_space<vmem_shared>> -> memref<10112x128xf32, #tpu.memory_space<vmem_shared>>
        tpu.enqueue_indirect_dma source(%arg8 : memref<128x128xf32, #tpu.memory_space<vmem>>) target(%dma_start3A_68 : memref<10112x128xf32, #tpu.memory_space<vmem_shared>>) offsets(%dma_start3A_65 : memref<128xi32, #tpu.memory_space<vmem>>) semaphore(%run_scoped3A_62 : memref<!tpu.dma_semaphore, #tpu.memory_space<semaphore_mem>>) {add = true}
        %dma_wait3A_69 = arith.constant 0 : i32
        %dma_wait3A_70 = tpu.memref_slice %arg7[%run_scoped3A, %dma_wait3A_69] : memref<32x128xi32, #tpu.memory_space<vmem>> -> memref<1x128xi32, #tpu.memory_space<vmem>>
        %dma_wait3A_71 = tpu.memref_squeeze %dma_wait3A_70 : memref<1x128xi32, #tpu.memory_space<vmem>> -> memref<128xi32, #tpu.memory_space<vmem>>
        %dma_wait3A_72 = arith.constant 0 : i32
        %dma_wait3A_73 = arith.constant 0 : i32
        %dma_wait3A_74 = tpu.memref_slice %arg10[%dma_wait3A_72, %dma_wait3A_73] : memref<10112x128xf32, #tpu.memory_space<vmem_shared>> -> memref<10112x128xf32, #tpu.memory_space<vmem_shared>>
        tpu.wait_indirect_dma semaphore(%run_scoped3A_62 : memref<!tpu.dma_semaphore, #tpu.memory_space<semaphore_mem>>) src(%arg8 : memref<128x128xf32, #tpu.memory_space<vmem>>) dst(%dma_wait3A_74 : memref<10112x128xf32, #tpu.memory_space<vmem_shared>>)
        tpu.yield
      }) : () -> ()
      %dma_wait3A_54 = arith.constant 0 : i32
      %dma_wait3A_55 = arith.constant 0 : i32
      %dma_wait3A_56 = tpu.memref_slice %arg2[%dma_wait3A_54, %dma_wait3A_55] : memref<10000x128xf32, #tpu.memory_space<hbm>> -> memref<128x128xf32, #tpu.memory_space<hbm>>
      %dma_wait3A_57 = arith.constant 0 : i32
      %dma_wait3A_58 = arith.constant 0 : i32
      %dma_wait3A_59 = tpu.memref_slice %arg2[%dma_wait3A_57, %dma_wait3A_58] : memref<10000x128xf32, #tpu.memory_space<hbm>> -> memref<128x128xf32, #tpu.memory_space<hbm>>
      tpu.wait_dma2 semaphore(%arg12 : memref<!tpu.dma_semaphore, #tpu.memory_space<semaphore_mem>>) src(%dma_wait3A_59 : memref<128x128xf32, #tpu.memory_space<hbm>>) dst(%arg9 : memref<128x128xf32, #tpu.memory_space<vmem>>)
      %run_scoped3A_60 = arith.constant 31 : i32
      "tpu.region"() ({
        %run_scoped3A_62 = tpu.sem_alloc : memref<!tpu.dma_semaphore, #tpu.memory_space<semaphore_mem>>
        %dma_start3A_63 = arith.constant 0 : i32
        %dma_start3A_64 = tpu.memref_slice %arg7[%run_scoped3A_60, %dma_start3A_63] : memref<32x128xi32, #tpu.memory_space<vmem>> -> memref<1x128xi32, #tpu.memory_space<vmem>>
        %dma_start3A_65 = tpu.memref_squeeze %dma_start3A_64 : memref<1x128xi32, #tpu.memory_space<vmem>> -> memref<128xi32, #tpu.memory_space<vmem>>
        %dma_start3A_66 = arith.constant 0 : i32
        %dma_start3A_67 = arith.constant 0 : i32
        %dma_start3A_68 = tpu.memref_slice %arg10[%dma_start3A_66, %dma_start3A_67] : memref<10112x128xf32, #tpu.memory_space<vmem_shared>> -> memref<10112x128xf32, #tpu.memory_space<vmem_shared>>
        tpu.enqueue_indirect_dma source(%arg9 : memref<128x128xf32, #tpu.memory_space<vmem>>) target(%dma_start3A_68 : memref<10112x128xf32, #tpu.memory_space<vmem_shared>>) offsets(%dma_start3A_65 : memref<128xi32, #tpu.memory_space<vmem>>) semaphore(%run_scoped3A_62 : memref<!tpu.dma_semaphore, #tpu.memory_space<semaphore_mem>>) {add = true}
        %dma_wait3A_69 = arith.constant 0 : i32
        %dma_wait3A_70 = tpu.memref_slice %arg7[%run_scoped3A_60, %dma_wait3A_69] : memref<32x128xi32, #tpu.memory_space<vmem>> -> memref<1x128xi32, #tpu.memory_space<vmem>>
        %dma_wait3A_71 = tpu.memref_squeeze %dma_wait3A_70 : memref<1x128xi32, #tpu.memory_space<vmem>> -> memref<128xi32, #tpu.memory_space<vmem>>
        %dma_wait3A_72 = arith.constant 0 : i32
        %dma_wait3A_73 = arith.constant 0 : i32
        %dma_wait3A_74 = tpu.memref_slice %arg10[%dma_wait3A_72, %dma_wait3A_73] : memref<10112x128xf32, #tpu.memory_space<vmem_shared>> -> memref<10112x128xf32, #tpu.memory_space<vmem_shared>>
        tpu.wait_indirect_dma semaphore(%run_scoped3A_62 : memref<!tpu.dma_semaphore, #tpu.memory_space<semaphore_mem>>) src(%arg9 : memref<128x128xf32, #tpu.memory_space<vmem>>) dst(%dma_wait3A_74 : memref<10112x128xf32, #tpu.memory_space<vmem_shared>>)
        tpu.yield
      }) : () -> ()
      %scan3A_61 = arith.constant 1 : i32
    } else {
    }
    %barrier3A_18 = arith.constant 0 : index
    tpu.barrier barrier_id(%barrier3A_18)
    "tpu.region"() ({
      %run_scoped3A = tpu.sem_alloc : memref<!tpu.dma_semaphore, #tpu.memory_space<semaphore_mem>>
      %dma_start3A = arith.constant 0 : i32
      %dma_start3A_19 = tpu.memref_slice %arg5[%arg0, %mul3A_0, %dma_start3A] : memref<2x10112x128xf32, #tpu.memory_space<hbm>> -> memref<1x632x128xf32, #tpu.memory_space<hbm>>
      %dma_start3A_20 = tpu.memref_squeeze %dma_start3A_19 : memref<1x632x128xf32, #tpu.memory_space<hbm>> -> memref<632x128xf32, #tpu.memory_space<hbm>>
      %dma_start3A_21 = arith.constant 0 : i32
      %dma_start3A_22 = tpu.memref_slice %arg10[%mul3A_0, %dma_start3A_21] : memref<10112x128xf32, #tpu.memory_space<vmem_shared>> -> memref<632x128xf32, #tpu.memory_space<vmem_shared>>
      tpu.enqueue_dma source(%dma_start3A_22 : memref<632x128xf32, #tpu.memory_space<vmem_shared>>) target(%dma_start3A_20 : memref<632x128xf32, #tpu.memory_space<hbm>>) target_semaphore(%run_scoped3A : memref<!tpu.dma_semaphore, #tpu.memory_space<semaphore_mem>>)
      %dma_wait3A = arith.constant 0 : i32
      %dma_wait3A_23 = tpu.memref_slice %arg5[%arg0, %mul3A_0, %dma_wait3A] : memref<2x10112x128xf32, #tpu.memory_space<hbm>> -> memref<1x632x128xf32, #tpu.memory_space<hbm>>
      %dma_wait3A_24 = tpu.memref_squeeze %dma_wait3A_23 : memref<1x632x128xf32, #tpu.memory_space<hbm>> -> memref<632x128xf32, #tpu.memory_space<hbm>>
      %dma_wait3A_25 = arith.constant 0 : i32
      %dma_wait3A_26 = tpu.memref_slice %arg10[%mul3A_0, %dma_wait3A_25] : memref<10112x128xf32, #tpu.memory_space<vmem_shared>> -> memref<632x128xf32, #tpu.memory_space<vmem_shared>>
      tpu.wait_dma2 semaphore(%run_scoped3A : memref<!tpu.dma_semaphore, #tpu.memory_space<semaphore_mem>>) src(%dma_wait3A_26 : memref<632x128xf32, #tpu.memory_space<vmem_shared>>) dst(%dma_wait3A_24 : memref<632x128xf32, #tpu.memory_space<hbm>>)
      tpu.yield
    }) : () -> ()
    return
  }
}

#map = affine_map<(d0, d1) -> (0, 0)>
#map1 = affine_map<(d0, d1) -> (0, 0, 0)>
module attributes {stable_mosaic.version = 14 : i64} {
  func.func @body(%arg0: i32, %arg1: i32, %arg2: memref<10112x128xf32, #tpu.memory_space<hbm>>, %arg3: memref<2560x128xi32, #tpu.memory_space<hbm>>, %arg4: memref<2560x128xi32, #tpu.memory_space<hbm>>, %arg5: memref<2x10112x128xf32, #tpu.memory_space<hbm>>, %arg6: memref<32x128xi32, #tpu.memory_space<vmem>>, %arg7: memref<32x128xi32, #tpu.memory_space<vmem>>, %arg8: memref<128x128xf32, #tpu.memory_space<vmem>>, %arg9: memref<128x128xf32, #tpu.memory_space<vmem>>, %arg10: memref<10112x128xf32, #tpu.memory_space<vmem_shared>>, %arg11: memref<!tpu.dma_semaphore, #tpu.memory_space<semaphore_mem>>, %arg12: memref<!tpu.dma_semaphore, #tpu.memory_space<semaphore_mem>>) attributes {dimension_semantics = [#tpu.dimension_semantics<core_parallel>, #tpu.dimension_semantics<subcore_parallel>], iteration_bounds = array<i64: 2, 16>, scalar_prefetch = 0 : i64, scratch_operands = 7 : i64, tpu.core_type = #tpu.core_type<sc_vector_subcore>, window_params = [{transform_indices = #map}, {transform_indices = #map}, {transform_indices = #map}, {transform_indices = #map1}]} {
    %mul3A = arith.constant 632 : i32
    %mul3A_0 = arith.muli %arg1, %mul3A : i32
    %broadcast_in_dim3A = arith.constant 0.000000e+00 : f32
    %broadcast_in_dim3A_1 = vector.broadcast %broadcast_in_dim3A : f32 to vector<16xf32>
    %scan3A = arith.constant 0 : i32
    %scan3A_2 = arith.constant 128 : i32
    %scan3A_3 = arith.addi %scan3A, %scan3A_2 : i32
    %scan3A_4 = arith.constant 1 : i32
    scf.for %scan3A_19 = %scan3A to %scan3A_3 step %scan3A_4  : i32 {
      %mul3A_20 = arith.constant 1 : i32
      %mul3A_21 = arith.muli %scan3A_19, %mul3A_20 : i32
      %add3A_22 = arith.constant 0 : i32
      %add3A_23 = arith.addi %add3A_22, %mul3A_21 : i32
      %scan3A_24 = arith.constant 0 : i32
      %scan3A_25 = arith.constant 8 : i32
      %scan3A_26 = arith.addi %scan3A_24, %scan3A_25 : i32
      %scan3A_27 = arith.constant 1 : i32
      scf.for %scan3A_29 = %scan3A_24 to %scan3A_26 step %scan3A_27  : i32 {
        %mul3A_30 = arith.constant 16 : i32
        %mul3A_31 = arith.muli %scan3A_29, %mul3A_30 : i32
        %add3A_32 = arith.constant 0 : i32
        %add3A_33 = arith.addi %add3A_32, %mul3A_31 : i32
        %swap3A = arith.index_cast %add3A_23 : i32 to index
        %swap3A_34 = arith.index_cast %add3A_33 : i32 to index
        %swap3A_35 = tpu.vector_load %arg8[%swap3A, %swap3A_34] {strides = array<i32>} : memref<128x128xf32, #tpu.memory_space<vmem>>, vector<1x16xf32>,
        %swap3A_36 = vector.shape_cast %swap3A_35 : vector<1x16xf32> to vector<16xf32>
        %swap3A_37 = vector.shape_cast %broadcast_in_dim3A_1 : vector<16xf32> to vector<1x16xf32>
        tpu.vector_store %arg8[%swap3A, %swap3A_34], %swap3A_37 {strides = array<i32>} : memref<128x128xf32, #tpu.memory_space<vmem>>, vector<1x16xf32>,
      }
      %scan3A_28 = arith.constant 8 : i32
    }
    %scan3A_5 = arith.constant 128 : i32
    %scan3A_6 = arith.constant 0 : i32
    %scan3A_7 = arith.constant 4 : i32
    %scan3A_8 = arith.addi %scan3A_6, %scan3A_7 : i32
    %scan3A_9 = arith.constant 1 : i32
    scf.for %scan3A_19 = %scan3A_6 to %scan3A_8 step %scan3A_9  : i32 {
      %mul3A_20 = arith.constant 1 : i32
      %mul3A_21 = arith.muli %scan3A_19, %mul3A_20 : i32
      %add3A_22 = arith.constant 0 : i32
      %add3A_23 = arith.addi %add3A_22, %mul3A_21 : i32
      %mul3A_24 = arith.constant 128 : i32
      %mul3A_25 = arith.muli %add3A_23, %mul3A_24 : i32
      %add3A_26 = arith.addi %mul3A_0, %mul3A_25 : i32
      "tpu.region"() ({
        %run_scoped3A = tpu.sem_alloc : memref<!tpu.dma_semaphore, #tpu.memory_space<semaphore_mem>>
        %dma_start3A = arith.constant 0 : i32
        %dma_start3A_27 = tpu.memref_slice %arg10[%add3A_26, %dma_start3A] : memref<10112x128xf32, #tpu.memory_space<vmem_shared>> -> memref<128x128xf32, #tpu.memory_space<vmem_shared>>
        %dma_start3A_28 = arith.constant 0 : i32
        %dma_start3A_29 = tpu.memref_slice %arg10[%add3A_26, %dma_start3A_28] : memref<10112x128xf32, #tpu.memory_space<vmem_shared>> -> memref<128x128xf32, #tpu.memory_space<vmem_shared>>
        tpu.enqueue_dma source(%arg8 : memref<128x128xf32, #tpu.memory_space<vmem>>) target(%dma_start3A_29 : memref<128x128xf32, #tpu.memory_space<vmem_shared>>) target_semaphore(%run_scoped3A : memref<!tpu.dma_semaphore, #tpu.memory_space<semaphore_mem>>)
        %dma_wait3A = arith.constant 0 : i32
        %dma_wait3A_30 = tpu.memref_slice %arg10[%add3A_26, %dma_wait3A] : memref<10112x128xf32, #tpu.memory_space<vmem_shared>> -> memref<128x128xf32, #tpu.memory_space<vmem_shared>>
        %dma_wait3A_31 = arith.constant 0 : i32
        %dma_wait3A_32 = tpu.memref_slice %arg10[%add3A_26, %dma_wait3A_31] : memref<10112x128xf32, #tpu.memory_space<vmem_shared>> -> memref<128x128xf32, #tpu.memory_space<vmem_shared>>
        tpu.wait_dma2 semaphore(%run_scoped3A : memref<!tpu.dma_semaphore, #tpu.memory_space<semaphore_mem>>) src(%arg8 : memref<128x128xf32, #tpu.memory_space<vmem>>) dst(%dma_wait3A_32 : memref<128x128xf32, #tpu.memory_space<vmem_shared>>)
        tpu.yield
      }) : () -> ()
    }
    %scan3A_10 = arith.constant 4 : i32
    %add3A = arith.constant 512 : i32
    %add3A_11 = arith.addi %mul3A_0, %add3A : i32
    "tpu.region"() ({
      %run_scoped3A = tpu.sem_alloc : memref<!tpu.dma_semaphore, #tpu.memory_space<semaphore_mem>>
      %dma_start3A = arith.constant 0 : i32
      %dma_start3A_19 = arith.constant 0 : i32
      %dma_start3A_20 = tpu.memref_slice %arg8[%dma_start3A, %dma_start3A_19] : memref<128x128xf32, #tpu.memory_space<vmem>> -> memref<120x128xf32, #tpu.memory_space<vmem>>
      %dma_start3A_21 = arith.constant 0 : i32
      %dma_start3A_22 = tpu.memref_slice %arg10[%add3A_11, %dma_start3A_21] : memref<10112x128xf32, #tpu.memory_space<vmem_shared>> -> memref<120x128xf32, #tpu.memory_space<vmem_shared>>
      %dma_start3A_23 = arith.constant 0 : i32
      %dma_start3A_24 = tpu.memref_slice %arg10[%add3A_11, %dma_start3A_23] : memref<10112x128xf32, #tpu.memory_space<vmem_shared>> -> memref<120x128xf32, #tpu.memory_space<vmem_shared>>
      %dma_start3A_25 = arith.constant 0 : i32
      %dma_start3A_26 = arith.constant 0 : i32
      %dma_start3A_27 = tpu.memref_slice %arg8[%dma_start3A_25, %dma_start3A_26] : memref<128x128xf32, #tpu.memory_space<vmem>> -> memref<120x128xf32, #tpu.memory_space<vmem>>
      tpu.enqueue_dma source(%dma_start3A_27 : memref<120x128xf32, #tpu.memory_space<vmem>>) target(%dma_start3A_24 : memref<120x128xf32, #tpu.memory_space<vmem_shared>>) target_semaphore(%run_scoped3A : memref<!tpu.dma_semaphore, #tpu.memory_space<semaphore_mem>>)
      %dma_wait3A = arith.constant 0 : i32
      %dma_wait3A_28 = arith.constant 0 : i32
      %dma_wait3A_29 = tpu.memref_slice %arg8[%dma_wait3A, %dma_wait3A_28] : memref<128x128xf32, #tpu.memory_space<vmem>> -> memref<120x128xf32, #tpu.memory_space<vmem>>
      %dma_wait3A_30 = arith.constant 0 : i32
      %dma_wait3A_31 = tpu.memref_slice %arg10[%add3A_11, %dma_wait3A_30] : memref<10112x128xf32, #tpu.memory_space<vmem_shared>> -> memref<120x128xf32, #tpu.memory_space<vmem_shared>>
      %dma_wait3A_32 = arith.constant 0 : i32
      %dma_wait3A_33 = tpu.memref_slice %arg10[%add3A_11, %dma_wait3A_32] : memref<10112x128xf32, #tpu.memory_space<vmem_shared>> -> memref<120x128xf32, #tpu.memory_space<vmem_shared>>
      %dma_wait3A_34 = arith.constant 0 : i32
      %dma_wait3A_35 = arith.constant 0 : i32
      %dma_wait3A_36 = tpu.memref_slice %arg8[%dma_wait3A_34, %dma_wait3A_35] : memref<128x128xf32, #tpu.memory_space<vmem>> -> memref<120x128xf32, #tpu.memory_space<vmem>>
      tpu.wait_dma2 semaphore(%run_scoped3A : memref<!tpu.dma_semaphore, #tpu.memory_space<semaphore_mem>>) src(%dma_wait3A_36 : memref<120x128xf32, #tpu.memory_space<vmem>>) dst(%dma_wait3A_33 : memref<120x128xf32, #tpu.memory_space<vmem_shared>>)
      tpu.yield
    }) : () -> ()
    %barrier3A = arith.constant 0 : index
    tpu.barrier barrier_id(%barrier3A)
    %eq3A = arith.constant 1 : i32
    %eq3A_12 = arith.cmpi eq, %arg0, %eq3A : i32
    %convert_element_type3A = arith.extui %eq3A_12 : i1 to i32
    %cond3A = arith.constant 0 : i32
    %cond3A_13 = arith.cmpi ne, %convert_element_type3A, %cond3A : i32
    scf.if %cond3A_13 {
      %mul3A_19 = arith.constant 128 : i32
      %mul3A_20 = arith.muli %arg1, %mul3A_19 : i32
      %scan3A_21 = arith.constant 0 : i32
      %scan3A_22 = arith.constant 4 : i32
      %scan3A_23 = arith.addi %scan3A_21, %scan3A_22 : i32
      %scan3A_24 = arith.constant 1 : i32
      scf.for %scan3A_26 = %scan3A_21 to %scan3A_23 step %scan3A_24  : i32 {
        %mul3A_27 = arith.constant 1 : i32
        %mul3A_28 = arith.muli %scan3A_26, %mul3A_27 : i32
        %add3A_29 = arith.constant 0 : i32
        %add3A_30 = arith.addi %add3A_29, %mul3A_28 : i32
        %mul3A_31 = arith.constant 32 : i32
        %mul3A_32 = arith.muli %add3A_30, %mul3A_31 : i32
        %add3A_33 = arith.addi %mul3A_20, %mul3A_32 : i32
        "tpu.region"() ({
          %run_scoped3A_64 = tpu.sem_alloc : memref<!tpu.dma_semaphore, #tpu.memory_space<semaphore_mem>>
          %dma_start3A_65 = arith.constant 0 : i32
          %dma_start3A_66 = arith.constant 0 : i32
          %dma_start3A_67 = tpu.memref_slice %arg6[%dma_start3A_65, %dma_start3A_66] : memref<32x128xi32, #tpu.memory_space<vmem>> -> memref<32x128xi32, #tpu.memory_space<vmem>>
          %dma_start3A_68 = arith.constant 0 : i32
          %dma_start3A_69 = tpu.memref_slice %arg3[%add3A_33, %dma_start3A_68] : memref<2560x128xi32, #tpu.memory_space<hbm>> -> memref<32x128xi32, #tpu.memory_space<hbm>>
          %dma_start3A_70 = arith.constant 0 : i32
          %dma_start3A_71 = arith.constant 0 : i32
          %dma_start3A_72 = tpu.memref_slice %arg6[%dma_start3A_70, %dma_start3A_71] : memref<32x128xi32, #tpu.memory_space<vmem>> -> memref<32x128xi32, #tpu.memory_space<vmem>>
          %dma_start3A_73 = arith.constant 0 : i32
          %dma_start3A_74 = tpu.memref_slice %arg3[%add3A_33, %dma_start3A_73] : memref<2560x128xi32, #tpu.memory_space<hbm>> -> memref<32x128xi32, #tpu.memory_space<hbm>>
          tpu.enqueue_dma source(%dma_start3A_74 : memref<32x128xi32, #tpu.memory_space<hbm>>) target(%dma_start3A_72 : memref<32x128xi32, #tpu.memory_space<vmem>>) target_semaphore(%run_scoped3A_64 : memref<!tpu.dma_semaphore, #tpu.memory_space<semaphore_mem>>)
          %dma_wait3A_75 = arith.constant 0 : i32
          %dma_wait3A_76 = arith.constant 0 : i32
          %dma_wait3A_77 = tpu.memref_slice %arg6[%dma_wait3A_75, %dma_wait3A_76] : memref<32x128xi32, #tpu.memory_space<vmem>> -> memref<32x128xi32, #tpu.memory_space<vmem>>
          %dma_wait3A_78 = arith.constant 0 : i32
          %dma_wait3A_79 = tpu.memref_slice %arg3[%add3A_33, %dma_wait3A_78] : memref<2560x128xi32, #tpu.memory_space<hbm>> -> memref<32x128xi32, #tpu.memory_space<hbm>>
          %dma_wait3A_80 = arith.constant 0 : i32
          %dma_wait3A_81 = arith.constant 0 : i32
          %dma_wait3A_82 = tpu.memref_slice %arg6[%dma_wait3A_80, %dma_wait3A_81] : memref<32x128xi32, #tpu.memory_space<vmem>> -> memref<32x128xi32, #tpu.memory_space<vmem>>
          %dma_wait3A_83 = arith.constant 0 : i32
          %dma_wait3A_84 = tpu.memref_slice %arg3[%add3A_33, %dma_wait3A_83] : memref<2560x128xi32, #tpu.memory_space<hbm>> -> memref<32x128xi32, #tpu.memory_space<hbm>>
          tpu.wait_dma2 semaphore(%run_scoped3A_64 : memref<!tpu.dma_semaphore, #tpu.memory_space<semaphore_mem>>) src(%dma_wait3A_84 : memref<32x128xi32, #tpu.memory_space<hbm>>) dst(%dma_wait3A_82 : memref<32x128xi32, #tpu.memory_space<vmem>>)
          tpu.yield
        }) : () -> ()
        "tpu.region"() ({
          %run_scoped3A_64 = tpu.sem_alloc : memref<!tpu.dma_semaphore, #tpu.memory_space<semaphore_mem>>
          %dma_start3A_65 = arith.constant 0 : i32
          %dma_start3A_66 = arith.constant 0 : i32
          %dma_start3A_67 = tpu.memref_slice %arg7[%dma_start3A_65, %dma_start3A_66] : memref<32x128xi32, #tpu.memory_space<vmem>> -> memref<32x128xi32, #tpu.memory_space<vmem>>
          %dma_start3A_68 = arith.constant 0 : i32
          %dma_start3A_69 = tpu.memref_slice %arg4[%add3A_33, %dma_start3A_68] : memref<2560x128xi32, #tpu.memory_space<hbm>> -> memref<32x128xi32, #tpu.memory_space<hbm>>
          %dma_start3A_70 = arith.constant 0 : i32
          %dma_start3A_71 = arith.constant 0 : i32
          %dma_start3A_72 = tpu.memref_slice %arg7[%dma_start3A_70, %dma_start3A_71] : memref<32x128xi32, #tpu.memory_space<vmem>> -> memref<32x128xi32, #tpu.memory_space<vmem>>
          %dma_start3A_73 = arith.constant 0 : i32
          %dma_start3A_74 = tpu.memref_slice %arg4[%add3A_33, %dma_start3A_73] : memref<2560x128xi32, #tpu.memory_space<hbm>> -> memref<32x128xi32, #tpu.memory_space<hbm>>
          tpu.enqueue_dma source(%dma_start3A_74 : memref<32x128xi32, #tpu.memory_space<hbm>>) target(%dma_start3A_72 : memref<32x128xi32, #tpu.memory_space<vmem>>) target_semaphore(%run_scoped3A_64 : memref<!tpu.dma_semaphore, #tpu.memory_space<semaphore_mem>>)
          %dma_wait3A_75 = arith.constant 0 : i32
          %dma_wait3A_76 = arith.constant 0 : i32
          %dma_wait3A_77 = tpu.memref_slice %arg7[%dma_wait3A_75, %dma_wait3A_76] : memref<32x128xi32, #tpu.memory_space<vmem>> -> memref<32x128xi32, #tpu.memory_space<vmem>>
          %dma_wait3A_78 = arith.constant 0 : i32
          %dma_wait3A_79 = tpu.memref_slice %arg4[%add3A_33, %dma_wait3A_78] : memref<2560x128xi32, #tpu.memory_space<hbm>> -> memref<32x128xi32, #tpu.memory_space<hbm>>
          %dma_wait3A_80 = arith.constant 0 : i32
          %dma_wait3A_81 = arith.constant 0 : i32
          %dma_wait3A_82 = tpu.memref_slice %arg7[%dma_wait3A_80, %dma_wait3A_81] : memref<32x128xi32, #tpu.memory_space<vmem>> -> memref<32x128xi32, #tpu.memory_space<vmem>>
          %dma_wait3A_83 = arith.constant 0 : i32
          %dma_wait3A_84 = tpu.memref_slice %arg4[%add3A_33, %dma_wait3A_83] : memref<2560x128xi32, #tpu.memory_space<hbm>> -> memref<32x128xi32, #tpu.memory_space<hbm>>
          tpu.wait_dma2 semaphore(%run_scoped3A_64 : memref<!tpu.dma_semaphore, #tpu.memory_space<semaphore_mem>>) src(%dma_wait3A_84 : memref<32x128xi32, #tpu.memory_space<hbm>>) dst(%dma_wait3A_82 : memref<32x128xi32, #tpu.memory_space<vmem>>)
          tpu.yield
        }) : () -> ()
        %dma_start3A = arith.constant 0 : i32
        %dma_start3A_34 = arith.constant 0 : i32
        %dma_start3A_35 = tpu.memref_slice %arg6[%dma_start3A, %dma_start3A_34] : memref<32x128xi32, #tpu.memory_space<vmem>> -> memref<1x128xi32, #tpu.memory_space<vmem>>
        %dma_start3A_36 = tpu.memref_squeeze %dma_start3A_35 : memref<1x128xi32, #tpu.memory_space<vmem>> -> memref<128xi32, #tpu.memory_space<vmem>>
        %dma_start3A_37 = arith.constant 0 : i32
        %dma_start3A_38 = arith.constant 0 : i32
        %dma_start3A_39 = tpu.memref_slice %arg2[%dma_start3A_37, %dma_start3A_38] : memref<10112x128xf32, #tpu.memory_space<hbm>> -> memref<10112x128xf32, #tpu.memory_space<hbm>>
        tpu.enqueue_indirect_dma source(%dma_start3A_39 : memref<10112x128xf32, #tpu.memory_space<hbm>>) target(%arg8 : memref<128x128xf32, #tpu.memory_space<vmem>>) offsets(%dma_start3A_36 : memref<128xi32, #tpu.memory_space<vmem>>) semaphore(%arg11 : memref<!tpu.dma_semaphore, #tpu.memory_space<semaphore_mem>>)
        %dma_start3A_40 = arith.constant 1 : i32
        %dma_start3A_41 = arith.constant 0 : i32
        %dma_start3A_42 = tpu.memref_slice %arg6[%dma_start3A_40, %dma_start3A_41] : memref<32x128xi32, #tpu.memory_space<vmem>> -> memref<1x128xi32, #tpu.memory_space<vmem>>
        %dma_start3A_43 = tpu.memref_squeeze %dma_start3A_42 : memref<1x128xi32, #tpu.memory_space<vmem>> -> memref<128xi32, #tpu.memory_space<vmem>>
        %dma_start3A_44 = arith.constant 0 : i32
        %dma_start3A_45 = arith.constant 0 : i32
        %dma_start3A_46 = tpu.memref_slice %arg2[%dma_start3A_44, %dma_start3A_45] : memref<10112x128xf32, #tpu.memory_space<hbm>> -> memref<10112x128xf32, #tpu.memory_space<hbm>>
        tpu.enqueue_indirect_dma source(%dma_start3A_46 : memref<10112x128xf32, #tpu.memory_space<hbm>>) target(%arg9 : memref<128x128xf32, #tpu.memory_space<vmem>>) offsets(%dma_start3A_43 : memref<128xi32, #tpu.memory_space<vmem>>) semaphore(%arg12 : memref<!tpu.dma_semaphore, #tpu.memory_space<semaphore_mem>>)
        %scan3A_47 = arith.constant 0 : i32
        %scan3A_48 = arith.constant 15 : i32
        %scan3A_49 = arith.addi %scan3A_47, %scan3A_48 : i32
        %scan3A_50 = arith.constant 1 : i32
        scf.for %scan3A_64 = %scan3A_47 to %scan3A_49 step %scan3A_50  : i32 {
          %mul3A_65 = arith.constant 2 : i32
          %mul3A_66 = arith.muli %scan3A_64, %mul3A_65 : i32
          %add3A_67 = arith.constant 0 : i32
          %add3A_68 = arith.addi %add3A_67, %mul3A_66 : i32
          %dma_wait3A_69 = arith.constant 0 : i32
          %dma_wait3A_70 = arith.constant 0 : i32
          %dma_wait3A_71 = tpu.memref_slice %arg2[%dma_wait3A_69, %dma_wait3A_70] : memref<10112x128xf32, #tpu.memory_space<hbm>> -> memref<128x128xf32, #tpu.memory_space<hbm>>
          %dma_wait3A_72 = arith.constant 0 : i32
          %dma_wait3A_73 = arith.constant 0 : i32
          %dma_wait3A_74 = tpu.memref_slice %arg2[%dma_wait3A_72, %dma_wait3A_73] : memref<10112x128xf32, #tpu.memory_space<hbm>> -> memref<128x128xf32, #tpu.memory_space<hbm>>
          tpu.wait_dma2 semaphore(%arg11 : memref<!tpu.dma_semaphore, #tpu.memory_space<semaphore_mem>>) src(%dma_wait3A_74 : memref<128x128xf32, #tpu.memory_space<hbm>>) dst(%arg8 : memref<128x128xf32, #tpu.memory_space<vmem>>)
          "tpu.region"() ({
            %run_scoped3A_99 = tpu.sem_alloc : memref<!tpu.dma_semaphore, #tpu.memory_space<semaphore_mem>>
            %dma_start3A_100 = arith.constant 0 : i32
            %dma_start3A_101 = tpu.memref_slice %arg7[%add3A_68, %dma_start3A_100] : memref<32x128xi32, #tpu.memory_space<vmem>> -> memref<1x128xi32, #tpu.memory_space<vmem>>
            %dma_start3A_102 = tpu.memref_squeeze %dma_start3A_101 : memref<1x128xi32, #tpu.memory_space<vmem>> -> memref<128xi32, #tpu.memory_space<vmem>>
            %dma_start3A_103 = arith.constant 0 : i32
            %dma_start3A_104 = arith.constant 0 : i32
            %dma_start3A_105 = tpu.memref_slice %arg10[%dma_start3A_103, %dma_start3A_104] : memref<10112x128xf32, #tpu.memory_space<vmem_shared>> -> memref<10112x128xf32, #tpu.memory_space<vmem_shared>>
            tpu.enqueue_indirect_dma source(%arg8 : memref<128x128xf32, #tpu.memory_space<vmem>>) target(%dma_start3A_105 : memref<10112x128xf32, #tpu.memory_space<vmem_shared>>) offsets(%dma_start3A_102 : memref<128xi32, #tpu.memory_space<vmem>>) semaphore(%run_scoped3A_99 : memref<!tpu.dma_semaphore, #tpu.memory_space<semaphore_mem>>) {add = true}
            %dma_wait3A_106 = arith.constant 0 : i32
            %dma_wait3A_107 = tpu.memref_slice %arg7[%add3A_68, %dma_wait3A_106] : memref<32x128xi32, #tpu.memory_space<vmem>> -> memref<1x128xi32, #tpu.memory_space<vmem>>
            %dma_wait3A_108 = tpu.memref_squeeze %dma_wait3A_107 : memref<1x128xi32, #tpu.memory_space<vmem>> -> memref<128xi32, #tpu.memory_space<vmem>>
            %dma_wait3A_109 = arith.constant 0 : i32
            %dma_wait3A_110 = arith.constant 0 : i32
            %dma_wait3A_111 = tpu.memref_slice %arg10[%dma_wait3A_109, %dma_wait3A_110] : memref<10112x128xf32, #tpu.memory_space<vmem_shared>> -> memref<10112x128xf32, #tpu.memory_space<vmem_shared>>
            tpu.wait_indirect_dma semaphore(%run_scoped3A_99 : memref<!tpu.dma_semaphore, #tpu.memory_space<semaphore_mem>>) src(%arg8 : memref<128x128xf32, #tpu.memory_space<vmem>>) dst(%dma_wait3A_111 : memref<10112x128xf32, #tpu.memory_space<vmem_shared>>)
            tpu.yield
          }) : () -> ()
          %add3A_75 = arith.constant 2 : i32
          %add3A_76 = arith.addi %add3A_68, %add3A_75 : i32
          %dma_start3A_77 = arith.constant 0 : i32
          %dma_start3A_78 = tpu.memref_slice %arg6[%add3A_76, %dma_start3A_77] : memref<32x128xi32, #tpu.memory_space<vmem>> -> memref<1x128xi32, #tpu.memory_space<vmem>>
          %dma_start3A_79 = tpu.memref_squeeze %dma_start3A_78 : memref<1x128xi32, #tpu.memory_space<vmem>> -> memref<128xi32, #tpu.memory_space<vmem>>
          %dma_start3A_80 = arith.constant 0 : i32
          %dma_start3A_81 = arith.constant 0 : i32
          %dma_start3A_82 = tpu.memref_slice %arg2[%dma_start3A_80, %dma_start3A_81] : memref<10112x128xf32, #tpu.memory_space<hbm>> -> memref<10112x128xf32, #tpu.memory_space<hbm>>
          tpu.enqueue_indirect_dma source(%dma_start3A_82 : memref<10112x128xf32, #tpu.memory_space<hbm>>) target(%arg8 : memref<128x128xf32, #tpu.memory_space<vmem>>) offsets(%dma_start3A_79 : memref<128xi32, #tpu.memory_space<vmem>>) semaphore(%arg11 : memref<!tpu.dma_semaphore, #tpu.memory_space<semaphore_mem>>)
          %dma_wait3A_83 = arith.constant 0 : i32
          %dma_wait3A_84 = arith.constant 0 : i32
          %dma_wait3A_85 = tpu.memref_slice %arg2[%dma_wait3A_83, %dma_wait3A_84] : memref<10112x128xf32, #tpu.memory_space<hbm>> -> memref<128x128xf32, #tpu.memory_space<hbm>>
          %dma_wait3A_86 = arith.constant 0 : i32
          %dma_wait3A_87 = arith.constant 0 : i32
          %dma_wait3A_88 = tpu.memref_slice %arg2[%dma_wait3A_86, %dma_wait3A_87] : memref<10112x128xf32, #tpu.memory_space<hbm>> -> memref<128x128xf32, #tpu.memory_space<hbm>>
          tpu.wait_dma2 semaphore(%arg12 : memref<!tpu.dma_semaphore, #tpu.memory_space<semaphore_mem>>) src(%dma_wait3A_88 : memref<128x128xf32, #tpu.memory_space<hbm>>) dst(%arg9 : memref<128x128xf32, #tpu.memory_space<vmem>>)
          %add3A_89 = arith.constant 1 : i32
          %add3A_90 = arith.addi %add3A_68, %add3A_89 : i32
          "tpu.region"() ({
            %run_scoped3A_99 = tpu.sem_alloc : memref<!tpu.dma_semaphore, #tpu.memory_space<semaphore_mem>>
            %dma_start3A_100 = arith.constant 0 : i32
            %dma_start3A_101 = tpu.memref_slice %arg7[%add3A_90, %dma_start3A_100] : memref<32x128xi32, #tpu.memory_space<vmem>> -> memref<1x128xi32, #tpu.memory_space<vmem>>
            %dma_start3A_102 = tpu.memref_squeeze %dma_start3A_101 : memref<1x128xi32, #tpu.memory_space<vmem>> -> memref<128xi32, #tpu.memory_space<vmem>>
            %dma_start3A_103 = arith.constant 0 : i32
            %dma_start3A_104 = arith.constant 0 : i32
            %dma_start3A_105 = tpu.memref_slice %arg10[%dma_start3A_103, %dma_start3A_104] : memref<10112x128xf32, #tpu.memory_space<vmem_shared>> -> memref<10112x128xf32, #tpu.memory_space<vmem_shared>>
            tpu.enqueue_indirect_dma source(%arg9 : memref<128x128xf32, #tpu.memory_space<vmem>>) target(%dma_start3A_105 : memref<10112x128xf32, #tpu.memory_space<vmem_shared>>) offsets(%dma_start3A_102 : memref<128xi32, #tpu.memory_space<vmem>>) semaphore(%run_scoped3A_99 : memref<!tpu.dma_semaphore, #tpu.memory_space<semaphore_mem>>) {add = true}
            %dma_wait3A_106 = arith.constant 0 : i32
            %dma_wait3A_107 = tpu.memref_slice %arg7[%add3A_90, %dma_wait3A_106] : memref<32x128xi32, #tpu.memory_space<vmem>> -> memref<1x128xi32, #tpu.memory_space<vmem>>
            %dma_wait3A_108 = tpu.memref_squeeze %dma_wait3A_107 : memref<1x128xi32, #tpu.memory_space<vmem>> -> memref<128xi32, #tpu.memory_space<vmem>>
            %dma_wait3A_109 = arith.constant 0 : i32
            %dma_wait3A_110 = arith.constant 0 : i32
            %dma_wait3A_111 = tpu.memref_slice %arg10[%dma_wait3A_109, %dma_wait3A_110] : memref<10112x128xf32, #tpu.memory_space<vmem_shared>> -> memref<10112x128xf32, #tpu.memory_space<vmem_shared>>
            tpu.wait_indirect_dma semaphore(%run_scoped3A_99 : memref<!tpu.dma_semaphore, #tpu.memory_space<semaphore_mem>>) src(%arg9 : memref<128x128xf32, #tpu.memory_space<vmem>>) dst(%dma_wait3A_111 : memref<10112x128xf32, #tpu.memory_space<vmem_shared>>)
            tpu.yield
          }) : () -> ()
          %add3A_91 = arith.constant 3 : i32
          %add3A_92 = arith.addi %add3A_68, %add3A_91 : i32
          %dma_start3A_93 = arith.constant 0 : i32
          %dma_start3A_94 = tpu.memref_slice %arg6[%add3A_92, %dma_start3A_93] : memref<32x128xi32, #tpu.memory_space<vmem>> -> memref<1x128xi32, #tpu.memory_space<vmem>>
          %dma_start3A_95 = tpu.memref_squeeze %dma_start3A_94 : memref<1x128xi32, #tpu.memory_space<vmem>> -> memref<128xi32, #tpu.memory_space<vmem>>
          %dma_start3A_96 = arith.constant 0 : i32
          %dma_start3A_97 = arith.constant 0 : i32
          %dma_start3A_98 = tpu.memref_slice %arg2[%dma_start3A_96, %dma_start3A_97] : memref<10112x128xf32, #tpu.memory_space<hbm>> -> memref<10112x128xf32, #tpu.memory_space<hbm>>
          tpu.enqueue_indirect_dma source(%dma_start3A_98 : memref<10112x128xf32, #tpu.memory_space<hbm>>) target(%arg9 : memref<128x128xf32, #tpu.memory_space<vmem>>) offsets(%dma_start3A_95 : memref<128xi32, #tpu.memory_space<vmem>>) semaphore(%arg12 : memref<!tpu.dma_semaphore, #tpu.memory_space<semaphore_mem>>)
        }
        %scan3A_51 = arith.constant 15 : i32
        %dma_wait3A = arith.constant 0 : i32
        %dma_wait3A_52 = arith.constant 0 : i32
        %dma_wait3A_53 = tpu.memref_slice %arg2[%dma_wait3A, %dma_wait3A_52] : memref<10112x128xf32, #tpu.memory_space<hbm>> -> memref<128x128xf32, #tpu.memory_space<hbm>>
        %dma_wait3A_54 = arith.constant 0 : i32
        %dma_wait3A_55 = arith.constant 0 : i32
        %dma_wait3A_56 = tpu.memref_slice %arg2[%dma_wait3A_54, %dma_wait3A_55] : memref<10112x128xf32, #tpu.memory_space<hbm>> -> memref<128x128xf32, #tpu.memory_space<hbm>>
        tpu.wait_dma2 semaphore(%arg11 : memref<!tpu.dma_semaphore, #tpu.memory_space<semaphore_mem>>) src(%dma_wait3A_56 : memref<128x128xf32, #tpu.memory_space<hbm>>) dst(%arg8 : memref<128x128xf32, #tpu.memory_space<vmem>>)
        %run_scoped3A = arith.constant 30 : i32
        "tpu.region"() ({
          %run_scoped3A_64 = tpu.sem_alloc : memref<!tpu.dma_semaphore, #tpu.memory_space<semaphore_mem>>
          %dma_start3A_65 = arith.constant 0 : i32
          %dma_start3A_66 = tpu.memref_slice %arg7[%run_scoped3A, %dma_start3A_65] : memref<32x128xi32, #tpu.memory_space<vmem>> -> memref<1x128xi32, #tpu.memory_space<vmem>>
          %dma_start3A_67 = tpu.memref_squeeze %dma_start3A_66 : memref<1x128xi32, #tpu.memory_space<vmem>> -> memref<128xi32, #tpu.memory_space<vmem>>
          %dma_start3A_68 = arith.constant 0 : i32
          %dma_start3A_69 = arith.constant 0 : i32
          %dma_start3A_70 = tpu.memref_slice %arg10[%dma_start3A_68, %dma_start3A_69] : memref<10112x128xf32, #tpu.memory_space<vmem_shared>> -> memref<10112x128xf32, #tpu.memory_space<vmem_shared>>
          tpu.enqueue_indirect_dma source(%arg8 : memref<128x128xf32, #tpu.memory_space<vmem>>) target(%dma_start3A_70 : memref<10112x128xf32, #tpu.memory_space<vmem_shared>>) offsets(%dma_start3A_67 : memref<128xi32, #tpu.memory_space<vmem>>) semaphore(%run_scoped3A_64 : memref<!tpu.dma_semaphore, #tpu.memory_space<semaphore_mem>>) {add = true}
          %dma_wait3A_71 = arith.constant 0 : i32
          %dma_wait3A_72 = tpu.memref_slice %arg7[%run_scoped3A, %dma_wait3A_71] : memref<32x128xi32, #tpu.memory_space<vmem>> -> memref<1x128xi32, #tpu.memory_space<vmem>>
          %dma_wait3A_73 = tpu.memref_squeeze %dma_wait3A_72 : memref<1x128xi32, #tpu.memory_space<vmem>> -> memref<128xi32, #tpu.memory_space<vmem>>
          %dma_wait3A_74 = arith.constant 0 : i32
          %dma_wait3A_75 = arith.constant 0 : i32
          %dma_wait3A_76 = tpu.memref_slice %arg10[%dma_wait3A_74, %dma_wait3A_75] : memref<10112x128xf32, #tpu.memory_space<vmem_shared>> -> memref<10112x128xf32, #tpu.memory_space<vmem_shared>>
          tpu.wait_indirect_dma semaphore(%run_scoped3A_64 : memref<!tpu.dma_semaphore, #tpu.memory_space<semaphore_mem>>) src(%arg8 : memref<128x128xf32, #tpu.memory_space<vmem>>) dst(%dma_wait3A_76 : memref<10112x128xf32, #tpu.memory_space<vmem_shared>>)
          tpu.yield
        }) : () -> ()
        %dma_wait3A_57 = arith.constant 0 : i32
        %dma_wait3A_58 = arith.constant 0 : i32
        %dma_wait3A_59 = tpu.memref_slice %arg2[%dma_wait3A_57, %dma_wait3A_58] : memref<10112x128xf32, #tpu.memory_space<hbm>> -> memref<128x128xf32, #tpu.memory_space<hbm>>
        %dma_wait3A_60 = arith.constant 0 : i32
        %dma_wait3A_61 = arith.constant 0 : i32
        %dma_wait3A_62 = tpu.memref_slice %arg2[%dma_wait3A_60, %dma_wait3A_61] : memref<10112x128xf32, #tpu.memory_space<hbm>> -> memref<128x128xf32, #tpu.memory_space<hbm>>
        tpu.wait_dma2 semaphore(%arg12 : memref<!tpu.dma_semaphore, #tpu.memory_space<semaphore_mem>>) src(%dma_wait3A_62 : memref<128x128xf32, #tpu.memory_space<hbm>>) dst(%arg9 : memref<128x128xf32, #tpu.memory_space<vmem>>)
        %run_scoped3A_63 = arith.constant 31 : i32
        "tpu.region"() ({
          %run_scoped3A_64 = tpu.sem_alloc : memref<!tpu.dma_semaphore, #tpu.memory_space<semaphore_mem>>
          %dma_start3A_65 = arith.constant 0 : i32
          %dma_start3A_66 = tpu.memref_slice %arg7[%run_scoped3A_63, %dma_start3A_65] : memref<32x128xi32, #tpu.memory_space<vmem>> -> memref<1x128xi32, #tpu.memory_space<vmem>>
          %dma_start3A_67 = tpu.memref_squeeze %dma_start3A_66 : memref<1x128xi32, #tpu.memory_space<vmem>> -> memref<128xi32, #tpu.memory_space<vmem>>
          %dma_start3A_68 = arith.constant 0 : i32
          %dma_start3A_69 = arith.constant 0 : i32
          %dma_start3A_70 = tpu.memref_slice %arg10[%dma_start3A_68, %dma_start3A_69] : memref<10112x128xf32, #tpu.memory_space<vmem_shared>> -> memref<10112x128xf32, #tpu.memory_space<vmem_shared>>
          tpu.enqueue_indirect_dma source(%arg9 : memref<128x128xf32, #tpu.memory_space<vmem>>) target(%dma_start3A_70 : memref<10112x128xf32, #tpu.memory_space<vmem_shared>>) offsets(%dma_start3A_67 : memref<128xi32, #tpu.memory_space<vmem>>) semaphore(%run_scoped3A_64 : memref<!tpu.dma_semaphore, #tpu.memory_space<semaphore_mem>>) {add = true}
          %dma_wait3A_71 = arith.constant 0 : i32
          %dma_wait3A_72 = tpu.memref_slice %arg7[%run_scoped3A_63, %dma_wait3A_71] : memref<32x128xi32, #tpu.memory_space<vmem>> -> memref<1x128xi32, #tpu.memory_space<vmem>>
          %dma_wait3A_73 = tpu.memref_squeeze %dma_wait3A_72 : memref<1x128xi32, #tpu.memory_space<vmem>> -> memref<128xi32, #tpu.memory_space<vmem>>
          %dma_wait3A_74 = arith.constant 0 : i32
          %dma_wait3A_75 = arith.constant 0 : i32
          %dma_wait3A_76 = tpu.memref_slice %arg10[%dma_wait3A_74, %dma_wait3A_75] : memref<10112x128xf32, #tpu.memory_space<vmem_shared>> -> memref<10112x128xf32, #tpu.memory_space<vmem_shared>>
          tpu.wait_indirect_dma semaphore(%run_scoped3A_64 : memref<!tpu.dma_semaphore, #tpu.memory_space<semaphore_mem>>) src(%arg9 : memref<128x128xf32, #tpu.memory_space<vmem>>) dst(%dma_wait3A_76 : memref<10112x128xf32, #tpu.memory_space<vmem_shared>>)
          tpu.yield
        }) : () -> ()
      }
      %scan3A_25 = arith.constant 4 : i32
    } else {
    }
    %ne3A = arith.constant 1 : i32
    %ne3A_14 = arith.cmpi ne, %arg0, %ne3A : i32
    %convert_element_type3A_15 = arith.extui %ne3A_14 : i1 to i32
    %cond3A_16 = arith.constant 0 : i32
    %cond3A_17 = arith.cmpi ne, %convert_element_type3A_15, %cond3A_16 : i32
    scf.if %cond3A_17 {
      %mul3A_19 = arith.constant 32 : i32
      %mul3A_20 = arith.muli %arg1, %mul3A_19 : i32
      %add3A_21 = arith.constant 2048 : i32
      %add3A_22 = arith.addi %add3A_21, %mul3A_20 : i32
      %scan3A_23 = arith.constant 0 : i32
      %mul3A_24 = arith.constant 1 : i32
      %mul3A_25 = arith.muli %scan3A_23, %mul3A_24 : i32
      %add3A_26 = arith.constant 0 : i32
      %add3A_27 = arith.addi %add3A_26, %mul3A_25 : i32
      %mul3A_28 = arith.constant 32 : i32
      %mul3A_29 = arith.muli %add3A_27, %mul3A_28 : i32
      %add3A_30 = arith.addi %add3A_22, %mul3A_29 : i32
      "tpu.region"() ({
        %run_scoped3A_62 = tpu.sem_alloc : memref<!tpu.dma_semaphore, #tpu.memory_space<semaphore_mem>>
        %dma_start3A_63 = arith.constant 0 : i32
        %dma_start3A_64 = arith.constant 0 : i32
        %dma_start3A_65 = tpu.memref_slice %arg6[%dma_start3A_63, %dma_start3A_64] : memref<32x128xi32, #tpu.memory_space<vmem>> -> memref<32x128xi32, #tpu.memory_space<vmem>>
        %dma_start3A_66 = arith.constant 0 : i32
        %dma_start3A_67 = tpu.memref_slice %arg3[%add3A_30, %dma_start3A_66] : memref<2560x128xi32, #tpu.memory_space<hbm>> -> memref<32x128xi32, #tpu.memory_space<hbm>>
        %dma_start3A_68 = arith.constant 0 : i32
        %dma_start3A_69 = arith.constant 0 : i32
        %dma_start3A_70 = tpu.memref_slice %arg6[%dma_start3A_68, %dma_start3A_69] : memref<32x128xi32, #tpu.memory_space<vmem>> -> memref<32x128xi32, #tpu.memory_space<vmem>>
        %dma_start3A_71 = arith.constant 0 : i32
        %dma_start3A_72 = tpu.memref_slice %arg3[%add3A_30, %dma_start3A_71] : memref<2560x128xi32, #tpu.memory_space<hbm>> -> memref<32x128xi32, #tpu.memory_space<hbm>>
        tpu.enqueue_dma source(%dma_start3A_72 : memref<32x128xi32, #tpu.memory_space<hbm>>) target(%dma_start3A_70 : memref<32x128xi32, #tpu.memory_space<vmem>>) target_semaphore(%run_scoped3A_62 : memref<!tpu.dma_semaphore, #tpu.memory_space<semaphore_mem>>)
        %dma_wait3A_73 = arith.constant 0 : i32
        %dma_wait3A_74 = arith.constant 0 : i32
        %dma_wait3A_75 = tpu.memref_slice %arg6[%dma_wait3A_73, %dma_wait3A_74] : memref<32x128xi32, #tpu.memory_space<vmem>> -> memref<32x128xi32, #tpu.memory_space<vmem>>
        %dma_wait3A_76 = arith.constant 0 : i32
        %dma_wait3A_77 = tpu.memref_slice %arg3[%add3A_30, %dma_wait3A_76] : memref<2560x128xi32, #tpu.memory_space<hbm>> -> memref<32x128xi32, #tpu.memory_space<hbm>>
        %dma_wait3A_78 = arith.constant 0 : i32
        %dma_wait3A_79 = arith.constant 0 : i32
        %dma_wait3A_80 = tpu.memref_slice %arg6[%dma_wait3A_78, %dma_wait3A_79] : memref<32x128xi32, #tpu.memory_space<vmem>> -> memref<32x128xi32, #tpu.memory_space<vmem>>
        %dma_wait3A_81 = arith.constant 0 : i32
        %dma_wait3A_82 = tpu.memref_slice %arg3[%add3A_30, %dma_wait3A_81] : memref<2560x128xi32, #tpu.memory_space<hbm>> -> memref<32x128xi32, #tpu.memory_space<hbm>>
        tpu.wait_dma2 semaphore(%run_scoped3A_62 : memref<!tpu.dma_semaphore, #tpu.memory_space<semaphore_mem>>) src(%dma_wait3A_82 : memref<32x128xi32, #tpu.memory_space<hbm>>) dst(%dma_wait3A_80 : memref<32x128xi32, #tpu.memory_space<vmem>>)
        tpu.yield
      }) : () -> ()
      "tpu.region"() ({
        %run_scoped3A_62 = tpu.sem_alloc : memref<!tpu.dma_semaphore, #tpu.memory_space<semaphore_mem>>
        %dma_start3A_63 = arith.constant 0 : i32
        %dma_start3A_64 = arith.constant 0 : i32
        %dma_start3A_65 = tpu.memref_slice %arg7[%dma_start3A_63, %dma_start3A_64] : memref<32x128xi32, #tpu.memory_space<vmem>> -> memref<32x128xi32, #tpu.memory_space<vmem>>
        %dma_start3A_66 = arith.constant 0 : i32
        %dma_start3A_67 = tpu.memref_slice %arg4[%add3A_30, %dma_start3A_66] : memref<2560x128xi32, #tpu.memory_space<hbm>> -> memref<32x128xi32, #tpu.memory_space<hbm>>
        %dma_start3A_68 = arith.constant 0 : i32
        %dma_start3A_69 = arith.constant 0 : i32
        %dma_start3A_70 = tpu.memref_slice %arg7[%dma_start3A_68, %dma_start3A_69] : memref<32x128xi32, #tpu.memory_space<vmem>> -> memref<32x128xi32, #tpu.memory_space<vmem>>
        %dma_start3A_71 = arith.constant 0 : i32
        %dma_start3A_72 = tpu.memref_slice %arg4[%add3A_30, %dma_start3A_71] : memref<2560x128xi32, #tpu.memory_space<hbm>> -> memref<32x128xi32, #tpu.memory_space<hbm>>
        tpu.enqueue_dma source(%dma_start3A_72 : memref<32x128xi32, #tpu.memory_space<hbm>>) target(%dma_start3A_70 : memref<32x128xi32, #tpu.memory_space<vmem>>) target_semaphore(%run_scoped3A_62 : memref<!tpu.dma_semaphore, #tpu.memory_space<semaphore_mem>>)
        %dma_wait3A_73 = arith.constant 0 : i32
        %dma_wait3A_74 = arith.constant 0 : i32
        %dma_wait3A_75 = tpu.memref_slice %arg7[%dma_wait3A_73, %dma_wait3A_74] : memref<32x128xi32, #tpu.memory_space<vmem>> -> memref<32x128xi32, #tpu.memory_space<vmem>>
        %dma_wait3A_76 = arith.constant 0 : i32
        %dma_wait3A_77 = tpu.memref_slice %arg4[%add3A_30, %dma_wait3A_76] : memref<2560x128xi32, #tpu.memory_space<hbm>> -> memref<32x128xi32, #tpu.memory_space<hbm>>
        %dma_wait3A_78 = arith.constant 0 : i32
        %dma_wait3A_79 = arith.constant 0 : i32
        %dma_wait3A_80 = tpu.memref_slice %arg7[%dma_wait3A_78, %dma_wait3A_79] : memref<32x128xi32, #tpu.memory_space<vmem>> -> memref<32x128xi32, #tpu.memory_space<vmem>>
        %dma_wait3A_81 = arith.constant 0 : i32
        %dma_wait3A_82 = tpu.memref_slice %arg4[%add3A_30, %dma_wait3A_81] : memref<2560x128xi32, #tpu.memory_space<hbm>> -> memref<32x128xi32, #tpu.memory_space<hbm>>
        tpu.wait_dma2 semaphore(%run_scoped3A_62 : memref<!tpu.dma_semaphore, #tpu.memory_space<semaphore_mem>>) src(%dma_wait3A_82 : memref<32x128xi32, #tpu.memory_space<hbm>>) dst(%dma_wait3A_80 : memref<32x128xi32, #tpu.memory_space<vmem>>)
        tpu.yield
      }) : () -> ()
      %dma_start3A = arith.constant 0 : i32
      %dma_start3A_31 = arith.constant 0 : i32
      %dma_start3A_32 = tpu.memref_slice %arg6[%dma_start3A, %dma_start3A_31] : memref<32x128xi32, #tpu.memory_space<vmem>> -> memref<1x128xi32, #tpu.memory_space<vmem>>
      %dma_start3A_33 = tpu.memref_squeeze %dma_start3A_32 : memref<1x128xi32, #tpu.memory_space<vmem>> -> memref<128xi32, #tpu.memory_space<vmem>>
      %dma_start3A_34 = arith.constant 0 : i32
      %dma_start3A_35 = arith.constant 0 : i32
      %dma_start3A_36 = tpu.memref_slice %arg2[%dma_start3A_34, %dma_start3A_35] : memref<10112x128xf32, #tpu.memory_space<hbm>> -> memref<10112x128xf32, #tpu.memory_space<hbm>>
      tpu.enqueue_indirect_dma source(%dma_start3A_36 : memref<10112x128xf32, #tpu.memory_space<hbm>>) target(%arg8 : memref<128x128xf32, #tpu.memory_space<vmem>>) offsets(%dma_start3A_33 : memref<128xi32, #tpu.memory_space<vmem>>) semaphore(%arg11 : memref<!tpu.dma_semaphore, #tpu.memory_space<semaphore_mem>>)
      %dma_start3A_37 = arith.constant 1 : i32
      %dma_start3A_38 = arith.constant 0 : i32
      %dma_start3A_39 = tpu.memref_slice %arg6[%dma_start3A_37, %dma_start3A_38] : memref<32x128xi32, #tpu.memory_space<vmem>> -> memref<1x128xi32, #tpu.memory_space<vmem>>
      %dma_start3A_40 = tpu.memref_squeeze %dma_start3A_39 : memref<1x128xi32, #tpu.memory_space<vmem>> -> memref<128xi32, #tpu.memory_space<vmem>>
      %dma_start3A_41 = arith.constant 0 : i32
      %dma_start3A_42 = arith.constant 0 : i32
      %dma_start3A_43 = tpu.memref_slice %arg2[%dma_start3A_41, %dma_start3A_42] : memref<10112x128xf32, #tpu.memory_space<hbm>> -> memref<10112x128xf32, #tpu.memory_space<hbm>>
      tpu.enqueue_indirect_dma source(%dma_start3A_43 : memref<10112x128xf32, #tpu.memory_space<hbm>>) target(%arg9 : memref<128x128xf32, #tpu.memory_space<vmem>>) offsets(%dma_start3A_40 : memref<128xi32, #tpu.memory_space<vmem>>) semaphore(%arg12 : memref<!tpu.dma_semaphore, #tpu.memory_space<semaphore_mem>>)
      %scan3A_44 = arith.constant 0 : i32
      %scan3A_45 = arith.constant 15 : i32
      %scan3A_46 = arith.addi %scan3A_44, %scan3A_45 : i32
      %scan3A_47 = arith.constant 1 : i32
      scf.for %scan3A_62 = %scan3A_44 to %scan3A_46 step %scan3A_47  : i32 {
        %mul3A_63 = arith.constant 2 : i32
        %mul3A_64 = arith.muli %scan3A_62, %mul3A_63 : i32
        %add3A_65 = arith.constant 0 : i32
        %add3A_66 = arith.addi %add3A_65, %mul3A_64 : i32
        %dma_wait3A_67 = arith.constant 0 : i32
        %dma_wait3A_68 = arith.constant 0 : i32
        %dma_wait3A_69 = tpu.memref_slice %arg2[%dma_wait3A_67, %dma_wait3A_68] : memref<10112x128xf32, #tpu.memory_space<hbm>> -> memref<128x128xf32, #tpu.memory_space<hbm>>
        %dma_wait3A_70 = arith.constant 0 : i32
        %dma_wait3A_71 = arith.constant 0 : i32
        %dma_wait3A_72 = tpu.memref_slice %arg2[%dma_wait3A_70, %dma_wait3A_71] : memref<10112x128xf32, #tpu.memory_space<hbm>> -> memref<128x128xf32, #tpu.memory_space<hbm>>
        tpu.wait_dma2 semaphore(%arg11 : memref<!tpu.dma_semaphore, #tpu.memory_space<semaphore_mem>>) src(%dma_wait3A_72 : memref<128x128xf32, #tpu.memory_space<hbm>>) dst(%arg8 : memref<128x128xf32, #tpu.memory_space<vmem>>)
        "tpu.region"() ({
          %run_scoped3A_97 = tpu.sem_alloc : memref<!tpu.dma_semaphore, #tpu.memory_space<semaphore_mem>>
          %dma_start3A_98 = arith.constant 0 : i32
          %dma_start3A_99 = tpu.memref_slice %arg7[%add3A_66, %dma_start3A_98] : memref<32x128xi32, #tpu.memory_space<vmem>> -> memref<1x128xi32, #tpu.memory_space<vmem>>
          %dma_start3A_100 = tpu.memref_squeeze %dma_start3A_99 : memref<1x128xi32, #tpu.memory_space<vmem>> -> memref<128xi32, #tpu.memory_space<vmem>>
          %dma_start3A_101 = arith.constant 0 : i32
          %dma_start3A_102 = arith.constant 0 : i32
          %dma_start3A_103 = tpu.memref_slice %arg10[%dma_start3A_101, %dma_start3A_102] : memref<10112x128xf32, #tpu.memory_space<vmem_shared>> -> memref<10112x128xf32, #tpu.memory_space<vmem_shared>>
          tpu.enqueue_indirect_dma source(%arg8 : memref<128x128xf32, #tpu.memory_space<vmem>>) target(%dma_start3A_103 : memref<10112x128xf32, #tpu.memory_space<vmem_shared>>) offsets(%dma_start3A_100 : memref<128xi32, #tpu.memory_space<vmem>>) semaphore(%run_scoped3A_97 : memref<!tpu.dma_semaphore, #tpu.memory_space<semaphore_mem>>) {add = true}
          %dma_wait3A_104 = arith.constant 0 : i32
          %dma_wait3A_105 = tpu.memref_slice %arg7[%add3A_66, %dma_wait3A_104] : memref<32x128xi32, #tpu.memory_space<vmem>> -> memref<1x128xi32, #tpu.memory_space<vmem>>
          %dma_wait3A_106 = tpu.memref_squeeze %dma_wait3A_105 : memref<1x128xi32, #tpu.memory_space<vmem>> -> memref<128xi32, #tpu.memory_space<vmem>>
          %dma_wait3A_107 = arith.constant 0 : i32
          %dma_wait3A_108 = arith.constant 0 : i32
          %dma_wait3A_109 = tpu.memref_slice %arg10[%dma_wait3A_107, %dma_wait3A_108] : memref<10112x128xf32, #tpu.memory_space<vmem_shared>> -> memref<10112x128xf32, #tpu.memory_space<vmem_shared>>
          tpu.wait_indirect_dma semaphore(%run_scoped3A_97 : memref<!tpu.dma_semaphore, #tpu.memory_space<semaphore_mem>>) src(%arg8 : memref<128x128xf32, #tpu.memory_space<vmem>>) dst(%dma_wait3A_109 : memref<10112x128xf32, #tpu.memory_space<vmem_shared>>)
          tpu.yield
        }) : () -> ()
        %add3A_73 = arith.constant 2 : i32
        %add3A_74 = arith.addi %add3A_66, %add3A_73 : i32
        %dma_start3A_75 = arith.constant 0 : i32
        %dma_start3A_76 = tpu.memref_slice %arg6[%add3A_74, %dma_start3A_75] : memref<32x128xi32, #tpu.memory_space<vmem>> -> memref<1x128xi32, #tpu.memory_space<vmem>>
        %dma_start3A_77 = tpu.memref_squeeze %dma_start3A_76 : memref<1x128xi32, #tpu.memory_space<vmem>> -> memref<128xi32, #tpu.memory_space<vmem>>
        %dma_start3A_78 = arith.constant 0 : i32
        %dma_start3A_79 = arith.constant 0 : i32
        %dma_start3A_80 = tpu.memref_slice %arg2[%dma_start3A_78, %dma_start3A_79] : memref<10112x128xf32, #tpu.memory_space<hbm>> -> memref<10112x128xf32, #tpu.memory_space<hbm>>
        tpu.enqueue_indirect_dma source(%dma_start3A_80 : memref<10112x128xf32, #tpu.memory_space<hbm>>) target(%arg8 : memref<128x128xf32, #tpu.memory_space<vmem>>) offsets(%dma_start3A_77 : memref<128xi32, #tpu.memory_space<vmem>>) semaphore(%arg11 : memref<!tpu.dma_semaphore, #tpu.memory_space<semaphore_mem>>)
        %dma_wait3A_81 = arith.constant 0 : i32
        %dma_wait3A_82 = arith.constant 0 : i32
        %dma_wait3A_83 = tpu.memref_slice %arg2[%dma_wait3A_81, %dma_wait3A_82] : memref<10112x128xf32, #tpu.memory_space<hbm>> -> memref<128x128xf32, #tpu.memory_space<hbm>>
        %dma_wait3A_84 = arith.constant 0 : i32
        %dma_wait3A_85 = arith.constant 0 : i32
        %dma_wait3A_86 = tpu.memref_slice %arg2[%dma_wait3A_84, %dma_wait3A_85] : memref<10112x128xf32, #tpu.memory_space<hbm>> -> memref<128x128xf32, #tpu.memory_space<hbm>>
        tpu.wait_dma2 semaphore(%arg12 : memref<!tpu.dma_semaphore, #tpu.memory_space<semaphore_mem>>) src(%dma_wait3A_86 : memref<128x128xf32, #tpu.memory_space<hbm>>) dst(%arg9 : memref<128x128xf32, #tpu.memory_space<vmem>>)
        %add3A_87 = arith.constant 1 : i32
        %add3A_88 = arith.addi %add3A_66, %add3A_87 : i32
        "tpu.region"() ({
          %run_scoped3A_97 = tpu.sem_alloc : memref<!tpu.dma_semaphore, #tpu.memory_space<semaphore_mem>>
          %dma_start3A_98 = arith.constant 0 : i32
          %dma_start3A_99 = tpu.memref_slice %arg7[%add3A_88, %dma_start3A_98] : memref<32x128xi32, #tpu.memory_space<vmem>> -> memref<1x128xi32, #tpu.memory_space<vmem>>
          %dma_start3A_100 = tpu.memref_squeeze %dma_start3A_99 : memref<1x128xi32, #tpu.memory_space<vmem>> -> memref<128xi32, #tpu.memory_space<vmem>>
          %dma_start3A_101 = arith.constant 0 : i32
          %dma_start3A_102 = arith.constant 0 : i32
          %dma_start3A_103 = tpu.memref_slice %arg10[%dma_start3A_101, %dma_start3A_102] : memref<10112x128xf32, #tpu.memory_space<vmem_shared>> -> memref<10112x128xf32, #tpu.memory_space<vmem_shared>>
          tpu.enqueue_indirect_dma source(%arg9 : memref<128x128xf32, #tpu.memory_space<vmem>>) target(%dma_start3A_103 : memref<10112x128xf32, #tpu.memory_space<vmem_shared>>) offsets(%dma_start3A_100 : memref<128xi32, #tpu.memory_space<vmem>>) semaphore(%run_scoped3A_97 : memref<!tpu.dma_semaphore, #tpu.memory_space<semaphore_mem>>) {add = true}
          %dma_wait3A_104 = arith.constant 0 : i32
          %dma_wait3A_105 = tpu.memref_slice %arg7[%add3A_88, %dma_wait3A_104] : memref<32x128xi32, #tpu.memory_space<vmem>> -> memref<1x128xi32, #tpu.memory_space<vmem>>
          %dma_wait3A_106 = tpu.memref_squeeze %dma_wait3A_105 : memref<1x128xi32, #tpu.memory_space<vmem>> -> memref<128xi32, #tpu.memory_space<vmem>>
          %dma_wait3A_107 = arith.constant 0 : i32
          %dma_wait3A_108 = arith.constant 0 : i32
          %dma_wait3A_109 = tpu.memref_slice %arg10[%dma_wait3A_107, %dma_wait3A_108] : memref<10112x128xf32, #tpu.memory_space<vmem_shared>> -> memref<10112x128xf32, #tpu.memory_space<vmem_shared>>
          tpu.wait_indirect_dma semaphore(%run_scoped3A_97 : memref<!tpu.dma_semaphore, #tpu.memory_space<semaphore_mem>>) src(%arg9 : memref<128x128xf32, #tpu.memory_space<vmem>>) dst(%dma_wait3A_109 : memref<10112x128xf32, #tpu.memory_space<vmem_shared>>)
          tpu.yield
        }) : () -> ()
        %add3A_89 = arith.constant 3 : i32
        %add3A_90 = arith.addi %add3A_66, %add3A_89 : i32
        %dma_start3A_91 = arith.constant 0 : i32
        %dma_start3A_92 = tpu.memref_slice %arg6[%add3A_90, %dma_start3A_91] : memref<32x128xi32, #tpu.memory_space<vmem>> -> memref<1x128xi32, #tpu.memory_space<vmem>>
        %dma_start3A_93 = tpu.memref_squeeze %dma_start3A_92 : memref<1x128xi32, #tpu.memory_space<vmem>> -> memref<128xi32, #tpu.memory_space<vmem>>
        %dma_start3A_94 = arith.constant 0 : i32
        %dma_start3A_95 = arith.constant 0 : i32
        %dma_start3A_96 = tpu.memref_slice %arg2[%dma_start3A_94, %dma_start3A_95] : memref<10112x128xf32, #tpu.memory_space<hbm>> -> memref<10112x128xf32, #tpu.memory_space<hbm>>
        tpu.enqueue_indirect_dma source(%dma_start3A_96 : memref<10112x128xf32, #tpu.memory_space<hbm>>) target(%arg9 : memref<128x128xf32, #tpu.memory_space<vmem>>) offsets(%dma_start3A_93 : memref<128xi32, #tpu.memory_space<vmem>>) semaphore(%arg12 : memref<!tpu.dma_semaphore, #tpu.memory_space<semaphore_mem>>)
      }
      %scan3A_48 = arith.constant 15 : i32
      %dma_wait3A = arith.constant 0 : i32
      %dma_wait3A_49 = arith.constant 0 : i32
      %dma_wait3A_50 = tpu.memref_slice %arg2[%dma_wait3A, %dma_wait3A_49] : memref<10112x128xf32, #tpu.memory_space<hbm>> -> memref<128x128xf32, #tpu.memory_space<hbm>>
      %dma_wait3A_51 = arith.constant 0 : i32
      %dma_wait3A_52 = arith.constant 0 : i32
      %dma_wait3A_53 = tpu.memref_slice %arg2[%dma_wait3A_51, %dma_wait3A_52] : memref<10112x128xf32, #tpu.memory_space<hbm>> -> memref<128x128xf32, #tpu.memory_space<hbm>>
      tpu.wait_dma2 semaphore(%arg11 : memref<!tpu.dma_semaphore, #tpu.memory_space<semaphore_mem>>) src(%dma_wait3A_53 : memref<128x128xf32, #tpu.memory_space<hbm>>) dst(%arg8 : memref<128x128xf32, #tpu.memory_space<vmem>>)
      %run_scoped3A = arith.constant 30 : i32
      "tpu.region"() ({
        %run_scoped3A_62 = tpu.sem_alloc : memref<!tpu.dma_semaphore, #tpu.memory_space<semaphore_mem>>
        %dma_start3A_63 = arith.constant 0 : i32
        %dma_start3A_64 = tpu.memref_slice %arg7[%run_scoped3A, %dma_start3A_63] : memref<32x128xi32, #tpu.memory_space<vmem>> -> memref<1x128xi32, #tpu.memory_space<vmem>>
        %dma_start3A_65 = tpu.memref_squeeze %dma_start3A_64 : memref<1x128xi32, #tpu.memory_space<vmem>> -> memref<128xi32, #tpu.memory_space<vmem>>
        %dma_start3A_66 = arith.constant 0 : i32
        %dma_start3A_67 = arith.constant 0 : i32
        %dma_start3A_68 = tpu.memref_slice %arg10[%dma_start3A_66, %dma_start3A_67] : memref<10112x128xf32, #tpu.memory_space<vmem_shared>> -> memref<10112x128xf32, #tpu.memory_space<vmem_shared>>
        tpu.enqueue_indirect_dma source(%arg8 : memref<128x128xf32, #tpu.memory_space<vmem>>) target(%dma_start3A_68 : memref<10112x128xf32, #tpu.memory_space<vmem_shared>>) offsets(%dma_start3A_65 : memref<128xi32, #tpu.memory_space<vmem>>) semaphore(%run_scoped3A_62 : memref<!tpu.dma_semaphore, #tpu.memory_space<semaphore_mem>>) {add = true}
        %dma_wait3A_69 = arith.constant 0 : i32
        %dma_wait3A_70 = tpu.memref_slice %arg7[%run_scoped3A, %dma_wait3A_69] : memref<32x128xi32, #tpu.memory_space<vmem>> -> memref<1x128xi32, #tpu.memory_space<vmem>>
        %dma_wait3A_71 = tpu.memref_squeeze %dma_wait3A_70 : memref<1x128xi32, #tpu.memory_space<vmem>> -> memref<128xi32, #tpu.memory_space<vmem>>
        %dma_wait3A_72 = arith.constant 0 : i32
        %dma_wait3A_73 = arith.constant 0 : i32
        %dma_wait3A_74 = tpu.memref_slice %arg10[%dma_wait3A_72, %dma_wait3A_73] : memref<10112x128xf32, #tpu.memory_space<vmem_shared>> -> memref<10112x128xf32, #tpu.memory_space<vmem_shared>>
        tpu.wait_indirect_dma semaphore(%run_scoped3A_62 : memref<!tpu.dma_semaphore, #tpu.memory_space<semaphore_mem>>) src(%arg8 : memref<128x128xf32, #tpu.memory_space<vmem>>) dst(%dma_wait3A_74 : memref<10112x128xf32, #tpu.memory_space<vmem_shared>>)
        tpu.yield
      }) : () -> ()
      %dma_wait3A_54 = arith.constant 0 : i32
      %dma_wait3A_55 = arith.constant 0 : i32
      %dma_wait3A_56 = tpu.memref_slice %arg2[%dma_wait3A_54, %dma_wait3A_55] : memref<10112x128xf32, #tpu.memory_space<hbm>> -> memref<128x128xf32, #tpu.memory_space<hbm>>
      %dma_wait3A_57 = arith.constant 0 : i32
      %dma_wait3A_58 = arith.constant 0 : i32
      %dma_wait3A_59 = tpu.memref_slice %arg2[%dma_wait3A_57, %dma_wait3A_58] : memref<10112x128xf32, #tpu.memory_space<hbm>> -> memref<128x128xf32, #tpu.memory_space<hbm>>
      tpu.wait_dma2 semaphore(%arg12 : memref<!tpu.dma_semaphore, #tpu.memory_space<semaphore_mem>>) src(%dma_wait3A_59 : memref<128x128xf32, #tpu.memory_space<hbm>>) dst(%arg9 : memref<128x128xf32, #tpu.memory_space<vmem>>)
      %run_scoped3A_60 = arith.constant 31 : i32
      "tpu.region"() ({
        %run_scoped3A_62 = tpu.sem_alloc : memref<!tpu.dma_semaphore, #tpu.memory_space<semaphore_mem>>
        %dma_start3A_63 = arith.constant 0 : i32
        %dma_start3A_64 = tpu.memref_slice %arg7[%run_scoped3A_60, %dma_start3A_63] : memref<32x128xi32, #tpu.memory_space<vmem>> -> memref<1x128xi32, #tpu.memory_space<vmem>>
        %dma_start3A_65 = tpu.memref_squeeze %dma_start3A_64 : memref<1x128xi32, #tpu.memory_space<vmem>> -> memref<128xi32, #tpu.memory_space<vmem>>
        %dma_start3A_66 = arith.constant 0 : i32
        %dma_start3A_67 = arith.constant 0 : i32
        %dma_start3A_68 = tpu.memref_slice %arg10[%dma_start3A_66, %dma_start3A_67] : memref<10112x128xf32, #tpu.memory_space<vmem_shared>> -> memref<10112x128xf32, #tpu.memory_space<vmem_shared>>
        tpu.enqueue_indirect_dma source(%arg9 : memref<128x128xf32, #tpu.memory_space<vmem>>) target(%dma_start3A_68 : memref<10112x128xf32, #tpu.memory_space<vmem_shared>>) offsets(%dma_start3A_65 : memref<128xi32, #tpu.memory_space<vmem>>) semaphore(%run_scoped3A_62 : memref<!tpu.dma_semaphore, #tpu.memory_space<semaphore_mem>>) {add = true}
        %dma_wait3A_69 = arith.constant 0 : i32
        %dma_wait3A_70 = tpu.memref_slice %arg7[%run_scoped3A_60, %dma_wait3A_69] : memref<32x128xi32, #tpu.memory_space<vmem>> -> memref<1x128xi32, #tpu.memory_space<vmem>>
        %dma_wait3A_71 = tpu.memref_squeeze %dma_wait3A_70 : memref<1x128xi32, #tpu.memory_space<vmem>> -> memref<128xi32, #tpu.memory_space<vmem>>
        %dma_wait3A_72 = arith.constant 0 : i32
        %dma_wait3A_73 = arith.constant 0 : i32
        %dma_wait3A_74 = tpu.memref_slice %arg10[%dma_wait3A_72, %dma_wait3A_73] : memref<10112x128xf32, #tpu.memory_space<vmem_shared>> -> memref<10112x128xf32, #tpu.memory_space<vmem_shared>>
        tpu.wait_indirect_dma semaphore(%run_scoped3A_62 : memref<!tpu.dma_semaphore, #tpu.memory_space<semaphore_mem>>) src(%arg9 : memref<128x128xf32, #tpu.memory_space<vmem>>) dst(%dma_wait3A_74 : memref<10112x128xf32, #tpu.memory_space<vmem_shared>>)
        tpu.yield
      }) : () -> ()
      %scan3A_61 = arith.constant 1 : i32
    } else {
    }
    %barrier3A_18 = arith.constant 0 : index
    tpu.barrier barrier_id(%barrier3A_18)
    "tpu.region"() ({
      %run_scoped3A = tpu.sem_alloc : memref<!tpu.dma_semaphore, #tpu.memory_space<semaphore_mem>>
      %dma_start3A = arith.constant 0 : i32
      %dma_start3A_19 = tpu.memref_slice %arg5[%arg0, %mul3A_0, %dma_start3A] : memref<2x10112x128xf32, #tpu.memory_space<hbm>> -> memref<1x632x128xf32, #tpu.memory_space<hbm>>
      %dma_start3A_20 = tpu.memref_squeeze %dma_start3A_19 : memref<1x632x128xf32, #tpu.memory_space<hbm>> -> memref<632x128xf32, #tpu.memory_space<hbm>>
      %dma_start3A_21 = arith.constant 0 : i32
      %dma_start3A_22 = tpu.memref_slice %arg10[%mul3A_0, %dma_start3A_21] : memref<10112x128xf32, #tpu.memory_space<vmem_shared>> -> memref<632x128xf32, #tpu.memory_space<vmem_shared>>
      tpu.enqueue_dma source(%dma_start3A_22 : memref<632x128xf32, #tpu.memory_space<vmem_shared>>) target(%dma_start3A_20 : memref<632x128xf32, #tpu.memory_space<hbm>>) target_semaphore(%run_scoped3A : memref<!tpu.dma_semaphore, #tpu.memory_space<semaphore_mem>>)
      %dma_wait3A = arith.constant 0 : i32
      %dma_wait3A_23 = tpu.memref_slice %arg5[%arg0, %mul3A_0, %dma_wait3A] : memref<2x10112x128xf32, #tpu.memory_space<hbm>> -> memref<1x632x128xf32, #tpu.memory_space<hbm>>
      %dma_wait3A_24 = tpu.memref_squeeze %dma_wait3A_23 : memref<1x632x128xf32, #tpu.memory_space<hbm>> -> memref<632x128xf32, #tpu.memory_space<hbm>>
      %dma_wait3A_25 = arith.constant 0 : i32
      %dma_wait3A_26 = tpu.memref_slice %arg10[%mul3A_0, %dma_wait3A_25] : memref<10112x128xf32, #tpu.memory_space<vmem_shared>> -> memref<632x128xf32, #tpu.memory_space<vmem_shared>>
      tpu.wait_dma2 semaphore(%run_scoped3A : memref<!tpu.dma_semaphore, #tpu.memory_space<semaphore_mem>>) src(%dma_wait3A_26 : memref<632x128xf32, #tpu.memory_space<vmem_shared>>) dst(%dma_wait3A_24 : memref<632x128xf32, #tpu.memory_space<hbm>>)
      tpu.yield
    }) : () -> ()
    return
  }
}

#map = affine_map<(d0, d1) -> (0, 0)>
#map1 = affine_map<(d0, d1) -> (0, 0, 0)>
module attributes {stable_mosaic.version = 14 : i64} {
  func.func @body(%arg0: i32, %arg1: i32, %arg2: memref<2560x128xi32, #tpu.memory_space<hbm>>, %arg3: memref<2x10112x128xf32, #tpu.memory_space<hbm>>, %arg4: memref<80x128xi32, #tpu.memory_space<vmem>>, %arg5: memref<128x128xf32, #tpu.memory_space<vmem>>, %arg6: memref<10112x128xf32, #tpu.memory_space<vmem_shared>>, %arg7: memref<!tpu.dma_semaphore, #tpu.memory_space<semaphore_mem>>) attributes {dimension_semantics = [#tpu.dimension_semantics<core_parallel>, #tpu.dimension_semantics<subcore_parallel>], iteration_bounds = array<i64: 2, 16>, scalar_prefetch = 0 : i64, scratch_operands = 4 : i64, tpu.core_type = #tpu.core_type<sc_vector_subcore>, window_params = [{transform_indices = #map}, {transform_indices = #map1}]} {
    %mul3A = arith.constant 2 : i32
    %mul3A_0 = arith.muli %arg1, %mul3A : i32
    %add3A = arith.addi %mul3A_0, %arg0 : i32
    %mul3A_1 = arith.constant 632 : i32
    %mul3A_2 = arith.muli %arg1, %mul3A_1 : i32
    %mul3A_3 = arith.constant 80 : i32
    %mul3A_4 = arith.muli %add3A, %mul3A_3 : i32
    "tpu.region"() ({
      %run_scoped3A = tpu.sem_alloc : memref<!tpu.dma_semaphore, #tpu.memory_space<semaphore_mem>>
      %dma_start3A = arith.constant 0 : i32
      %dma_start3A_30 = tpu.memref_slice %arg2[%mul3A_4, %dma_start3A] : memref<2560x128xi32, #tpu.memory_space<hbm>> -> memref<80x128xi32, #tpu.memory_space<hbm>>
      %dma_start3A_31 = arith.constant 0 : i32
      %dma_start3A_32 = tpu.memref_slice %arg2[%mul3A_4, %dma_start3A_31] : memref<2560x128xi32, #tpu.memory_space<hbm>> -> memref<80x128xi32, #tpu.memory_space<hbm>>
      tpu.enqueue_dma source(%dma_start3A_32 : memref<80x128xi32, #tpu.memory_space<hbm>>) target(%arg4 : memref<80x128xi32, #tpu.memory_space<vmem>>) target_semaphore(%run_scoped3A : memref<!tpu.dma_semaphore, #tpu.memory_space<semaphore_mem>>)
      %dma_wait3A = arith.constant 0 : i32
      %dma_wait3A_33 = tpu.memref_slice %arg2[%mul3A_4, %dma_wait3A] : memref<2560x128xi32, #tpu.memory_space<hbm>> -> memref<80x128xi32, #tpu.memory_space<hbm>>
      %dma_wait3A_34 = arith.constant 0 : i32
      %dma_wait3A_35 = tpu.memref_slice %arg2[%mul3A_4, %dma_wait3A_34] : memref<2560x128xi32, #tpu.memory_space<hbm>> -> memref<80x128xi32, #tpu.memory_space<hbm>>
      tpu.wait_dma2 semaphore(%run_scoped3A : memref<!tpu.dma_semaphore, #tpu.memory_space<semaphore_mem>>) src(%dma_wait3A_35 : memref<80x128xi32, #tpu.memory_space<hbm>>) dst(%arg4 : memref<80x128xi32, #tpu.memory_space<vmem>>)
      tpu.yield
    }) : () -> ()
    %broadcast_in_dim3A = arith.constant 0.000000e+00 : f32
    %broadcast_in_dim3A_5 = vector.broadcast %broadcast_in_dim3A : f32 to vector<16xf32>
    %scan3A = arith.constant 0 : i32
    %scan3A_6 = arith.constant 128 : i32
    %scan3A_7 = arith.addi %scan3A, %scan3A_6 : i32
    %scan3A_8 = arith.constant 1 : i32
    scf.for %scan3A_30 = %scan3A to %scan3A_7 step %scan3A_8  : i32 {
      %mul3A_31 = arith.constant 1 : i32
      %mul3A_32 = arith.muli %scan3A_30, %mul3A_31 : i32
      %add3A_33 = arith.constant 0 : i32
      %add3A_34 = arith.addi %add3A_33, %mul3A_32 : i32
      %scan3A_35 = arith.constant 0 : i32
      %scan3A_36 = arith.constant 8 : i32
      %scan3A_37 = arith.addi %scan3A_35, %scan3A_36 : i32
      %scan3A_38 = arith.constant 1 : i32
      scf.for %scan3A_40 = %scan3A_35 to %scan3A_37 step %scan3A_38  : i32 {
        %mul3A_41 = arith.constant 16 : i32
        %mul3A_42 = arith.muli %scan3A_40, %mul3A_41 : i32
        %add3A_43 = arith.constant 0 : i32
        %add3A_44 = arith.addi %add3A_43, %mul3A_42 : i32
        %swap3A = arith.index_cast %add3A_34 : i32 to index
        %swap3A_45 = arith.index_cast %add3A_44 : i32 to index
        %swap3A_46 = tpu.vector_load %arg5[%swap3A, %swap3A_45] {strides = array<i32>} : memref<128x128xf32, #tpu.memory_space<vmem>>, vector<1x16xf32>,
        %swap3A_47 = vector.shape_cast %swap3A_46 : vector<1x16xf32> to vector<16xf32>
        %swap3A_48 = vector.shape_cast %broadcast_in_dim3A_5 : vector<16xf32> to vector<1x16xf32>
        tpu.vector_store %arg5[%swap3A, %swap3A_45], %swap3A_48 {strides = array<i32>} : memref<128x128xf32, #tpu.memory_space<vmem>>, vector<1x16xf32>,
      }
      %scan3A_39 = arith.constant 8 : i32
    }
    %scan3A_9 = arith.constant 128 : i32
    %scan3A_10 = arith.constant 0 : i32
    %scan3A_11 = arith.constant 4 : i32
    %scan3A_12 = arith.addi %scan3A_10, %scan3A_11 : i32
    %scan3A_13 = arith.constant 1 : i32
    scf.for %scan3A_30 = %scan3A_10 to %scan3A_12 step %scan3A_13  : i32 {
      %mul3A_31 = arith.constant 1 : i32
      %mul3A_32 = arith.muli %scan3A_30, %mul3A_31 : i32
      %add3A_33 = arith.constant 0 : i32
      %add3A_34 = arith.addi %add3A_33, %mul3A_32 : i32
      %mul3A_35 = arith.constant 128 : i32
      %mul3A_36 = arith.muli %add3A_34, %mul3A_35 : i32
      %add3A_37 = arith.addi %mul3A_2, %mul3A_36 : i32
      "tpu.region"() ({
        %run_scoped3A = tpu.sem_alloc : memref<!tpu.dma_semaphore, #tpu.memory_space<semaphore_mem>>
        %dma_start3A = arith.constant 0 : i32
        %dma_start3A_38 = tpu.memref_slice %arg6[%add3A_37, %dma_start3A] : memref<10112x128xf32, #tpu.memory_space<vmem_shared>> -> memref<128x128xf32, #tpu.memory_space<vmem_shared>>
        %dma_start3A_39 = arith.constant 0 : i32
        %dma_start3A_40 = tpu.memref_slice %arg6[%add3A_37, %dma_start3A_39] : memref<10112x128xf32, #tpu.memory_space<vmem_shared>> -> memref<128x128xf32, #tpu.memory_space<vmem_shared>>
        tpu.enqueue_dma source(%arg5 : memref<128x128xf32, #tpu.memory_space<vmem>>) target(%dma_start3A_40 : memref<128x128xf32, #tpu.memory_space<vmem_shared>>) target_semaphore(%run_scoped3A : memref<!tpu.dma_semaphore, #tpu.memory_space<semaphore_mem>>)
        %dma_wait3A = arith.constant 0 : i32
        %dma_wait3A_41 = tpu.memref_slice %arg6[%add3A_37, %dma_wait3A] : memref<10112x128xf32, #tpu.memory_space<vmem_shared>> -> memref<128x128xf32, #tpu.memory_space<vmem_shared>>
        %dma_wait3A_42 = arith.constant 0 : i32
        %dma_wait3A_43 = tpu.memref_slice %arg6[%add3A_37, %dma_wait3A_42] : memref<10112x128xf32, #tpu.memory_space<vmem_shared>> -> memref<128x128xf32, #tpu.memory_space<vmem_shared>>
        tpu.wait_dma2 semaphore(%run_scoped3A : memref<!tpu.dma_semaphore, #tpu.memory_space<semaphore_mem>>) src(%arg5 : memref<128x128xf32, #tpu.memory_space<vmem>>) dst(%dma_wait3A_43 : memref<128x128xf32, #tpu.memory_space<vmem_shared>>)
        tpu.yield
      }) : () -> ()
    }
    %scan3A_14 = arith.constant 4 : i32
    %add3A_15 = arith.constant 512 : i32
    %add3A_16 = arith.addi %mul3A_2, %add3A_15 : i32
    "tpu.region"() ({
      %run_scoped3A = tpu.sem_alloc : memref<!tpu.dma_semaphore, #tpu.memory_space<semaphore_mem>>
      %dma_start3A = arith.constant 0 : i32
      %dma_start3A_30 = arith.constant 0 : i32
      %dma_start3A_31 = tpu.memref_slice %arg5[%dma_start3A, %dma_start3A_30] : memref<128x128xf32, #tpu.memory_space<vmem>> -> memref<120x128xf32, #tpu.memory_space<vmem>>
      %dma_start3A_32 = arith.constant 0 : i32
      %dma_start3A_33 = tpu.memref_slice %arg6[%add3A_16, %dma_start3A_32] : memref<10112x128xf32, #tpu.memory_space<vmem_shared>> -> memref<120x128xf32, #tpu.memory_space<vmem_shared>>
      %dma_start3A_34 = arith.constant 0 : i32
      %dma_start3A_35 = tpu.memref_slice %arg6[%add3A_16, %dma_start3A_34] : memref<10112x128xf32, #tpu.memory_space<vmem_shared>> -> memref<120x128xf32, #tpu.memory_space<vmem_shared>>
      %dma_start3A_36 = arith.constant 0 : i32
      %dma_start3A_37 = arith.constant 0 : i32
      %dma_start3A_38 = tpu.memref_slice %arg5[%dma_start3A_36, %dma_start3A_37] : memref<128x128xf32, #tpu.memory_space<vmem>> -> memref<120x128xf32, #tpu.memory_space<vmem>>
      tpu.enqueue_dma source(%dma_start3A_38 : memref<120x128xf32, #tpu.memory_space<vmem>>) target(%dma_start3A_35 : memref<120x128xf32, #tpu.memory_space<vmem_shared>>) target_semaphore(%run_scoped3A : memref<!tpu.dma_semaphore, #tpu.memory_space<semaphore_mem>>)
      %dma_wait3A = arith.constant 0 : i32
      %dma_wait3A_39 = arith.constant 0 : i32
      %dma_wait3A_40 = tpu.memref_slice %arg5[%dma_wait3A, %dma_wait3A_39] : memref<128x128xf32, #tpu.memory_space<vmem>> -> memref<120x128xf32, #tpu.memory_space<vmem>>
      %dma_wait3A_41 = arith.constant 0 : i32
      %dma_wait3A_42 = tpu.memref_slice %arg6[%add3A_16, %dma_wait3A_41] : memref<10112x128xf32, #tpu.memory_space<vmem_shared>> -> memref<120x128xf32, #tpu.memory_space<vmem_shared>>
      %dma_wait3A_43 = arith.constant 0 : i32
      %dma_wait3A_44 = tpu.memref_slice %arg6[%add3A_16, %dma_wait3A_43] : memref<10112x128xf32, #tpu.memory_space<vmem_shared>> -> memref<120x128xf32, #tpu.memory_space<vmem_shared>>
      %dma_wait3A_45 = arith.constant 0 : i32
      %dma_wait3A_46 = arith.constant 0 : i32
      %dma_wait3A_47 = tpu.memref_slice %arg5[%dma_wait3A_45, %dma_wait3A_46] : memref<128x128xf32, #tpu.memory_space<vmem>> -> memref<120x128xf32, #tpu.memory_space<vmem>>
      tpu.wait_dma2 semaphore(%run_scoped3A : memref<!tpu.dma_semaphore, #tpu.memory_space<semaphore_mem>>) src(%dma_wait3A_47 : memref<120x128xf32, #tpu.memory_space<vmem>>) dst(%dma_wait3A_44 : memref<120x128xf32, #tpu.memory_space<vmem_shared>>)
      tpu.yield
    }) : () -> ()
    %broadcast_in_dim3A_17 = arith.constant 1.000000e+00 : f32
    %broadcast_in_dim3A_18 = vector.broadcast %broadcast_in_dim3A_17 : f32 to vector<16xf32>
    %scan3A_19 = arith.constant 0 : i32
    %scan3A_20 = arith.constant 128 : i32
    %scan3A_21 = arith.addi %scan3A_19, %scan3A_20 : i32
    %scan3A_22 = arith.constant 1 : i32
    scf.for %scan3A_30 = %scan3A_19 to %scan3A_21 step %scan3A_22  : i32 {
      %mul3A_31 = arith.constant 1 : i32
      %mul3A_32 = arith.muli %scan3A_30, %mul3A_31 : i32
      %add3A_33 = arith.constant 0 : i32
      %add3A_34 = arith.addi %add3A_33, %mul3A_32 : i32
      %scan3A_35 = arith.constant 0 : i32
      %scan3A_36 = arith.constant 8 : i32
      %scan3A_37 = arith.addi %scan3A_35, %scan3A_36 : i32
      %scan3A_38 = arith.constant 1 : i32
      scf.for %scan3A_40 = %scan3A_35 to %scan3A_37 step %scan3A_38  : i32 {
        %mul3A_41 = arith.constant 16 : i32
        %mul3A_42 = arith.muli %scan3A_40, %mul3A_41 : i32
        %add3A_43 = arith.constant 0 : i32
        %add3A_44 = arith.addi %add3A_43, %mul3A_42 : i32
        %swap3A = arith.index_cast %add3A_34 : i32 to index
        %swap3A_45 = arith.index_cast %add3A_44 : i32 to index
        %swap3A_46 = tpu.vector_load %arg5[%swap3A, %swap3A_45] {strides = array<i32>} : memref<128x128xf32, #tpu.memory_space<vmem>>, vector<1x16xf32>,
        %swap3A_47 = vector.shape_cast %swap3A_46 : vector<1x16xf32> to vector<16xf32>
        %swap3A_48 = vector.shape_cast %broadcast_in_dim3A_18 : vector<16xf32> to vector<1x16xf32>
        tpu.vector_store %arg5[%swap3A, %swap3A_45], %swap3A_48 {strides = array<i32>} : memref<128x128xf32, #tpu.memory_space<vmem>>, vector<1x16xf32>,
      }
      %scan3A_39 = arith.constant 8 : i32
    }
    %scan3A_23 = arith.constant 128 : i32
    %barrier3A = arith.constant 0 : index
    tpu.barrier barrier_id(%barrier3A)
    %scan3A_24 = arith.constant 0 : i32
    %scan3A_25 = arith.constant 10 : i32
    %scan3A_26 = arith.addi %scan3A_24, %scan3A_25 : i32
    %scan3A_27 = arith.constant 1 : i32
    scf.for %scan3A_30 = %scan3A_24 to %scan3A_26 step %scan3A_27  : i32 {
      %mul3A_31 = arith.constant 8 : i32
      %mul3A_32 = arith.muli %scan3A_30, %mul3A_31 : i32
      %add3A_33 = arith.constant 0 : i32
      %add3A_34 = arith.addi %add3A_33, %mul3A_32 : i32
      %add3A_35 = arith.constant 0 : i32
      %add3A_36 = arith.addi %add3A_34, %add3A_35 : i32
      %dma_start3A = arith.constant 0 : i32
      %dma_start3A_37 = tpu.memref_slice %arg4[%add3A_36, %dma_start3A] : memref<80x128xi32, #tpu.memory_space<vmem>> -> memref<1x128xi32, #tpu.memory_space<vmem>>
      %dma_start3A_38 = tpu.memref_squeeze %dma_start3A_37 : memref<1x128xi32, #tpu.memory_space<vmem>> -> memref<128xi32, #tpu.memory_space<vmem>>
      %dma_start3A_39 = arith.constant 0 : i32
      %dma_start3A_40 = arith.constant 0 : i32
      %dma_start3A_41 = tpu.memref_slice %arg6[%dma_start3A_39, %dma_start3A_40] : memref<10112x128xf32, #tpu.memory_space<vmem_shared>> -> memref<10112x128xf32, #tpu.memory_space<vmem_shared>>
      tpu.enqueue_indirect_dma source(%arg5 : memref<128x128xf32, #tpu.memory_space<vmem>>) target(%dma_start3A_41 : memref<10112x128xf32, #tpu.memory_space<vmem_shared>>) offsets(%dma_start3A_38 : memref<128xi32, #tpu.memory_space<vmem>>) semaphore(%arg7 : memref<!tpu.dma_semaphore, #tpu.memory_space<semaphore_mem>>) {add = true}
      %add3A_42 = arith.constant 1 : i32
      %add3A_43 = arith.addi %add3A_34, %add3A_42 : i32
      %dma_start3A_44 = arith.constant 0 : i32
      %dma_start3A_45 = tpu.memref_slice %arg4[%add3A_43, %dma_start3A_44] : memref<80x128xi32, #tpu.memory_space<vmem>> -> memref<1x128xi32, #tpu.memory_space<vmem>>
      %dma_start3A_46 = tpu.memref_squeeze %dma_start3A_45 : memref<1x128xi32, #tpu.memory_space<vmem>> -> memref<128xi32, #tpu.memory_space<vmem>>
      %dma_start3A_47 = arith.constant 0 : i32
      %dma_start3A_48 = arith.constant 0 : i32
      %dma_start3A_49 = tpu.memref_slice %arg6[%dma_start3A_47, %dma_start3A_48] : memref<10112x128xf32, #tpu.memory_space<vmem_shared>> -> memref<10112x128xf32, #tpu.memory_space<vmem_shared>>
      tpu.enqueue_indirect_dma source(%arg5 : memref<128x128xf32, #tpu.memory_space<vmem>>) target(%dma_start3A_49 : memref<10112x128xf32, #tpu.memory_space<vmem_shared>>) offsets(%dma_start3A_46 : memref<128xi32, #tpu.memory_space<vmem>>) semaphore(%arg7 : memref<!tpu.dma_semaphore, #tpu.memory_space<semaphore_mem>>) {add = true}
      %add3A_50 = arith.constant 2 : i32
      %add3A_51 = arith.addi %add3A_34, %add3A_50 : i32
      %dma_start3A_52 = arith.constant 0 : i32
      %dma_start3A_53 = tpu.memref_slice %arg4[%add3A_51, %dma_start3A_52] : memref<80x128xi32, #tpu.memory_space<vmem>> -> memref<1x128xi32, #tpu.memory_space<vmem>>
      %dma_start3A_54 = tpu.memref_squeeze %dma_start3A_53 : memref<1x128xi32, #tpu.memory_space<vmem>> -> memref<128xi32, #tpu.memory_space<vmem>>
      %dma_start3A_55 = arith.constant 0 : i32
      %dma_start3A_56 = arith.constant 0 : i32
      %dma_start3A_57 = tpu.memref_slice %arg6[%dma_start3A_55, %dma_start3A_56] : memref<10112x128xf32, #tpu.memory_space<vmem_shared>> -> memref<10112x128xf32, #tpu.memory_space<vmem_shared>>
      tpu.enqueue_indirect_dma source(%arg5 : memref<128x128xf32, #tpu.memory_space<vmem>>) target(%dma_start3A_57 : memref<10112x128xf32, #tpu.memory_space<vmem_shared>>) offsets(%dma_start3A_54 : memref<128xi32, #tpu.memory_space<vmem>>) semaphore(%arg7 : memref<!tpu.dma_semaphore, #tpu.memory_space<semaphore_mem>>) {add = true}
      %add3A_58 = arith.constant 3 : i32
      %add3A_59 = arith.addi %add3A_34, %add3A_58 : i32
      %dma_start3A_60 = arith.constant 0 : i32
      %dma_start3A_61 = tpu.memref_slice %arg4[%add3A_59, %dma_start3A_60] : memref<80x128xi32, #tpu.memory_space<vmem>> -> memref<1x128xi32, #tpu.memory_space<vmem>>
      %dma_start3A_62 = tpu.memref_squeeze %dma_start3A_61 : memref<1x128xi32, #tpu.memory_space<vmem>> -> memref<128xi32, #tpu.memory_space<vmem>>
      %dma_start3A_63 = arith.constant 0 : i32
      %dma_start3A_64 = arith.constant 0 : i32
      %dma_start3A_65 = tpu.memref_slice %arg6[%dma_start3A_63, %dma_start3A_64] : memref<10112x128xf32, #tpu.memory_space<vmem_shared>> -> memref<10112x128xf32, #tpu.memory_space<vmem_shared>>
      tpu.enqueue_indirect_dma source(%arg5 : memref<128x128xf32, #tpu.memory_space<vmem>>) target(%dma_start3A_65 : memref<10112x128xf32, #tpu.memory_space<vmem_shared>>) offsets(%dma_start3A_62 : memref<128xi32, #tpu.memory_space<vmem>>) semaphore(%arg7 : memref<!tpu.dma_semaphore, #tpu.memory_space<semaphore_mem>>) {add = true}
      %add3A_66 = arith.constant 4 : i32
      %add3A_67 = arith.addi %add3A_34, %add3A_66 : i32
      %dma_start3A_68 = arith.constant 0 : i32
      %dma_start3A_69 = tpu.memref_slice %arg4[%add3A_67, %dma_start3A_68] : memref<80x128xi32, #tpu.memory_space<vmem>> -> memref<1x128xi32, #tpu.memory_space<vmem>>
      %dma_start3A_70 = tpu.memref_squeeze %dma_start3A_69 : memref<1x128xi32, #tpu.memory_space<vmem>> -> memref<128xi32, #tpu.memory_space<vmem>>
      %dma_start3A_71 = arith.constant 0 : i32
      %dma_start3A_72 = arith.constant 0 : i32
      %dma_start3A_73 = tpu.memref_slice %arg6[%dma_start3A_71, %dma_start3A_72] : memref<10112x128xf32, #tpu.memory_space<vmem_shared>> -> memref<10112x128xf32, #tpu.memory_space<vmem_shared>>
      tpu.enqueue_indirect_dma source(%arg5 : memref<128x128xf32, #tpu.memory_space<vmem>>) target(%dma_start3A_73 : memref<10112x128xf32, #tpu.memory_space<vmem_shared>>) offsets(%dma_start3A_70 : memref<128xi32, #tpu.memory_space<vmem>>) semaphore(%arg7 : memref<!tpu.dma_semaphore, #tpu.memory_space<semaphore_mem>>) {add = true}
      %add3A_74 = arith.constant 5 : i32
      %add3A_75 = arith.addi %add3A_34, %add3A_74 : i32
      %dma_start3A_76 = arith.constant 0 : i32
      %dma_start3A_77 = tpu.memref_slice %arg4[%add3A_75, %dma_start3A_76] : memref<80x128xi32, #tpu.memory_space<vmem>> -> memref<1x128xi32, #tpu.memory_space<vmem>>
      %dma_start3A_78 = tpu.memref_squeeze %dma_start3A_77 : memref<1x128xi32, #tpu.memory_space<vmem>> -> memref<128xi32, #tpu.memory_space<vmem>>
      %dma_start3A_79 = arith.constant 0 : i32
      %dma_start3A_80 = arith.constant 0 : i32
      %dma_start3A_81 = tpu.memref_slice %arg6[%dma_start3A_79, %dma_start3A_80] : memref<10112x128xf32, #tpu.memory_space<vmem_shared>> -> memref<10112x128xf32, #tpu.memory_space<vmem_shared>>
      tpu.enqueue_indirect_dma source(%arg5 : memref<128x128xf32, #tpu.memory_space<vmem>>) target(%dma_start3A_81 : memref<10112x128xf32, #tpu.memory_space<vmem_shared>>) offsets(%dma_start3A_78 : memref<128xi32, #tpu.memory_space<vmem>>) semaphore(%arg7 : memref<!tpu.dma_semaphore, #tpu.memory_space<semaphore_mem>>) {add = true}
      %add3A_82 = arith.constant 6 : i32
      %add3A_83 = arith.addi %add3A_34, %add3A_82 : i32
      %dma_start3A_84 = arith.constant 0 : i32
      %dma_start3A_85 = tpu.memref_slice %arg4[%add3A_83, %dma_start3A_84] : memref<80x128xi32, #tpu.memory_space<vmem>> -> memref<1x128xi32, #tpu.memory_space<vmem>>
      %dma_start3A_86 = tpu.memref_squeeze %dma_start3A_85 : memref<1x128xi32, #tpu.memory_space<vmem>> -> memref<128xi32, #tpu.memory_space<vmem>>
      %dma_start3A_87 = arith.constant 0 : i32
      %dma_start3A_88 = arith.constant 0 : i32
      %dma_start3A_89 = tpu.memref_slice %arg6[%dma_start3A_87, %dma_start3A_88] : memref<10112x128xf32, #tpu.memory_space<vmem_shared>> -> memref<10112x128xf32, #tpu.memory_space<vmem_shared>>
      tpu.enqueue_indirect_dma source(%arg5 : memref<128x128xf32, #tpu.memory_space<vmem>>) target(%dma_start3A_89 : memref<10112x128xf32, #tpu.memory_space<vmem_shared>>) offsets(%dma_start3A_86 : memref<128xi32, #tpu.memory_space<vmem>>) semaphore(%arg7 : memref<!tpu.dma_semaphore, #tpu.memory_space<semaphore_mem>>) {add = true}
      %add3A_90 = arith.constant 7 : i32
      %add3A_91 = arith.addi %add3A_34, %add3A_90 : i32
      %dma_start3A_92 = arith.constant 0 : i32
      %dma_start3A_93 = tpu.memref_slice %arg4[%add3A_91, %dma_start3A_92] : memref<80x128xi32, #tpu.memory_space<vmem>> -> memref<1x128xi32, #tpu.memory_space<vmem>>
      %dma_start3A_94 = tpu.memref_squeeze %dma_start3A_93 : memref<1x128xi32, #tpu.memory_space<vmem>> -> memref<128xi32, #tpu.memory_space<vmem>>
      %dma_start3A_95 = arith.constant 0 : i32
      %dma_start3A_96 = arith.constant 0 : i32
      %dma_start3A_97 = tpu.memref_slice %arg6[%dma_start3A_95, %dma_start3A_96] : memref<10112x128xf32, #tpu.memory_space<vmem_shared>> -> memref<10112x128xf32, #tpu.memory_space<vmem_shared>>
      tpu.enqueue_indirect_dma source(%arg5 : memref<128x128xf32, #tpu.memory_space<vmem>>) target(%dma_start3A_97 : memref<10112x128xf32, #tpu.memory_space<vmem_shared>>) offsets(%dma_start3A_94 : memref<128xi32, #tpu.memory_space<vmem>>) semaphore(%arg7 : memref<!tpu.dma_semaphore, #tpu.memory_space<semaphore_mem>>) {add = true}
      %dma_wait3A = arith.constant 0 : i32
      %dma_wait3A_98 = tpu.memref_slice %arg4[%add3A_34, %dma_wait3A] : memref<80x128xi32, #tpu.memory_space<vmem>> -> memref<1x128xi32, #tpu.memory_space<vmem>>
      %dma_wait3A_99 = tpu.memref_squeeze %dma_wait3A_98 : memref<1x128xi32, #tpu.memory_space<vmem>> -> memref<128xi32, #tpu.memory_space<vmem>>
      %dma_wait3A_100 = arith.constant 0 : i32
      %dma_wait3A_101 = arith.constant 0 : i32
      %dma_wait3A_102 = tpu.memref_slice %arg6[%dma_wait3A_100, %dma_wait3A_101] : memref<10112x128xf32, #tpu.memory_space<vmem_shared>> -> memref<10112x128xf32, #tpu.memory_space<vmem_shared>>
      tpu.wait_indirect_dma semaphore(%arg7 : memref<!tpu.dma_semaphore, #tpu.memory_space<semaphore_mem>>) src(%arg5 : memref<128x128xf32, #tpu.memory_space<vmem>>) dst(%dma_wait3A_102 : memref<10112x128xf32, #tpu.memory_space<vmem_shared>>)
      %dma_wait3A_103 = arith.constant 0 : i32
      %dma_wait3A_104 = tpu.memref_slice %arg4[%add3A_34, %dma_wait3A_103] : memref<80x128xi32, #tpu.memory_space<vmem>> -> memref<1x128xi32, #tpu.memory_space<vmem>>
      %dma_wait3A_105 = tpu.memref_squeeze %dma_wait3A_104 : memref<1x128xi32, #tpu.memory_space<vmem>> -> memref<128xi32, #tpu.memory_space<vmem>>
      %dma_wait3A_106 = arith.constant 0 : i32
      %dma_wait3A_107 = arith.constant 0 : i32
      %dma_wait3A_108 = tpu.memref_slice %arg6[%dma_wait3A_106, %dma_wait3A_107] : memref<10112x128xf32, #tpu.memory_space<vmem_shared>> -> memref<10112x128xf32, #tpu.memory_space<vmem_shared>>
      tpu.wait_indirect_dma semaphore(%arg7 : memref<!tpu.dma_semaphore, #tpu.memory_space<semaphore_mem>>) src(%arg5 : memref<128x128xf32, #tpu.memory_space<vmem>>) dst(%dma_wait3A_108 : memref<10112x128xf32, #tpu.memory_space<vmem_shared>>)
      %dma_wait3A_109 = arith.constant 0 : i32
      %dma_wait3A_110 = tpu.memref_slice %arg4[%add3A_34, %dma_wait3A_109] : memref<80x128xi32, #tpu.memory_space<vmem>> -> memref<1x128xi32, #tpu.memory_space<vmem>>
      %dma_wait3A_111 = tpu.memref_squeeze %dma_wait3A_110 : memref<1x128xi32, #tpu.memory_space<vmem>> -> memref<128xi32, #tpu.memory_space<vmem>>
      %dma_wait3A_112 = arith.constant 0 : i32
      %dma_wait3A_113 = arith.constant 0 : i32
      %dma_wait3A_114 = tpu.memref_slice %arg6[%dma_wait3A_112, %dma_wait3A_113] : memref<10112x128xf32, #tpu.memory_space<vmem_shared>> -> memref<10112x128xf32, #tpu.memory_space<vmem_shared>>
      tpu.wait_indirect_dma semaphore(%arg7 : memref<!tpu.dma_semaphore, #tpu.memory_space<semaphore_mem>>) src(%arg5 : memref<128x128xf32, #tpu.memory_space<vmem>>) dst(%dma_wait3A_114 : memref<10112x128xf32, #tpu.memory_space<vmem_shared>>)
      %dma_wait3A_115 = arith.constant 0 : i32
      %dma_wait3A_116 = tpu.memref_slice %arg4[%add3A_34, %dma_wait3A_115] : memref<80x128xi32, #tpu.memory_space<vmem>> -> memref<1x128xi32, #tpu.memory_space<vmem>>
      %dma_wait3A_117 = tpu.memref_squeeze %dma_wait3A_116 : memref<1x128xi32, #tpu.memory_space<vmem>> -> memref<128xi32, #tpu.memory_space<vmem>>
      %dma_wait3A_118 = arith.constant 0 : i32
      %dma_wait3A_119 = arith.constant 0 : i32
      %dma_wait3A_120 = tpu.memref_slice %arg6[%dma_wait3A_118, %dma_wait3A_119] : memref<10112x128xf32, #tpu.memory_space<vmem_shared>> -> memref<10112x128xf32, #tpu.memory_space<vmem_shared>>
      tpu.wait_indirect_dma semaphore(%arg7 : memref<!tpu.dma_semaphore, #tpu.memory_space<semaphore_mem>>) src(%arg5 : memref<128x128xf32, #tpu.memory_space<vmem>>) dst(%dma_wait3A_120 : memref<10112x128xf32, #tpu.memory_space<vmem_shared>>)
      %dma_wait3A_121 = arith.constant 0 : i32
      %dma_wait3A_122 = tpu.memref_slice %arg4[%add3A_34, %dma_wait3A_121] : memref<80x128xi32, #tpu.memory_space<vmem>> -> memref<1x128xi32, #tpu.memory_space<vmem>>
      %dma_wait3A_123 = tpu.memref_squeeze %dma_wait3A_122 : memref<1x128xi32, #tpu.memory_space<vmem>> -> memref<128xi32, #tpu.memory_space<vmem>>
      %dma_wait3A_124 = arith.constant 0 : i32
      %dma_wait3A_125 = arith.constant 0 : i32
      %dma_wait3A_126 = tpu.memref_slice %arg6[%dma_wait3A_124, %dma_wait3A_125] : memref<10112x128xf32, #tpu.memory_space<vmem_shared>> -> memref<10112x128xf32, #tpu.memory_space<vmem_shared>>
      tpu.wait_indirect_dma semaphore(%arg7 : memref<!tpu.dma_semaphore, #tpu.memory_space<semaphore_mem>>) src(%arg5 : memref<128x128xf32, #tpu.memory_space<vmem>>) dst(%dma_wait3A_126 : memref<10112x128xf32, #tpu.memory_space<vmem_shared>>)
      %dma_wait3A_127 = arith.constant 0 : i32
      %dma_wait3A_128 = tpu.memref_slice %arg4[%add3A_34, %dma_wait3A_127] : memref<80x128xi32, #tpu.memory_space<vmem>> -> memref<1x128xi32, #tpu.memory_space<vmem>>
      %dma_wait3A_129 = tpu.memref_squeeze %dma_wait3A_128 : memref<1x128xi32, #tpu.memory_space<vmem>> -> memref<128xi32, #tpu.memory_space<vmem>>
      %dma_wait3A_130 = arith.constant 0 : i32
      %dma_wait3A_131 = arith.constant 0 : i32
      %dma_wait3A_132 = tpu.memref_slice %arg6[%dma_wait3A_130, %dma_wait3A_131] : memref<10112x128xf32, #tpu.memory_space<vmem_shared>> -> memref<10112x128xf32, #tpu.memory_space<vmem_shared>>
      tpu.wait_indirect_dma semaphore(%arg7 : memref<!tpu.dma_semaphore, #tpu.memory_space<semaphore_mem>>) src(%arg5 : memref<128x128xf32, #tpu.memory_space<vmem>>) dst(%dma_wait3A_132 : memref<10112x128xf32, #tpu.memory_space<vmem_shared>>)
      %dma_wait3A_133 = arith.constant 0 : i32
      %dma_wait3A_134 = tpu.memref_slice %arg4[%add3A_34, %dma_wait3A_133] : memref<80x128xi32, #tpu.memory_space<vmem>> -> memref<1x128xi32, #tpu.memory_space<vmem>>
      %dma_wait3A_135 = tpu.memref_squeeze %dma_wait3A_134 : memref<1x128xi32, #tpu.memory_space<vmem>> -> memref<128xi32, #tpu.memory_space<vmem>>
      %dma_wait3A_136 = arith.constant 0 : i32
      %dma_wait3A_137 = arith.constant 0 : i32
      %dma_wait3A_138 = tpu.memref_slice %arg6[%dma_wait3A_136, %dma_wait3A_137] : memref<10112x128xf32, #tpu.memory_space<vmem_shared>> -> memref<10112x128xf32, #tpu.memory_space<vmem_shared>>
      tpu.wait_indirect_dma semaphore(%arg7 : memref<!tpu.dma_semaphore, #tpu.memory_space<semaphore_mem>>) src(%arg5 : memref<128x128xf32, #tpu.memory_space<vmem>>) dst(%dma_wait3A_138 : memref<10112x128xf32, #tpu.memory_space<vmem_shared>>)
      %dma_wait3A_139 = arith.constant 0 : i32
      %dma_wait3A_140 = tpu.memref_slice %arg4[%add3A_34, %dma_wait3A_139] : memref<80x128xi32, #tpu.memory_space<vmem>> -> memref<1x128xi32, #tpu.memory_space<vmem>>
      %dma_wait3A_141 = tpu.memref_squeeze %dma_wait3A_140 : memref<1x128xi32, #tpu.memory_space<vmem>> -> memref<128xi32, #tpu.memory_space<vmem>>
      %dma_wait3A_142 = arith.constant 0 : i32
      %dma_wait3A_143 = arith.constant 0 : i32
      %dma_wait3A_144 = tpu.memref_slice %arg6[%dma_wait3A_142, %dma_wait3A_143] : memref<10112x128xf32, #tpu.memory_space<vmem_shared>> -> memref<10112x128xf32, #tpu.memory_space<vmem_shared>>
      tpu.wait_indirect_dma semaphore(%arg7 : memref<!tpu.dma_semaphore, #tpu.memory_space<semaphore_mem>>) src(%arg5 : memref<128x128xf32, #tpu.memory_space<vmem>>) dst(%dma_wait3A_144 : memref<10112x128xf32, #tpu.memory_space<vmem_shared>>)
    }
    %scan3A_28 = arith.constant 10 : i32
    %barrier3A_29 = arith.constant 0 : index
    tpu.barrier barrier_id(%barrier3A_29)
    "tpu.region"() ({
      %run_scoped3A = tpu.sem_alloc : memref<!tpu.dma_semaphore, #tpu.memory_space<semaphore_mem>>
      %dma_start3A = arith.constant 0 : i32
      %dma_start3A_30 = tpu.memref_slice %arg3[%arg0, %mul3A_2, %dma_start3A] : memref<2x10112x128xf32, #tpu.memory_space<hbm>> -> memref<1x632x128xf32, #tpu.memory_space<hbm>>
      %dma_start3A_31 = tpu.memref_squeeze %dma_start3A_30 : memref<1x632x128xf32, #tpu.memory_space<hbm>> -> memref<632x128xf32, #tpu.memory_space<hbm>>
      %dma_start3A_32 = arith.constant 0 : i32
      %dma_start3A_33 = tpu.memref_slice %arg6[%mul3A_2, %dma_start3A_32] : memref<10112x128xf32, #tpu.memory_space<vmem_shared>> -> memref<632x128xf32, #tpu.memory_space<vmem_shared>>
      tpu.enqueue_dma source(%dma_start3A_33 : memref<632x128xf32, #tpu.memory_space<vmem_shared>>) target(%dma_start3A_31 : memref<632x128xf32, #tpu.memory_space<hbm>>) target_semaphore(%run_scoped3A : memref<!tpu.dma_semaphore, #tpu.memory_space<semaphore_mem>>)
      %dma_wait3A = arith.constant 0 : i32
      %dma_wait3A_34 = tpu.memref_slice %arg3[%arg0, %mul3A_2, %dma_wait3A] : memref<2x10112x128xf32, #tpu.memory_space<hbm>> -> memref<1x632x128xf32, #tpu.memory_space<hbm>>
      %dma_wait3A_35 = tpu.memref_squeeze %dma_wait3A_34 : memref<1x632x128xf32, #tpu.memory_space<hbm>> -> memref<632x128xf32, #tpu.memory_space<hbm>>
      %dma_wait3A_36 = arith.constant 0 : i32
      %dma_wait3A_37 = tpu.memref_slice %arg6[%mul3A_2, %dma_wait3A_36] : memref<10112x128xf32, #tpu.memory_space<vmem_shared>> -> memref<632x128xf32, #tpu.memory_space<vmem_shared>>
      tpu.wait_dma2 semaphore(%run_scoped3A : memref<!tpu.dma_semaphore, #tpu.memory_space<semaphore_mem>>) src(%dma_wait3A_37 : memref<632x128xf32, #tpu.memory_space<vmem_shared>>) dst(%dma_wait3A_35 : memref<632x128xf32, #tpu.memory_space<hbm>>)
      tpu.yield
    }) : () -> ()
    return
  }
}

module attributes {stable_mosaic.version = 14 : i64} {
  func.func @_tc1_body(%arg0: i32, %arg1: memref<2x2528x128xf32, #tpu.memory_space<vmem>>, %arg2: memref<2x2528x128xf32, #tpu.memory_space<vmem>>, %arg3: memref<2528x128xf32, #tpu.memory_space<vmem>>, %arg4: memref<128x256xf32, #tpu.memory_space<vmem>>, %arg5: memref<128x256xf32, #tpu.memory_space<vmem>>, %arg6: memref<256x128xf32, #tpu.memory_space<vmem>>, %arg7: memref<256x128xf32, #tpu.memory_space<vmem>>, %arg8: memref<1x256xf32, #tpu.memory_space<vmem>>, %arg9: memref<1x128xf32, #tpu.memory_space<vmem>>, %arg10: memref<2528x128xf32, #tpu.memory_space<vmem>>, %arg11: memref<2528x128xf32, #tpu.memory_space<vmem>>) attributes {dimension_semantics = [#tpu.dimension_semantics<arbitrary>], iteration_bounds = array<i64: 4>, scalar_prefetch = 0 : i64, scratch_operands = 0 : i64, tpu.core_type = #tpu.core_type<tc>, window_params = [{transform_indices = @transform_0, window_bounds = array<i64: 2, 2528, 128>}, {transform_indices = @transform_1, window_bounds = array<i64: 2, 2528, 128>}, {transform_indices = @transform_2, window_bounds = array<i64: 2528, 128>}, {pipeline_mode = #tpu.pipeline_mode<synchronous>, transform_indices = @transform_3, window_bounds = array<i64: 128, 256>}, {pipeline_mode = #tpu.pipeline_mode<synchronous>, transform_indices = @transform_4, window_bounds = array<i64: 128, 256>}, {pipeline_mode = #tpu.pipeline_mode<synchronous>, transform_indices = @transform_5, window_bounds = array<i64: 256, 128>}, {pipeline_mode = #tpu.pipeline_mode<synchronous>, transform_indices = @transform_6, window_bounds = array<i64: 256, 128>}, {pipeline_mode = #tpu.pipeline_mode<synchronous>, transform_indices = @transform_7, window_bounds = array<i64: 1, 256>}, {pipeline_mode = #tpu.pipeline_mode<synchronous>, transform_indices = @transform_8, window_bounds = array<i64: 1, 128>}, {transform_indices = @transform_9, window_bounds = array<i64: 2528, 128>}, {transform_indices = @transform_10, window_bounds = array<i64: 2528, 128>}]} {
    %get3A = arith.constant 0 : index
    %get3A_0 = arith.constant 0 : index
    %get3A_1 = arith.constant 0 : index
    %get3A_2 = vector.load %arg2[%get3A, %get3A_0, %get3A_1] : memref<2x2528x128xf32, #tpu.memory_space<vmem>>, vector<1x2528x1xf32>
    %get3A_3 = vector.shape_cast %get3A_2 : vector<1x2528x1xf32> to vector<2528x1xf32>
    %get3A_4 = arith.constant 1 : index
    %get3A_5 = arith.constant 0 : index
    %get3A_6 = arith.constant 0 : index
    %get3A_7 = vector.load %arg2[%get3A_4, %get3A_5, %get3A_6] : memref<2x2528x128xf32, #tpu.memory_space<vmem>>, vector<1x2528x1xf32>
    %get3A_8 = vector.shape_cast %get3A_7 : vector<1x2528x1xf32> to vector<2528x1xf32>
    %add3A = arith.addf %get3A_3, %get3A_8 : vector<2528x1xf32>
    %max3A = arith.constant 1.000000e+00 : f32
    %max3A_9 = vector.broadcast %max3A : f32 to vector<2528x1xf32>
    %max3A_10 = arith.maximumf %add3A, %max3A_9 : vector<2528x1xf32>
    %div3A = arith.constant 1.000000e+00 : f32
    %div3A_11 = vector.broadcast %div3A : f32 to vector<2528x1xf32>
    %div3A_12 = arith.divf %div3A_11, %max3A_10 : vector<2528x1xf32>
    %get3A_13 = arith.constant 0 : index
    %get3A_14 = arith.constant 0 : index
    %get3A_15 = arith.constant 0 : index
    %get3A_16 = vector.load %arg1[%get3A_13, %get3A_14, %get3A_15] : memref<2x2528x128xf32, #tpu.memory_space<vmem>>, vector<1x2528x128xf32>
    %get3A_17 = vector.shape_cast %get3A_16 : vector<1x2528x128xf32> to vector<2528x128xf32>
    %get3A_18 = arith.constant 1 : index
    %get3A_19 = arith.constant 0 : index
    %get3A_20 = arith.constant 0 : index
    %get3A_21 = vector.load %arg1[%get3A_18, %get3A_19, %get3A_20] : memref<2x2528x128xf32, #tpu.memory_space<vmem>>, vector<1x2528x128xf32>
    %get3A_22 = vector.shape_cast %get3A_21 : vector<1x2528x128xf32> to vector<2528x128xf32>
    %add3A_23 = arith.addf %get3A_17, %get3A_22 : vector<2528x128xf32>
    %mul3A = vector.broadcast %div3A_12 : vector<2528x1xf32> to vector<2528x128xf32>
    %mul3A_24 = arith.mulf %add3A_23, %mul3A : vector<2528x128xf32>
    %get3A_25 = arith.constant 0 : index
    %get3A_26 = arith.constant 0 : index
    %get3A_27 = vector.load %arg4[%get3A_25, %get3A_26] : memref<128x256xf32, #tpu.memory_space<vmem>>, vector<128x256xf32>
    %dot_general3A = arith.constant dense<0.000000e+00> : vector<2528x256xf32>
    %dot_general3A_28 = tpu.matmul %mul3A_24, %get3A_27, %dot_general3A {dimension_numbers = #tpu.dot_dimension_numbers<[1], [0], [0], [1], [0, 0, 1, 1], [], []>, transpose_lhs_hint = false} : vector<2528x128xf32>, vector<128x256xf32>, vector<2528x256xf32> -> vector<2528x256xf32>
    %get3A_29 = arith.constant 0 : index
    %get3A_30 = arith.constant 0 : index
    %get3A_31 = vector.load %arg3[%get3A_29, %get3A_30] : memref<2528x128xf32, #tpu.memory_space<vmem>>, vector<2528x128xf32>
    %get3A_32 = arith.constant 0 : index
    %get3A_33 = arith.constant 0 : index
    %get3A_34 = vector.load %arg5[%get3A_32, %get3A_33] : memref<128x256xf32, #tpu.memory_space<vmem>>, vector<128x256xf32>
    %dot_general3A_35 = arith.constant dense<0.000000e+00> : vector<2528x256xf32>
    %dot_general3A_36 = tpu.matmul %get3A_31, %get3A_34, %dot_general3A_35 {dimension_numbers = #tpu.dot_dimension_numbers<[1], [0], [0], [1], [0, 0, 1, 1], [], []>, transpose_lhs_hint = false} : vector<2528x128xf32>, vector<128x256xf32>, vector<2528x256xf32> -> vector<2528x256xf32>
    %add3A_37 = arith.addf %dot_general3A_28, %dot_general3A_36 : vector<2528x256xf32>
    %get3A_38 = arith.constant 0 : index
    %get3A_39 = arith.constant 0 : index
    %get3A_40 = vector.load %arg8[%get3A_38, %get3A_39] : memref<1x256xf32, #tpu.memory_space<vmem>>, vector<1x256xf32>
    %add3A_41 = vector.broadcast %get3A_40 : vector<1x256xf32> to vector<2528x256xf32>
    %add3A_42 = arith.addf %add3A_37, %add3A_41 : vector<2528x256xf32>
    %max3A_43 = arith.constant 0.000000e+00 : f32
    %max3A_44 = vector.broadcast %max3A_43 : f32 to vector<2528x256xf32>
    %max3A_45 = arith.maximumf %add3A_42, %max3A_44 : vector<2528x256xf32>
    %get3A_46 = arith.constant 0 : index
    %get3A_47 = arith.constant 0 : index
    %get3A_48 = vector.load %arg6[%get3A_46, %get3A_47] : memref<256x128xf32, #tpu.memory_space<vmem>>, vector<256x128xf32>
    %dot_general3A_49 = arith.constant dense<0.000000e+00> : vector<2528x128xf32>
    %dot_general3A_50 = tpu.matmul %max3A_45, %get3A_48, %dot_general3A_49 {dimension_numbers = #tpu.dot_dimension_numbers<[1], [0], [0], [1], [0, 0, 1, 1], [], []>, transpose_lhs_hint = false} : vector<2528x256xf32>, vector<256x128xf32>, vector<2528x128xf32> -> vector<2528x128xf32>
    %swap3A = arith.constant 0 : index
    %swap3A_51 = arith.constant 0 : index
    %swap3A_52 = vector.load %arg10[%swap3A, %swap3A_51] : memref<2528x128xf32, #tpu.memory_space<vmem>>, vector<2528x128xf32>
    tpu.vector_store %arg10[%swap3A, %swap3A_51], %dot_general3A_50 {strides = array<i32>} : memref<2528x128xf32, #tpu.memory_space<vmem>>, vector<2528x128xf32>,
    %get3A_53 = arith.constant 0 : index
    %get3A_54 = arith.constant 0 : index
    %get3A_55 = vector.load %arg7[%get3A_53, %get3A_54] : memref<256x128xf32, #tpu.memory_space<vmem>>, vector<256x128xf32>
    %dot_general3A_56 = arith.constant dense<0.000000e+00> : vector<2528x128xf32>
    %dot_general3A_57 = tpu.matmul %max3A_45, %get3A_55, %dot_general3A_56 {dimension_numbers = #tpu.dot_dimension_numbers<[1], [0], [0], [1], [0, 0, 1, 1], [], []>, transpose_lhs_hint = false} : vector<2528x256xf32>, vector<256x128xf32>, vector<2528x128xf32> -> vector<2528x128xf32>
    %get3A_58 = arith.constant 0 : index
    %get3A_59 = arith.constant 0 : index
    %get3A_60 = vector.load %arg9[%get3A_58, %get3A_59] : memref<1x128xf32, #tpu.memory_space<vmem>>, vector<1x128xf32>
    %add3A_61 = vector.broadcast %get3A_60 : vector<1x128xf32> to vector<2528x128xf32>
    %add3A_62 = arith.addf %dot_general3A_57, %add3A_61 : vector<2528x128xf32>
    %swap3A_63 = arith.constant 0 : index
    %swap3A_64 = arith.constant 0 : index
    %swap3A_65 = vector.load %arg11[%swap3A_63, %swap3A_64] : memref<2528x128xf32, #tpu.memory_space<vmem>>, vector<2528x128xf32>
    tpu.vector_store %arg11[%swap3A_63, %swap3A_64], %add3A_62 {strides = array<i32>} : memref<2528x128xf32, #tpu.memory_space<vmem>>, vector<2528x128xf32>,
    return
  }
  func.func @transform_0(%arg0: i32) -> (i32, i32, i32) {
    %c0_i32 = arith.constant 0 : i32
    %c0_i32_0 = arith.constant 0 : i32
    %c0_i32_1 = arith.constant 0 : i32
    return %c0_i32, %arg0, %c0_i32_0 : i32, i32, i32
  }
  func.func @transform_1(%arg0: i32) -> (i32, i32, i32) {
    %c0_i32 = arith.constant 0 : i32
    %c0_i32_0 = arith.constant 0 : i32
    %c0_i32_1 = arith.constant 0 : i32
    return %c0_i32, %arg0, %c0_i32_0 : i32, i32, i32
  }
  func.func @transform_2(%arg0: i32) -> (i32, i32) {
    %c0_i32 = arith.constant 0 : i32
    %c0_i32_0 = arith.constant 0 : i32
    return %arg0, %c0_i32 : i32, i32
  }
  func.func @transform_3(%arg0: i32) -> (i32, i32) {
    %c0_i32 = arith.constant 0 : i32
    %c0_i32_0 = arith.constant 0 : i32
    %c0_i32_1 = arith.constant 0 : i32
    return %c0_i32, %c0_i32_0 : i32, i32
  }
  func.func @transform_4(%arg0: i32) -> (i32, i32) {
    %c0_i32 = arith.constant 0 : i32
    %c0_i32_0 = arith.constant 0 : i32
    %c0_i32_1 = arith.constant 0 : i32
    return %c0_i32, %c0_i32_0 : i32, i32
  }
  func.func @transform_5(%arg0: i32) -> (i32, i32) {
    %c0_i32 = arith.constant 0 : i32
    %c0_i32_0 = arith.constant 0 : i32
    %c0_i32_1 = arith.constant 0 : i32
    return %c0_i32, %c0_i32_0 : i32, i32
  }
  func.func @transform_6(%arg0: i32) -> (i32, i32) {
    %c0_i32 = arith.constant 0 : i32
    %c0_i32_0 = arith.constant 0 : i32
    %c0_i32_1 = arith.constant 0 : i32
    return %c0_i32, %c0_i32_0 : i32, i32
  }
  func.func @transform_7(%arg0: i32) -> (i32, i32) {
    %c0_i32 = arith.constant 0 : i32
    %c0_i32_0 = arith.constant 0 : i32
    %c0_i32_1 = arith.constant 0 : i32
    return %c0_i32, %c0_i32_0 : i32, i32
  }
  func.func @transform_8(%arg0: i32) -> (i32, i32) {
    %c0_i32 = arith.constant 0 : i32
    %c0_i32_0 = arith.constant 0 : i32
    %c0_i32_1 = arith.constant 0 : i32
    return %c0_i32, %c0_i32_0 : i32, i32
  }
  func.func @transform_9(%arg0: i32) -> (i32, i32) {
    %c0_i32 = arith.constant 0 : i32
    %c0_i32_0 = arith.constant 0 : i32
    return %arg0, %c0_i32 : i32, i32
  }
  func.func @transform_10(%arg0: i32) -> (i32, i32) {
    %c0_i32 = arith.constant 0 : i32
    %c0_i32_0 = arith.constant 0 : i32
    return %arg0, %c0_i32 : i32, i32
  }
}

module attributes {stable_mosaic.version = 14 : i64} {
  func.func @_tc2_body(%arg0: i32, %arg1: memref<2x2528x128xf32, #tpu.memory_space<vmem>>, %arg2: memref<2x2528x128xf32, #tpu.memory_space<vmem>>, %arg3: memref<2528x128xf32, #tpu.memory_space<vmem>>, %arg4: memref<2528x128xf32, #tpu.memory_space<vmem>>) attributes {dimension_semantics = [#tpu.dimension_semantics<arbitrary>], iteration_bounds = array<i64: 4>, scalar_prefetch = 0 : i64, scratch_operands = 0 : i64, tpu.core_type = #tpu.core_type<tc>, window_params = [{transform_indices = @transform_0, window_bounds = array<i64: 2, 2528, 128>}, {transform_indices = @transform_1, window_bounds = array<i64: 2, 2528, 128>}, {transform_indices = @transform_2, window_bounds = array<i64: 2528, 128>}, {transform_indices = @transform_3, window_bounds = array<i64: 2528, 128>}]} {
    %get3A = arith.constant 0 : index
    %get3A_0 = arith.constant 0 : index
    %get3A_1 = arith.constant 0 : index
    %get3A_2 = vector.load %arg2[%get3A, %get3A_0, %get3A_1] : memref<2x2528x128xf32, #tpu.memory_space<vmem>>, vector<1x2528x1xf32>
    %get3A_3 = vector.shape_cast %get3A_2 : vector<1x2528x1xf32> to vector<2528x1xf32>
    %get3A_4 = arith.constant 1 : index
    %get3A_5 = arith.constant 0 : index
    %get3A_6 = arith.constant 0 : index
    %get3A_7 = vector.load %arg2[%get3A_4, %get3A_5, %get3A_6] : memref<2x2528x128xf32, #tpu.memory_space<vmem>>, vector<1x2528x1xf32>
    %get3A_8 = vector.shape_cast %get3A_7 : vector<1x2528x1xf32> to vector<2528x1xf32>
    %add3A = arith.addf %get3A_3, %get3A_8 : vector<2528x1xf32>
    %max3A = arith.constant 1.000000e+00 : f32
    %max3A_9 = vector.broadcast %max3A : f32 to vector<2528x1xf32>
    %max3A_10 = arith.maximumf %add3A, %max3A_9 : vector<2528x1xf32>
    %div3A = arith.constant 1.000000e+00 : f32
    %div3A_11 = vector.broadcast %div3A : f32 to vector<2528x1xf32>
    %div3A_12 = arith.divf %div3A_11, %max3A_10 : vector<2528x1xf32>
    %get3A_13 = arith.constant 0 : index
    %get3A_14 = arith.constant 0 : index
    %get3A_15 = arith.constant 0 : index
    %get3A_16 = vector.load %arg1[%get3A_13, %get3A_14, %get3A_15] : memref<2x2528x128xf32, #tpu.memory_space<vmem>>, vector<1x2528x128xf32>
    %get3A_17 = vector.shape_cast %get3A_16 : vector<1x2528x128xf32> to vector<2528x128xf32>
    %get3A_18 = arith.constant 1 : index
    %get3A_19 = arith.constant 0 : index
    %get3A_20 = arith.constant 0 : index
    %get3A_21 = vector.load %arg1[%get3A_18, %get3A_19, %get3A_20] : memref<2x2528x128xf32, #tpu.memory_space<vmem>>, vector<1x2528x128xf32>
    %get3A_22 = vector.shape_cast %get3A_21 : vector<1x2528x128xf32> to vector<2528x128xf32>
    %add3A_23 = arith.addf %get3A_17, %get3A_22 : vector<2528x128xf32>
    %mul3A = vector.broadcast %div3A_12 : vector<2528x1xf32> to vector<2528x128xf32>
    %mul3A_24 = arith.mulf %add3A_23, %mul3A : vector<2528x128xf32>
    %get3A_25 = arith.constant 0 : index
    %get3A_26 = arith.constant 0 : index
    %get3A_27 = vector.load %arg3[%get3A_25, %get3A_26] : memref<2528x128xf32, #tpu.memory_space<vmem>>, vector<2528x128xf32>
    %add3A_28 = arith.addf %mul3A_24, %get3A_27 : vector<2528x128xf32>
    %swap3A = arith.constant 0 : index
    %swap3A_29 = arith.constant 0 : index
    %swap3A_30 = vector.load %arg4[%swap3A, %swap3A_29] : memref<2528x128xf32, #tpu.memory_space<vmem>>, vector<2528x128xf32>
    tpu.vector_store %arg4[%swap3A, %swap3A_29], %add3A_28 {strides = array<i32>} : memref<2528x128xf32, #tpu.memory_space<vmem>>, vector<2528x128xf32>,
    return
  }
  func.func @transform_0(%arg0: i32) -> (i32, i32, i32) {
    %c0_i32 = arith.constant 0 : i32
    %c0_i32_0 = arith.constant 0 : i32
    %c0_i32_1 = arith.constant 0 : i32
    return %c0_i32, %arg0, %c0_i32_0 : i32, i32, i32
  }
  func.func @transform_1(%arg0: i32) -> (i32, i32, i32) {
    %c0_i32 = arith.constant 0 : i32
    %c0_i32_0 = arith.constant 0 : i32
    %c0_i32_1 = arith.constant 0 : i32
    return %c0_i32, %arg0, %c0_i32_0 : i32, i32, i32
  }
  func.func @transform_2(%arg0: i32) -> (i32, i32) {
    %c0_i32 = arith.constant 0 : i32
    %c0_i32_0 = arith.constant 0 : i32
    return %arg0, %c0_i32 : i32, i32
  }
  func.func @transform_3(%arg0: i32) -> (i32, i32) {
    %c0_i32 = arith.constant 0 : i32
    %c0_i32_0 = arith.constant 0 : i32
    return %arg0, %c0_i32 : i32, i32
  }
}

</mosaic_0001>

<sc_bundles>
// kernel: kernel.10.cloned.1.call-start
scs
__scs_entry_jumppad:
0x0: {  	(pc) =	sbr.rel $0x88, $3  }
0x1: {  	(tag) =	ssettag $0x0;
	lr =	simm.s32 $0x1  }
0x2: {  	[smem:$0x3F99] =	sst lr;
	_ =	strace $0xD0000000  }
0x3: {  	_ = 	snop  }
0x4: {  	_ = 	snop  }
0x5: {  	_ = 	snop  }
0x6: {  	_ = 	snop  }
0x7: {  	_ = 	snop  }
__scs_overlays_trampoline_lowered:
0x8: {  	[smem:$0x3FA8] =	sst s0  }
0x9: {  	[smem:$0x3FA9] =	sst s1  }
0xa: {  	[smem:$0x3FAA] =	sst s2  }
0xb: {  	[smem:$0x3FAB] =	sst s3  }
0xc: {  	[smem:$0x3FAC] =	sst s4  }
0xd: {  	[smem:$0x3FAD] =	sst s5  }
0xe: {  	[smem:$0x3FAE] =	sst s6  }
0xf: {  	[smem:$0x3FAF] =	sst s7  }
0x10: {  	[smem:$0x3FB0] =	sst s8  }
0x11: {  	[smem:$0x3FB1] =	sst s9;
	s0 =	simm.s32 @!p0 $0x0  }
0x12: {  	s1 =	sld [smem:$0x3F97];
	s0 =	simm.s32 @p0 $0x1  }
0x13: {  	[smem:$0x3FB2] =	sst s0;
	s0 =	simm.s32 @!p1 $0x0  }
0x14: {  	s2 =	sld [smem:$0x3F96];
	s0 =	simm.s32 @p1 $0x1  }
0x15: {  	[smem:$0x3FB3] =	sst s0;
	s0 =	simm.s32 @!p2 $0x0  }
0x16: {  	s3 =	sld [smem:$0x3FDB];
	s0 =	simm.s32 @p2 $0x1  }
0x17: {  	s4 =	simm.s32 $0x1BF5;
	[smem:$0x3FB5] =	sst s0  }
0x18: {  	s0 =	sld [smem:$0x3F98];
	_ =	swait.ge [sflag:s4], $0x0  }
0x19: {  	s7 =	sld [smem:$0x3F99]  }
0x1a: {  	s8 =	sadd.s32 $0xFFFFE003, lr  }
0x1b: {  	s9 =	sadd.s32 $0xFFFFFEF7, lr;
	s5 =	simm.s32 $0xFFFFFFFF;
	p2 =	slt.u32 s8, $0xFFFFF086  }
0x1c: {  	p1 =	slt.u32 s9, $0xF7A;
	s5 =	simm.s32 @!p2 $0x0  }
0x1d: {  	s5 =	simm.s32 @p1 $0x1;
	p0 =	seq.s32 s7, s2  }
0x1e: {  	s7 =	smul.u32 @!p0 $0xF7A, s2;
	p2 =	seq.s32 @!p0 s5, $0x0  }
0x1f: {  	s9 =	smul.u32 $0xF7A, s1;
	s8 =	simm.s32 @!p0 $0x1BF5;
	p2 =	por !p2, p0  }
0x20: {  	[sflag:s8] =	ssyncset.s32 @!p0 $0xFFFFF086;
	s6 =	sadd.s32 @!p0 s3, s7;
	s7 =	simm.s32 @!p0 $0x108  }
0x21: {  	s3 =	sadd.s32 s3, s9;
	s6 =	sadd.s32 @!p0 $0x88, s6;
	s7 =	simm.s32 @p2 $0x1082  }
0x22: {  	[simem:s7], [sflag:s8] =	dma.local @!p0 [hbm:s6], $0xF7A  }
0x23: {  	s9 =	sor.u32 $0xD0000000, s2;
	s6 =	simm.s32 $0x108;
	_ =	swait.ge @!p0 [sflag:s8], $0x0  }
0x24: {  	s3 =	sadd.s32 $0x88, s3;
	s6 =	simm.s32 @!p1 $0x1082;
	[sflag:s4] =	ssyncset.s32 $0xFFFFF086  }
0x25: {  	[simem:s6], [sflag:s4] =	dma.local [hbm:s3], $0xF7A  }
0x26: {  	[smem:$0x3F99] =	sst s1;
	(tag) =	ssettag s2;
	_ =	strace s9  }
0x27: {  	s1 =	sld [smem:$0x3FA9]  }
0x28: {  	s2 =	sld [smem:$0x3FAA]  }
0x29: {  	s4 =	sld [smem:$0x3FAC]  }
0x2a: {  	p0 =	seq.s32 s5, $0x0;
	s5 =	sld [smem:$0x3FAD]  }
0x2b: {  	s6 =	sld [smem:$0x3FAE]  }
0x2c: {  	s7 =	sld [smem:$0x3FAF]  }
0x2d: {  	s3 =	simm.s32 $0x108;
	s8 =	sld [smem:$0x3FB0]  }
0x2e: {  	s3 =	simm.s32 @!p0 $0x1082;
	s9 =	sld [smem:$0x3FB1]  }
0x2f: {  	lr =	sadd.s32 s0, s3;
	s0 =	sld [smem:$0x3FA8]  }
0x30: {  	s3 =	sld [smem:$0x3FAB]  }
0x31: {  	[smem:$0x3FB4] =	sst s10  }
0x32: {  	s10 =	sld [smem:$0x3FB2];
	_ =	sdelay $0x3  }
0x33: {  	p0 =	seq.s32 s10, $0x1;
	s10 =	sld [smem:$0x3FB4];
	_ =	sdelay $0x3  }
0x34: {  	[smem:$0x3FB4] =	sst s10  }
0x35: {  	s10 =	sld [smem:$0x3FB3];
	_ =	sdelay $0x3  }
0x36: {  	p1 =	seq.s32 s10, $0x1;
	s10 =	sld [smem:$0x3FB4];
	_ =	sdelay $0x3  }
0x37: {  	[smem:$0x3FB4] =	sst s10  }
0x38: {  	s10 =	sld [smem:$0x3FB5]  }
0x39: {  	_ = 	snop;
	(pc) =	sbr.ind lr, $3  }
0x3a: {  	_ = 	snop  }
0x3b: {  	_ = 	snop  }
0x3c: {  	p2 =	seq.s32 s10, $0x1;
	s10 =	sld [smem:$0x3FB4]  }
0x3d: {  	_ =	shalt  }
0x3e: {  	_ =	shalt  }
0x3f: {  	_ =	shalt  }
0x40: {  	_ =	shalt  }
0x41: {  	_ =	shalt  }
0x42: {  	_ =	shalt  }
0x43: {  	_ =	shalt  }
0x44: {  	_ =	shalt  }
0x45: {  	_ =	shalt  }
0x46: {  	_ =	shalt  }
0x47: {  	_ =	shalt  }
0x48: {  	_ =	shalt  }
0x49: {  	_ =	shalt  }
0x4a: {  	_ =	shalt  }
0x4b: {  	_ =	shalt  }
0x4c: {  	_ =	shalt  }
0x4d: {  	_ =	shalt  }
0x4e: {  	_ =	shalt  }
0x4f: {  	_ =	shalt  }
0x50: {  	_ =	shalt  }
0x51: {  	_ =	shalt  }
0x52: {  	_ =	shalt  }
0x53: {  	_ =	shalt  }
0x54: {  	_ =	shalt  }
0x55: {  	_ =	shalt  }
0x56: {  	_ =	shalt  }
0x57: {  	_ =	shalt  }
0x58: {  	_ =	shalt  }
0x59: {  	_ =	shalt  }
0x5a: {  	_ =	shalt  }
0x5b: {  	_ =	shalt  }
0x5c: {  	_ =	shalt  }
0x5d: {  	_ =	shalt  }
0x5e: {  	_ =	shalt  }
0x5f: {  	_ =	shalt  }
0x60: {  	_ =	shalt  }
0x61: {  	_ =	shalt  }
0x62: {  	_ =	shalt  }
0x63: {  	_ =	shalt  }
0x64: {  	_ =	shalt  }
0x65: {  	_ =	shalt  }
0x66: {  	_ =	shalt  }
0x67: {  	_ =	shalt  }
0x68: {  	_ =	shalt  }
0x69: {  	_ =	shalt  }
0x6a: {  	_ =	shalt  }
0x6b: {  	_ =	shalt  }
0x6c: {  	_ =	shalt  }
0x6d: {  	_ =	shalt  }
0x6e: {  	_ =	shalt  }
0x6f: {  	_ =	shalt  }
0x70: {  	_ =	shalt  }
0x71: {  	_ =	shalt  }
0x72: {  	_ =	shalt  }
0x73: {  	_ =	shalt  }
0x74: {  	_ =	shalt  }
0x75: {  	_ =	shalt  }
0x76: {  	_ =	shalt  }
0x77: {  	_ =	shalt  }
0x78: {  	_ =	shalt  }
0x79: {  	_ =	shalt  }
0x7a: {  	_ =	shalt  }
0x7b: {  	_ =	shalt  }
0x7c: {  	_ =	shalt  }
0x7d: {  	_ =	shalt  }
0x7e: {  	_ =	shalt  }
0x7f: {  	_ =	shalt  }
0x80: {  	_ =	shalt  }
0x81: {  	_ =	shalt  }
0x82: {  	_ =	shalt  }
0x83: {  	_ =	shalt  }
0x84: {  	_ =	shalt  }
0x85: {  	_ =	shalt  }
0x86: {  	_ =	shalt  }
0x87: {  	_ =	shalt  }
.Lfunc_end0:
.L_simem_size_0:
called_computation.1_lowered:
.L_overlay_start_0:
0x88: {  	s2 =	sld [smem:$0x3FD9]  }
0x89: {  	s3 =	sld [smem:$0x3FFE];
	_ =	sdelay $0x1  }
0x8a: {  	s1 =	srdreg.scid  }
0x8b: {  	s0 =	sand.u32 $0x1, s1  }
0x8c: {  	s17 =	sshll.u32 s0, $0xA;
	s2 =	sadd.s32 s3, s2  }
0x8d: {  	s2 =	sadd.s32 s2, s17  }
0x8e: {  	[smem:$0x3FC0] =	sst s2  }
0x8f: {  	_ = 	snop  }
0x90: {  	s2 =	sld [smem:$0x3FC9]  }
0x91: {  	s18 =	sld [smem:$0x3FD0];
	(tm) =	ssettm $0x1  }
0x92: {  	s4 =	sld [smem:$0x3FFB];
	_ =	sdelay $0x3  }
0x93: {  	_ =	strace s4  }
0x94: {  	s4 =	sld [smem:$0x3FFC];
	_ =	sdelay $0x3  }
0x95: {  	_ =	strace s4  }
0x96: {  	s4 =	sld [smem:$0x3FFD];
	_ =	sdelay $0x3  }
0x97: {  	_ =	strace s4  }
0x98: {  	_ =	strace $0x8FFFFFFF  }
0x99: {  	s19 =	sld [smem:$0x3FDB];
	_ =	sdelay $0x1  }
0x9a: {  	s5 =	simm.s32 $_scs_section_size  }
0x9b: {  	s6 =	simm.s32 $_size__tile_overlayer_lowered;
	s7 =	simm.s32 $_tile_overlayer_lowered  }
0x9c: {  	s22 =	simm.s32 $0x1BFF;
	s21 =	sshll.u32 s7, $0x1;
	s4 =	sadd.s32 s5, s19  }
0x9d: {  	s8 =	simm.s32 $0x0;
	s20 =	sshll.u32 s6, $0x1;
	s6 =	sadd.s32 s21, s4  }
0x9e: {  	[timem:s8], [sflag:s22] =	dma.local [hbm:s6], s20  }
0x9f: {  	_ =	swait.ge [sflag:s22], s20  }
0xa0: {  	s5 =	ssub.s32 $0x0, s20;
	[sflag:s22] =	ssyncset.done $0x0  }
0xa1: {  	[sflag:s22] =	ssyncadd.s32 s5;
	_ =	sdelay $0x1  }
0xa2: {  	s23 =	simm.s32 $0x1B8B  }
0xa3: {  	_ =	swait.ge [sflag:s23], $0x1  }
0xa4: {  	[sflag:s23] =	ssyncset.done $0x0  }
0xa5: {  	s25 =	simm.s32 $0x1B8E;
	s24 =	sld [smem:$0x3FFE];
	[sflag:s23] =	ssyncadd.s32 $0xFFFFFFFF  }
0xa6: {  	s26 =	simm.s32 $execute0_lowered;
	[smem:$0x3FD2] =	sst s25  }
0xa7: {  	s6 =	sshll.u32 s26, $0x1;
	_ =	strace $0x80000046;
	[dreg:$0x1] =	wrdreg $0xFFFFFFFF  }
0xa8: {  	s28 =	simm.s32 $_size_execute0_lowered;
	s4 =	sadd.s32 s4, s6;
	[dreg:$0x0] =	wrdreg $0x0  }
0xa9: {  	s6 =	sshll.u32 s28, $0x1;
	[dreg:$0x2] =	wrdreg s4  }
0xaa: {  	[dreg:$0x3] =	wrdreg s6  }
0xab: {  	[dreg:$0x4] =	wrdreg $0xC0  }
0xac: {  	_ =	task [dreg:s8], $0x5FFFF  }
0xad: {  	[dreg:$0x1] =	wrdreg $0xFFFFFFFF  }
0xae: {  	[dreg:$0x0] =	wrdreg $0x60  }
0xaf: {  	[dreg:$0x2] =	wrdreg s2  }
0xb0: {  	[dreg:$0x3] =	wrdreg s24  }
0xb1: {  	[dreg:$0x4] =	wrdreg s18  }
0xb2: {  	[dreg:$0x5] =	wrdreg $0xA0000  }
0xb3: {  	[dreg:$0x6] =	wrdreg $0xA  }
0xb4: {  	_ =	task.clear_ibuf [dreg:s8], $0x7FFFF;
	_ =	strace $0x90000046  }
0xb5: {  	s29 =	simm.s32 $0xA;
	_ =	strace $0x80000048  }
0xb6: {  	_ =	swait.ge [sflag:s29], $0x1  }
0xb7: {  	[sflag:s29] =	ssyncadd.s32 $0xFFFFFFFF  }
0xb8: {  	_ =	strace $0x90000048  }
0xb9: {  	_ =	sfence  }
0xba: {  	s30 =	sld [smem:$0x0];
	_ =	sdelay $0x2  }
0xbb: {  	s31 =	sshll.u32 s1, $0xD;
	s1 =	sshrl.u32 s1, $0x2  }
0xbc: {  	s3 =	sand.u32 $0x4000, s31;
	s1 =	sadd.s32 s1, s30  }
0xbd: {  	s0 =	sor.u32 s3, s0;
	s1 =	sshll.u32 s1, $0x11  }
0xbe: {  	s0 =	sor.u32 s1, s0  }
0xbf: {  	s0 =	sadd.s32 $0x8F2B, s0  }
0xc0: {  	[sflag:s0] =	ssyncadd.remote.s32 $0x1  }
0xc1: {  	_ =	sfence.sel $0xFFFF  }
0xc2: {  	[dreg:$0x0] =	wrdreg $0xFFFFFFFF;
	(pc) =	sbr.abs _section_cstart, $3  }
0xc3: {  	[dreg:$0x1] =	wrdreg $0xFFFFFFFF  }
0xc4: {  	_ =	task.clear_ibuf [dreg:s8], $0x2FFFF;
	_ =	strace $0x9FFFFFFF  }
0xc5: {  	(tm) =	ssettm $0x7FFFFFFF  }
tec
execute0_lowered:
.L_overlay_start_1:
0x0: {  	(tag) =	ssettag $0x1  }
0x1: {  	s0 =	rddreg [dreg:$0x0]  }
0x2: {  	s7 =	rddreg [dreg:$0x1]  }
0x3: {  	s3 =	rddreg [dreg:$0x2]  }
0x4: {  	s4 =	rddreg [dreg:$0x3]  }
0x5: {  	s1 =	srdreg.scid;
	s2 =	rddreg [dreg:$0x4]  }
0x6: {  	s5 =	simm.s32 $0x0;
	s18 =	simm.s32 $0x3;
	s19 =	simm.s32 $0x1000  }
0x7: {  	s20 =	simm.s32 $0x80;
	s21 =	simm.s32 $0x6000;
	s17 =	sand.u32 $0x1, s1  }
0x8: {  	s22 =	simm.s32 $0x1;
	s1 =	stileid.u32;
	s6 =	smul.u32 $0x13C000, s17  }
0x9: {  	s23 =	simm.s32 $0x2;
	s24 =	simm.s32 $0x1F00;
	s8 =	smul.u32 $0x13C00, s1  }
0xa: {  	s25 =	simm.s32 $0x1F80;
	[smem:$0x7FF] =	sst s5;
	s9 =	smul.u32 $0x4F000, s1  }
0xb: {  	_ =	strace $0x80000047;
	s29 =	ssub.s32 $0x2, s17;
	s10 =	sshll.u32 s1, $0x9  }
0xc: {  	p0 =	seq.s32 s17, $0x0;
	s17 =	simm.s32 $0x2000;
	s31 =	sshrl.u32 s29, $0x1  }
0xd: {  	s11 =	sor.u32 $0x8000, s10;
	s8 =	sadd.s32 s8, s6;
	s6 =	sadd.s32 $0x2000, s7  }
.Ltmp0:
0xe: {  	s30 =	sshrl.u32 s9, $0x2;
	s13 =	ssub.s32 s29, s31;
	(pc) =	sbr.rel .LBB2_1-.Ltmp0, $4  }
0xf: {  	s9 =	sshll.u32 s1, $0xB;
	s8 =	sshrl.u32 s8, $0x3;
	s10 =	sadd.s32 s6, s11  }
0x10: {  	s11 =	sadd.s32 s3, s11;
	s12 =	sadd.s32 s8, s7;
	s7 =	sadd.s32 s30, s4  }
0x11: {  	s13 =	smax.u32 s13, $0x1;
	s8 =	sadd.s32 $0x10000, s7;
	s12 =	sadd.s32 $0xC000, s12  }
0x12: {  	v0 =	vimm.f32 $0.0e+00;
	s14 =	sadd.s32 $0x4000, s7;
	s15 =	sadd.s32 $0x8000, s7;
	s16 =	sadd.s32 $0xC000, s7  }
.LBB2_10:
0x13: {  	s5 =	sadd.s32 $0x1, s5  }
0x14: {  	s26 =	sshll.u32 s1, $0x6;
	[bflag:$0x0] =	sbarrier.arrive $0xFFFF;
	p1 =	sne.s32 s5, s13  }
.Ltmp1:
0x15: {  	s28 =	sshrl.u32 s7, $0x3;
	s26 =	sor.u32 $0x1C03, s26;
	(pc) =	sbr.rel @!p1 .LBB2_11-.Ltmp1, $4  }
0x16: {  	[hbm:s12], [sflag:s26] =	dma.local [spmem:s28], $0x2780  }
0x17: {  	_ =	swait.ge [sflag:s18], $0x2780  }
0x18: {  	[sflag:s18] =	ssyncset.done $0x0  }
0x19: {  	[sflag:s18] =	ssyncadd.s32 $0xFFFFD880  }
.LBB2_1:
0x1a: {  	s26 =	simm.s32 $0x0;
	s28 =	simm.s32 $0x200  }
.LBB2_2:
0x1b: {  	p1 =	sne.s32 s28, $0xFE00;
	[tilespmem:s26+$0x2070] =	vst v0  }
0x1c: {  	[tilespmem:s26+$0x2000] =	vst v0  }
0x1d: {  	[tilespmem:s26+$0x2010] =	vst v0  }
.Ltmp2:
0x1e: {  	[tilespmem:s26+$0x2020] =	vst v0;
	(pc) =	sbr.rel @p1 .LBB2_2-.Ltmp2, $4  }
0x1f: {  	[tilespmem:s26+$0x2030] =	vst v0  }
0x20: {  	[tilespmem:s26+$0x2040] =	vst v0  }
0x21: {  	[tilespmem:s26+$0x2050] =	vst v0  }
0x22: {  	[tilespmem:s26+$0x2060] =	vst v0;
	s26 =	sshra.s32 s28, $0x2;
	s28 =	sadd.s32 $0x200, s28  }
0x23: {  	[tilespmem:s26+$0x2070] =	vst v0  }
0x24: {  	[tilespmem:s26+$0x2000] =	vst v0  }
0x25: {  	[tilespmem:s26+$0x2010] =	vst v0  }
0x26: {  	[tilespmem:s26+$0x2020] =	vst v0  }
0x27: {  	[tilespmem:s26+$0x2030] =	vst v0  }
0x28: {  	[tilespmem:s26+$0x2040] =	vst v0  }
0x29: {  	[tilespmem:s26+$0x2050] =	vst v0  }
0x2a: {  	[tilespmem:s26+$0x2060] =	vst v0  }
0x2b: {  	[spmem:s7] =	stream.linear.scatter [tilespmem:s17], [sflag:$0x3], $0x4000, $0x38;
	[tilespmem:$0x1DC00] =	vst v63  }
0x2c: {  	_ =	swait.ge [sflag:s18], $0x4000  }
0x2d: {  	[sflag:s18] =	ssyncset.done $0x0  }
0x2e: {  	[sflag:s18] =	ssyncadd.s32 $0xFFFFC000  }
0x2f: {  	[spmem:s14] =	stream.linear.scatter [tilespmem:s17], [sflag:$0x3], $0x4000, $0x38;
	[tilespmem:$0x1DC00] =	vst v63  }
0x30: {  	_ =	swait.ge [sflag:s18], $0x4000  }
0x31: {  	[sflag:s18] =	ssyncset.done $0x0  }
0x32: {  	[sflag:s18] =	ssyncadd.s32 $0xFFFFC000  }
0x33: {  	[spmem:s15] =	stream.linear.scatter [tilespmem:s17], [sflag:$0x3], $0x4000, $0x38;
	[tilespmem:$0x1DC00] =	vst v63  }
0x34: {  	_ =	swait.ge [sflag:s18], $0x4000  }
0x35: {  	[sflag:s18] =	ssyncset.done $0x0  }
0x36: {  	[sflag:s18] =	ssyncadd.s32 $0xFFFFC000  }
0x37: {  	[spmem:s16] =	stream.linear.scatter [tilespmem:s17], [sflag:$0x3], $0x4000, $0x38;
	[tilespmem:$0x1DC00] =	vst v63  }
0x38: {  	_ =	swait.ge [sflag:s18], $0x4000  }
0x39: {  	[sflag:s18] =	ssyncset.done $0x0  }
0x3a: {  	[sflag:s18] =	ssyncadd.s32 $0xFFFFC000  }
0x3b: {  	[spmem:s8] =	stream.linear.scatter [tilespmem:s17], [sflag:$0x3], $0x3C00, $0x38;
	[tilespmem:$0x1DC00] =	vst v63  }
.Ltmp3:
0x3c: {  	_ =	swait.ge [sflag:s18], $0x3C00;
	(pc) =	sbr.rel @!p0 .LBB2_4-.Ltmp3, $4  }
0x3d: {  	[sflag:s18] =	ssyncset.done $0x0  }
0x3e: {  	[sflag:s18] =	ssyncadd.s32 $0xFFFFC400  }
0x3f: {  	[bflag:$0x0] =	sbarrier.arrive $0xFFFF  }
0x40: {  	s26 =	simm.s32 $0x0;
	s28 =	simm.s32 $0x0  }
0x41: {  	s26 =	simm.s32 $0x0  }
0x42: {  	[tilespmem:s26], [sflag:$0x3] =	stream.linear.gather [hbm4b:s10+s26], $0x1000, $0x38;
	[tilespmem:$0x1DC00] =	vst v63  }
0x43: {  	_ =	swait.ge [sflag:s18], $0x1000  }
0x44: {  	[sflag:s18] =	ssyncset.done $0x0  }
0x45: {  	[sflag:s18] =	ssyncadd.s32 $0xFFFFF000  }
0x46: {  	[tilespmem:s19], [sflag:$0x3] =	stream.linear.gather [hbm4b:s11+s26], $0x1000, $0x38;
	[tilespmem:$0x1DC00] =	vst v63  }
0x47: {  	_ =	swait.ge [sflag:s18], $0x1000  }
0x48: {  	[sflag:s18] =	ssyncset.done $0x0  }
0x49: {  	[sflag:s18] =	ssyncadd.s32 $0xFFFFF000  }
0x4a: {  	[tilespmem:s17], [sflag:$0x1] =	stream.indirect.gather [hbm4b:s0+s20], $0x80, s26, s20, $0xb8;
	[tilespmem:$0x1DC00] =	vst v63  }
0x4b: {  	_ = 	snop  }
0x4c: {  	[tilespmem:s21], [sflag:$0x2] =	stream.indirect.gather [hbm4b:s0+s20], $0x80, s20, s20, $0xb8;
	[tilespmem:$0x1DC00] =	vst v63  }
0x4d: {  	_ =	swait.ge [sflag:s22], $0x4000  }
0x4e: {  	[sflag:s22] =	ssyncset.done $0x0  }
0x4f: {  	s29 =	simm.s32 $0x1000;
	[sflag:s22] =	ssyncadd.s32 $0xFFFFC000  }
0x50: {  	[spmem:s4] =	stream.indirect.scatter.add.f32 [tilespmem:s17], [sflag:$0x3], $0x80, s29, s20, $0xb8;
	[tilespmem:$0x1DC00] =	vst v63  }
0x51: {  	_ =	swait.ge [sflag:s18], $0x4000  }
0x52: {  	[sflag:s18] =	ssyncset.done $0x0  }
0x53: {  	s30 =	simm.s32 $0x100;
	[sflag:s18] =	ssyncadd.s32 $0xFFFFC000  }
0x54: {  	[tilespmem:s17], [sflag:$0x1] =	stream.indirect.gather [hbm4b:s0+s20], $0x80, s30, s20, $0xb8;
	[tilespmem:$0x1DC00] =	vst v63  }
0x55: {  	_ =	swait.ge [sflag:s23], $0x4000  }
0x56: {  	[sflag:s23] =	ssyncset.done $0x0  }
0x57: {  	s31 =	simm.s32 $0x1080;
	[sflag:s23] =	ssyncadd.s32 $0xFFFFC000  }
0x58: {  	[spmem:s4] =	stream.indirect.scatter.add.f32 [tilespmem:s21], [sflag:$0x3], $0x80, s31, s20, $0xb8;
	[tilespmem:$0x1DC00] =	vst v63  }
0x59: {  	_ =	swait.ge [sflag:s18], $0x4000  }
0x5a: {  	[sflag:s18] =	ssyncset.done $0x0  }
0x5b: {  	s28 =	simm.s32 $0x180;
	s26 =	simm.s32 $0x400;
	[sflag:s18] =	ssyncadd.s32 $0xFFFFC000  }
.LBB2_8:
0x5c: {  	[tilespmem:s21], [sflag:$0x2] =	stream.indirect.gather [hbm4b:s0+s20], $0x80, s28, s20, $0xb8;
	[tilespmem:$0x1DC00] =	vst v63  }
0x5d: {  	s28 =	smov.u32 s26  }
0x5e: {  	p1 =	sne.s32 s26, $0x3800;
	s26 =	sadd.s32 $0x400, s26;
	_ =	swait.ge [sflag:s22], $0x4000  }
0x5f: {  	s28 =	sshra.s32 s28, $0x2;
	[sflag:s22] =	ssyncset.done $0x0  }
0x60: {  	s29 =	sadd.s32 $0x1000, s28;
	[sflag:s22] =	ssyncadd.s32 $0xFFFFC000  }
0x61: {  	[spmem:s4] =	stream.indirect.scatter.add.f32 [tilespmem:s17], [sflag:$0x3], $0x80, s29, s20, $0xb8;
	[tilespmem:$0x1DC00] =	vst v63  }
0x62: {  	_ =	swait.ge [sflag:s18], $0x4000  }
0x63: {  	[sflag:s18] =	ssyncset.done $0x0  }
0x64: {  	s29 =	sadd.s32 $0x100, s28;
	[sflag:s18] =	ssyncadd.s32 $0xFFFFC000  }
0x65: {  	[tilespmem:s17], [sflag:$0x1] =	stream.indirect.gather [hbm4b:s0+s20], $0x80, s29, s20, $0xb8;
	[tilespmem:$0x1DC00] =	vst v63  }
0x66: {  	_ =	swait.ge [sflag:s23], $0x4000  }
0x67: {  	[sflag:s23] =	ssyncset.done $0x0  }
.Ltmp4:
0x68: {  	s29 =	sadd.s32 $0x1080, s28;
	[sflag:s23] =	ssyncadd.s32 $0xFFFFC000;
	(pc) =	sbr.rel @p1 .LBB2_8-.Ltmp4, $4  }
0x69: {  	[spmem:s4] =	stream.indirect.scatter.add.f32 [tilespmem:s21], [sflag:$0x3], $0x80, s29, s20, $0xb8;
	[tilespmem:$0x1DC00] =	vst v63  }
0x6a: {  	_ =	swait.ge [sflag:s18], $0x4000  }
0x6b: {  	[sflag:s18] =	ssyncset.done $0x0  }
0x6c: {  	s28 =	sadd.s32 $0x180, s28;
	[sflag:s18] =	ssyncadd.s32 $0xFFFFC000  }
0x6d: {  	[tilespmem:s21], [sflag:$0x2] =	stream.indirect.gather [hbm4b:s0+s20], $0x80, s28, s20, $0xb8;
	[tilespmem:$0x1DC00] =	vst v63  }
0x6e: {  	_ =	swait.ge [sflag:s22], $0x4000  }
0x6f: {  	[sflag:s22] =	ssyncset.done $0x0  }
0x70: {  	[sflag:s22] =	ssyncadd.s32 $0xFFFFC000  }
0x71: {  	[spmem:s4] =	stream.indirect.scatter.add.f32 [tilespmem:s17], [sflag:$0x3], $0x80, s24, s20, $0xb8;
	[tilespmem:$0x1DC00] =	vst v63  }
0x72: {  	_ =	swait.ge [sflag:s18], $0x4000  }
0x73: {  	[sflag:s18] =	ssyncset.done $0x0  }
0x74: {  	[sflag:s18] =	ssyncadd.s32 $0xFFFFC000  }
0x75: {  	_ =	swait.ge [sflag:s23], $0x4000  }
0x76: {  	[sflag:s23] =	ssyncset.done $0x0  }
.Ltmp5:
0x77: {  	[sflag:s23] =	ssyncadd.s32 $0xFFFFC000;
	(pc) =	sbr.rel .LBB2_10-.Ltmp5, $4  }
0x78: {  	[spmem:s4] =	stream.indirect.scatter.add.f32 [tilespmem:s21], [sflag:$0x3], $0x80, s25, s20, $0xb8;
	[tilespmem:$0x1DC00] =	vst v63  }
0x79: {  	_ =	swait.ge [sflag:s18], $0x4000  }
0x7a: {  	[sflag:s18] =	ssyncset.done $0x0  }
0x7b: {  	[sflag:s18] =	ssyncadd.s32 $0xFFFFC000  }
.LBB2_4:
0x7c: {  	s29 =	sshll.u32 s28, $0x9  }
0x7d: {  	s29 =	sadd.s32 s9, s29  }
0x7e: {  	s30 =	sadd.s32 s6, s29  }
0x7f: {  	[tilespmem:s26], [sflag:$0x3] =	stream.linear.gather [hbm4b:s30+s26], $0x1000, $0x38;
	[tilespmem:$0x1DC00] =	vst v63  }
0x80: {  	_ =	swait.ge [sflag:s18], $0x1000  }
0x81: {  	[sflag:s18] =	ssyncset.done $0x0  }
0x82: {  	s29 =	sadd.s32 s3, s29;
	[sflag:s18] =	ssyncadd.s32 $0xFFFFF000  }
0x83: {  	[tilespmem:s19], [sflag:$0x3] =	stream.linear.gather [hbm4b:s29+s26], $0x1000, $0x38;
	[tilespmem:$0x1DC00] =	vst v63  }
0x84: {  	_ =	swait.ge [sflag:s18], $0x1000  }
0x85: {  	[sflag:s18] =	ssyncset.done $0x0  }
0x86: {  	[sflag:s18] =	ssyncadd.s32 $0xFFFFF000  }
0x87: {  	[tilespmem:s17], [sflag:$0x1] =	stream.indirect.gather [hbm4b:s0+s20], $0x80, s26, s20, $0xb8;
	[tilespmem:$0x1DC00] =	vst v63  }
0x88: {  	_ = 	snop  }
0x89: {  	[tilespmem:s21], [sflag:$0x2] =	stream.indirect.gather [hbm4b:s0+s20], $0x80, s20, s20, $0xb8;
	[tilespmem:$0x1DC00] =	vst v63  }
0x8a: {  	_ =	swait.ge [sflag:s22], $0x4000  }
0x8b: {  	[sflag:s22] =	ssyncset.done $0x0  }
0x8c: {  	s29 =	simm.s32 $0x1000;
	[sflag:s22] =	ssyncadd.s32 $0xFFFFC000  }
0x8d: {  	[spmem:s4] =	stream.indirect.scatter.add.f32 [tilespmem:s17], [sflag:$0x3], $0x80, s29, s20, $0xb8;
	[tilespmem:$0x1DC00] =	vst v63  }
0x8e: {  	_ =	swait.ge [sflag:s18], $0x4000  }
0x8f: {  	[sflag:s18] =	ssyncset.done $0x0  }
0x90: {  	s29 =	simm.s32 $0x100;
	[sflag:s18] =	ssyncadd.s32 $0xFFFFC000  }
0x91: {  	[tilespmem:s17], [sflag:$0x1] =	stream.indirect.gather [hbm4b:s0+s20], $0x80, s29, s20, $0xb8;
	[tilespmem:$0x1DC00] =	vst v63  }
0x92: {  	_ =	swait.ge [sflag:s23], $0x4000  }
0x93: {  	[sflag:s23] =	ssyncset.done $0x0  }
0x94: {  	s29 =	simm.s32 $0x1080;
	[sflag:s23] =	ssyncadd.s32 $0xFFFFC000  }
0x95: {  	[spmem:s4] =	stream.indirect.scatter.add.f32 [tilespmem:s21], [sflag:$0x3], $0x80, s29, s20, $0xb8;
	[tilespmem:$0x1DC00] =	vst v63  }
0x96: {  	_ =	swait.ge [sflag:s18], $0x4000  }
0x97: {  	[sflag:s18] =	ssyncset.done $0x0  }
0x98: {  	s30 =	simm.s32 $0x180;
	s29 =	simm.s32 $0x400;
	[sflag:s18] =	ssyncadd.s32 $0xFFFFC000  }
.LBB2_5:
0x99: {  	[tilespmem:s21], [sflag:$0x2] =	stream.indirect.gather [hbm4b:s0+s20], $0x80, s30, s20, $0xb8;
	[tilespmem:$0x1DC00] =	vst v63  }
0x9a: {  	s30 =	smov.u32 s29  }
0x9b: {  	p1 =	sne.s32 s29, $0x3800;
	s29 =	sadd.s32 $0x400, s29;
	_ =	swait.ge [sflag:s22], $0x4000  }
0x9c: {  	s30 =	sshra.s32 s30, $0x2;
	[sflag:s22] =	ssyncset.done $0x0  }
0x9d: {  	s31 =	sadd.s32 $0x1000, s30;
	[sflag:s22] =	ssyncadd.s32 $0xFFFFC000  }
0x9e: {  	[spmem:s4] =	stream.indirect.scatter.add.f32 [tilespmem:s17], [sflag:$0x3], $0x80, s31, s20, $0xb8;
	[tilespmem:$0x1DC00] =	vst v63  }
0x9f: {  	_ =	swait.ge [sflag:s18], $0x4000  }
0xa0: {  	[sflag:s18] =	ssyncset.done $0x0  }
0xa1: {  	s31 =	sadd.s32 $0x100, s30;
	[sflag:s18] =	ssyncadd.s32 $0xFFFFC000  }
0xa2: {  	[tilespmem:s17], [sflag:$0x1] =	stream.indirect.gather [hbm4b:s0+s20], $0x80, s31, s20, $0xb8;
	[tilespmem:$0x1DC00] =	vst v63  }
0xa3: {  	_ =	swait.ge [sflag:s23], $0x4000  }
0xa4: {  	[sflag:s23] =	ssyncset.done $0x0  }
.Ltmp6:
0xa5: {  	s31 =	sadd.s32 $0x1080, s30;
	[sflag:s23] =	ssyncadd.s32 $0xFFFFC000;
	(pc) =	sbr.rel @p1 .LBB2_5-.Ltmp6, $4  }
0xa6: {  	[spmem:s4] =	stream.indirect.scatter.add.f32 [tilespmem:s21], [sflag:$0x3], $0x80, s31, s20, $0xb8;
	[tilespmem:$0x1DC00] =	vst v63  }
0xa7: {  	_ =	swait.ge [sflag:s18], $0x4000  }
0xa8: {  	[sflag:s18] =	ssyncset.done $0x0  }
0xa9: {  	s30 =	sadd.s32 $0x180, s30;
	[sflag:s18] =	ssyncadd.s32 $0xFFFFC000  }
0xaa: {  	[tilespmem:s21], [sflag:$0x2] =	stream.indirect.gather [hbm4b:s0+s20], $0x80, s30, s20, $0xb8;
	[tilespmem:$0x1DC00] =	vst v63  }
0xab: {  	_ =	swait.ge [sflag:s22], $0x4000  }
0xac: {  	[sflag:s22] =	ssyncset.done $0x0  }
0xad: {  	[sflag:s22] =	ssyncadd.s32 $0xFFFFC000  }
0xae: {  	[spmem:s4] =	stream.indirect.scatter.add.f32 [tilespmem:s17], [sflag:$0x3], $0x80, s24, s20, $0xb8;
	[tilespmem:$0x1DC00] =	vst v63  }
0xaf: {  	_ =	swait.ge [sflag:s18], $0x4000  }
0xb0: {  	[sflag:s18] =	ssyncset.done $0x0  }
0xb1: {  	[sflag:s18] =	ssyncadd.s32 $0xFFFFC000  }
0xb2: {  	_ =	swait.ge [sflag:s23], $0x4000  }
0xb3: {  	s28 =	sadd.s32 $0x1, s28;
	[sflag:s23] =	ssyncset.done $0x0  }
0xb4: {  	p1 =	seq.s32 s28, $0x4;
	[sflag:s23] =	ssyncadd.s32 $0xFFFFC000  }
0xb5: {  	[spmem:s4] =	stream.indirect.scatter.add.f32 [tilespmem:s21], [sflag:$0x3], $0x80, s25, s20, $0xb8;
	[tilespmem:$0x1DC00] =	vst v63  }
.Ltmp7:
0xb6: {  	_ = 	snop;
	(pc) =	sbr.rel @!p1 .LBB2_4-.Ltmp7, $4  }
.Ltmp8:
0xb7: {  	_ = 	snop;
	(pc) =	sbr.rel @p1 .LBB2_10-.Ltmp8, $4  }
0xb8: {  	_ =	swait.ge [sflag:s18], $0x4000  }
0xb9: {  	[sflag:s18] =	ssyncset.done $0x0  }
0xba: {  	[sflag:s18] =	ssyncadd.s32 $0xFFFFC000  }
0xbb: {  	_ = 	snop  }
.LBB2_11:
0xbc: {  	_ =	sfence.sel $0x180000  }
0xbd: {  	[bflag:$0x0] =	sbarrier.arrive $0xFFFF  }
0xbe: {  	p0 =	sne.s32 s1, $0x0;
	_ =	strace $0x90000047  }
0xbf: {  	s0 =	sadd.s32 @!p0 $0x100000, s2;
	[bflag:$0x2] =	sbarrier.arrive $0xFFFF  }
0xc0: {  	[sflag:s0] =	ssyncadd.tile.s32 @!p0 $0x1;
	_ =	shalt  }
.Lfunc_end2:
_tile_overlayer_lowered:
.L_overlay_start_2:
0xc1: {  	(tag) =	ssettag $0x2  }
0xc2: {  	s0 =	rddreg [dreg:$0x0];
	s2 =	stileid.u32  }
0xc3: {  	s1 =	rddreg [dreg:$0x1];
	p0 =	sne.s32 s2, $0x0  }
0xc4: {  	s3 =	rddreg [dreg:$0x2];
	[bflag:$0x3] =	sbarrier.arrive $0xFFFF;
	s2 =	simm.s32 @!p0 $0x1C03  }
0xc5: {  	[timem:s3], [sflag:s2] =	dma.local @!p0 [hbm:s0], s1  }
0xc6: {  	s0 =	simm.s32 @!p0 $0x3  }
0xc7: {  	_ =	swait.ge @!p0 [sflag:s0], s1  }
0xc8: {  	s1 =	ssub.s32 @!p0 $0x0, s1;
	[sflag:s0] =	ssyncset.done @!p0 $0x0  }
0xc9: {  	[sflag:s0] =	ssyncadd.s32 @!p0 s1  }
0xca: {  	[bflag:$0x3] =	sbarrier.arrive $0xFFFF  }
0xcb: {  	_ =	shalt  }

// kernel: kernel.13.cloned.1.call-start
scs
__scs_entry_jumppad:
0x0: {  	(pc) =	sbr.rel $0x88, $3  }
0x1: {  	(tag) =	ssettag $0x0;
	lr =	simm.s32 $0x1  }
0x2: {  	[smem:$0x3F99] =	sst lr;
	_ =	strace $0xD0000000  }
0x3: {  	_ = 	snop  }
0x4: {  	_ = 	snop  }
0x5: {  	_ = 	snop  }
0x6: {  	_ = 	snop  }
0x7: {  	_ = 	snop  }
__scs_overlays_trampoline_lowered:
0x8: {  	[smem:$0x3FA8] =	sst s0  }
0x9: {  	[smem:$0x3FA9] =	sst s1  }
0xa: {  	[smem:$0x3FAA] =	sst s2  }
0xb: {  	[smem:$0x3FAB] =	sst s3  }
0xc: {  	[smem:$0x3FAC] =	sst s4  }
0xd: {  	[smem:$0x3FAD] =	sst s5  }
0xe: {  	[smem:$0x3FAE] =	sst s6  }
0xf: {  	[smem:$0x3FAF] =	sst s7  }
0x10: {  	[smem:$0x3FB0] =	sst s8  }
0x11: {  	[smem:$0x3FB1] =	sst s9;
	s0 =	simm.s32 @!p0 $0x0  }
0x12: {  	s1 =	sld [smem:$0x3F97];
	s0 =	simm.s32 @p0 $0x1  }
0x13: {  	[smem:$0x3FB2] =	sst s0;
	s0 =	simm.s32 @!p1 $0x0  }
0x14: {  	s2 =	sld [smem:$0x3F96];
	s0 =	simm.s32 @p1 $0x1  }
0x15: {  	[smem:$0x3FB3] =	sst s0;
	s0 =	simm.s32 @!p2 $0x0  }
0x16: {  	s3 =	sld [smem:$0x3FDB];
	s0 =	simm.s32 @p2 $0x1  }
0x17: {  	s4 =	simm.s32 $0x1BF5;
	[smem:$0x3FB5] =	sst s0  }
0x18: {  	s0 =	sld [smem:$0x3F98];
	_ =	swait.ge [sflag:s4], $0x0  }
0x19: {  	s7 =	sld [smem:$0x3F99]  }
0x1a: {  	s8 =	sadd.s32 $0xFFFFE003, lr  }
0x1b: {  	s9 =	sadd.s32 $0xFFFFFEF7, lr;
	s5 =	simm.s32 $0xFFFFFFFF;
	p2 =	slt.u32 s8, $0xFFFFF086  }
0x1c: {  	p1 =	slt.u32 s9, $0xF7A;
	s5 =	simm.s32 @!p2 $0x0  }
0x1d: {  	s5 =	simm.s32 @p1 $0x1;
	p0 =	seq.s32 s7, s2  }
0x1e: {  	s7 =	smul.u32 @!p0 $0xF7A, s2;
	p2 =	seq.s32 @!p0 s5, $0x0  }
0x1f: {  	s9 =	smul.u32 $0xF7A, s1;
	s8 =	simm.s32 @!p0 $0x1BF5;
	p2 =	por !p2, p0  }
0x20: {  	[sflag:s8] =	ssyncset.s32 @!p0 $0xFFFFF086;
	s6 =	sadd.s32 @!p0 s3, s7;
	s7 =	simm.s32 @!p0 $0x108  }
0x21: {  	s3 =	sadd.s32 s3, s9;
	s6 =	sadd.s32 @!p0 $0x88, s6;
	s7 =	simm.s32 @p2 $0x1082  }
0x22: {  	[simem:s7], [sflag:s8] =	dma.local @!p0 [hbm:s6], $0xF7A  }
0x23: {  	s9 =	sor.u32 $0xD0000000, s2;
	s6 =	simm.s32 $0x108;
	_ =	swait.ge @!p0 [sflag:s8], $0x0  }
0x24: {  	s3 =	sadd.s32 $0x88, s3;
	s6 =	simm.s32 @!p1 $0x1082;
	[sflag:s4] =	ssyncset.s32 $0xFFFFF086  }
0x25: {  	[simem:s6], [sflag:s4] =	dma.local [hbm:s3], $0xF7A  }
0x26: {  	[smem:$0x3F99] =	sst s1;
	(tag) =	ssettag s2;
	_ =	strace s9  }
0x27: {  	s1 =	sld [smem:$0x3FA9]  }
0x28: {  	s2 =	sld [smem:$0x3FAA]  }
0x29: {  	s4 =	sld [smem:$0x3FAC]  }
0x2a: {  	p0 =	seq.s32 s5, $0x0;
	s5 =	sld [smem:$0x3FAD]  }
0x2b: {  	s6 =	sld [smem:$0x3FAE]  }
0x2c: {  	s7 =	sld [smem:$0x3FAF]  }
0x2d: {  	s3 =	simm.s32 $0x108;
	s8 =	sld [smem:$0x3FB0]  }
0x2e: {  	s3 =	simm.s32 @!p0 $0x1082;
	s9 =	sld [smem:$0x3FB1]  }
0x2f: {  	lr =	sadd.s32 s0, s3;
	s0 =	sld [smem:$0x3FA8]  }
0x30: {  	s3 =	sld [smem:$0x3FAB]  }
0x31: {  	[smem:$0x3FB4] =	sst s10  }
0x32: {  	s10 =	sld [smem:$0x3FB2];
	_ =	sdelay $0x3  }
0x33: {  	p0 =	seq.s32 s10, $0x1;
	s10 =	sld [smem:$0x3FB4];
	_ =	sdelay $0x3  }
0x34: {  	[smem:$0x3FB4] =	sst s10  }
0x35: {  	s10 =	sld [smem:$0x3FB3];
	_ =	sdelay $0x3  }
0x36: {  	p1 =	seq.s32 s10, $0x1;
	s10 =	sld [smem:$0x3FB4];
	_ =	sdelay $0x3  }
0x37: {  	[smem:$0x3FB4] =	sst s10  }
0x38: {  	s10 =	sld [smem:$0x3FB5]  }
0x39: {  	_ = 	snop;
	(pc) =	sbr.ind lr, $3  }
0x3a: {  	_ = 	snop  }
0x3b: {  	_ = 	snop  }
0x3c: {  	p2 =	seq.s32 s10, $0x1;
	s10 =	sld [smem:$0x3FB4]  }
0x3d: {  	_ =	shalt  }
0x3e: {  	_ =	shalt  }
0x3f: {  	_ =	shalt  }
0x40: {  	_ =	shalt  }
0x41: {  	_ =	shalt  }
0x42: {  	_ =	shalt  }
0x43: {  	_ =	shalt  }
0x44: {  	_ =	shalt  }
0x45: {  	_ =	shalt  }
0x46: {  	_ =	shalt  }
0x47: {  	_ =	shalt  }
0x48: {  	_ =	shalt  }
0x49: {  	_ =	shalt  }
0x4a: {  	_ =	shalt  }
0x4b: {  	_ =	shalt  }
0x4c: {  	_ =	shalt  }
0x4d: {  	_ =	shalt  }
0x4e: {  	_ =	shalt  }
0x4f: {  	_ =	shalt  }
0x50: {  	_ =	shalt  }
0x51: {  	_ =	shalt  }
0x52: {  	_ =	shalt  }
0x53: {  	_ =	shalt  }
0x54: {  	_ =	shalt  }
0x55: {  	_ =	shalt  }
0x56: {  	_ =	shalt  }
0x57: {  	_ =	shalt  }
0x58: {  	_ =	shalt  }
0x59: {  	_ =	shalt  }
0x5a: {  	_ =	shalt  }
0x5b: {  	_ =	shalt  }
0x5c: {  	_ =	shalt  }
0x5d: {  	_ =	shalt  }
0x5e: {  	_ =	shalt  }
0x5f: {  	_ =	shalt  }
0x60: {  	_ =	shalt  }
0x61: {  	_ =	shalt  }
0x62: {  	_ =	shalt  }
0x63: {  	_ =	shalt  }
0x64: {  	_ =	shalt  }
0x65: {  	_ =	shalt  }
0x66: {  	_ =	shalt  }
0x67: {  	_ =	shalt  }
0x68: {  	_ =	shalt  }
0x69: {  	_ =	shalt  }
0x6a: {  	_ =	shalt  }
0x6b: {  	_ =	shalt  }
0x6c: {  	_ =	shalt  }
0x6d: {  	_ =	shalt  }
0x6e: {  	_ =	shalt  }
0x6f: {  	_ =	shalt  }
0x70: {  	_ =	shalt  }
0x71: {  	_ =	shalt  }
0x72: {  	_ =	shalt  }
0x73: {  	_ =	shalt  }
0x74: {  	_ =	shalt  }
0x75: {  	_ =	shalt  }
0x76: {  	_ =	shalt  }
0x77: {  	_ =	shalt  }
0x78: {  	_ =	shalt  }
0x79: {  	_ =	shalt  }
0x7a: {  	_ =	shalt  }
0x7b: {  	_ =	shalt  }
0x7c: {  	_ =	shalt  }
0x7d: {  	_ =	shalt  }
0x7e: {  	_ =	shalt  }
0x7f: {  	_ =	shalt  }
0x80: {  	_ =	shalt  }
0x81: {  	_ =	shalt  }
0x82: {  	_ =	shalt  }
0x83: {  	_ =	shalt  }
0x84: {  	_ =	shalt  }
0x85: {  	_ =	shalt  }
0x86: {  	_ =	shalt  }
0x87: {  	_ =	shalt  }
.Lfunc_end0:
.L_simem_size_0:
called_computation.2_lowered:
.L_overlay_start_0:
0x88: {  	s2 =	sld [smem:$0x3FD9]  }
0x89: {  	s3 =	sld [smem:$0x3FFE];
	_ =	sdelay $0x1  }
0x8a: {  	s1 =	srdreg.scid  }
0x8b: {  	s0 =	sand.u32 $0x1, s1  }
0x8c: {  	s17 =	sshll.u32 s0, $0xA;
	s2 =	sadd.s32 s3, s2  }
0x8d: {  	s2 =	sadd.s32 s2, s17  }
0x8e: {  	[smem:$0x3FC0] =	sst s2  }
0x8f: {  	_ = 	snop  }
0x90: {  	s2 =	sld [smem:$0x3FD0];
	(tm) =	ssettm $0x1  }
0x91: {  	s18 =	sld [smem:$0x3FFB];
	_ =	sdelay $0x3  }
0x92: {  	_ =	strace s18  }
0x93: {  	s3 =	sld [smem:$0x3FFC];
	_ =	sdelay $0x3  }
0x94: {  	_ =	strace s3  }
0x95: {  	s3 =	sld [smem:$0x3FFD];
	_ =	sdelay $0x3  }
0x96: {  	_ =	strace s3  }
0x97: {  	_ =	strace $0x8FFFFFFF  }
0x98: {  	s19 =	sld [smem:$0x3FDB];
	_ =	sdelay $0x1  }
0x99: {  	s4 =	simm.s32 $_scs_section_size  }
0x9a: {  	s5 =	simm.s32 $_size__tile_overlayer_lowered;
	s6 =	simm.s32 $_tile_overlayer_lowered  }
0x9b: {  	s22 =	simm.s32 $0x1BFF;
	s21 =	sshll.u32 s6, $0x1;
	s3 =	sadd.s32 s4, s19  }
0x9c: {  	s7 =	simm.s32 $0x0;
	s20 =	sshll.u32 s5, $0x1;
	s5 =	sadd.s32 s21, s3  }
0x9d: {  	[timem:s7], [sflag:s22] =	dma.local [hbm:s5], s20  }
0x9e: {  	_ =	swait.ge [sflag:s22], s20  }
0x9f: {  	s4 =	ssub.s32 $0x0, s20;
	[sflag:s22] =	ssyncset.done $0x0  }
0xa0: {  	[sflag:s22] =	ssyncadd.s32 s4;
	_ =	sdelay $0x1  }
0xa1: {  	s23 =	simm.s32 $0x1B8B  }
0xa2: {  	_ =	swait.ge [sflag:s23], $0x1  }
0xa3: {  	[sflag:s23] =	ssyncset.done $0x0  }
0xa4: {  	s25 =	simm.s32 $0x1B8E;
	s24 =	sld [smem:$0x3FFE];
	[sflag:s23] =	ssyncadd.s32 $0xFFFFFFFF  }
0xa5: {  	s26 =	simm.s32 $execute0_lowered;
	[smem:$0x3FD2] =	sst s25  }
0xa6: {  	s5 =	sshll.u32 s26, $0x1;
	_ =	strace $0x8000004C;
	[dreg:$0x1] =	wrdreg $0xFFFFFFFF  }
0xa7: {  	s28 =	simm.s32 $_size_execute0_lowered;
	s3 =	sadd.s32 s3, s5;
	[dreg:$0x0] =	wrdreg $0x0  }
0xa8: {  	s5 =	sshll.u32 s28, $0x1;
	[dreg:$0x2] =	wrdreg s3  }
0xa9: {  	[dreg:$0x3] =	wrdreg s5  }
0xaa: {  	[dreg:$0x4] =	wrdreg $0xC0  }
0xab: {  	_ =	task [dreg:s7], $0x5FFFF  }
0xac: {  	[dreg:$0x1] =	wrdreg $0xFFFFFFFF  }
0xad: {  	[dreg:$0x0] =	wrdreg $0x60  }
0xae: {  	[dreg:$0x2] =	wrdreg s24  }
0xaf: {  	[dreg:$0x3] =	wrdreg s2  }
0xb0: {  	[dreg:$0x4] =	wrdreg $0xA0000  }
0xb1: {  	[dreg:$0x5] =	wrdreg $0x9  }
0xb2: {  	_ =	task.clear_ibuf [dreg:s7], $0x6FFFF;
	_ =	strace $0x9000004C  }
0xb3: {  	s29 =	simm.s32 $0x9;
	_ =	strace $0x8000004E  }
0xb4: {  	_ =	swait.ge [sflag:s29], $0x1  }
0xb5: {  	[sflag:s29] =	ssyncadd.s32 $0xFFFFFFFF  }
0xb6: {  	_ =	strace $0x9000004E  }
0xb7: {  	_ =	sfence  }
0xb8: {  	s30 =	sld [smem:$0x0];
	_ =	sdelay $0x2  }
0xb9: {  	s31 =	sshll.u32 s1, $0xD;
	s1 =	sshrl.u32 s1, $0x2  }
0xba: {  	s3 =	sand.u32 $0x4000, s31;
	s1 =	sadd.s32 s1, s30  }
0xbb: {  	s0 =	sor.u32 s3, s0;
	s1 =	sshll.u32 s1, $0x11  }
0xbc: {  	s0 =	sor.u32 s1, s0  }
0xbd: {  	s0 =	sadd.s32 $0x8F2B, s0  }
0xbe: {  	[sflag:s0] =	ssyncadd.remote.s32 $0x1  }
0xbf: {  	_ =	sfence.sel $0xFFFF  }
0xc0: {  	[dreg:$0x0] =	wrdreg $0xFFFFFFFF;
	(pc) =	sbr.abs _section_cstart, $3  }
0xc1: {  	[dreg:$0x1] =	wrdreg $0xFFFFFFFF  }
0xc2: {  	_ =	task.clear_ibuf [dreg:s7], $0x2FFFF;
	_ =	strace $0x9FFFFFFF  }
0xc3: {  	(tm) =	ssettm $0x7FFFFFFF  }
tec
execute0_lowered:
.L_overlay_start_1:
0x0: {  	(tag) =	ssettag $0x1  }
0x1: {  	s7 =	rddreg [dreg:$0x0]  }
0x2: {  	s2 =	rddreg [dreg:$0x1];
	s0 =	srdreg.scid  }
0x3: {  	s3 =	rddreg [dreg:$0x2];
	s1 =	stileid.u32;
	s4 =	simm.s32 $0x0  }
0x4: {  	s18 =	simm.s32 $0x3;
	s19 =	simm.s32 $0x1000;
	s20 =	simm.s32 $0x80  }
0x5: {  	s21 =	simm.s32 $0x6000;
	s22 =	simm.s32 $0x1;
	s23 =	simm.s32 $0x2  }
0x6: {  	s24 =	simm.s32 $0x1F00;
	s25 =	simm.s32 $0x1F80;
	s6 =	smul.u32 $0x13C00, s1  }
0x7: {  	s17 =	sand.u32 $0x1, s0;
	s0 =	rddreg [dreg:$0x3];
	s9 =	smul.u32 $0x4F000, s1  }
0x8: {  	[smem:$0x7FF] =	sst s4;
	s10 =	sshll.u32 s1, $0x9;
	s5 =	smul.u32 $0x13C000, s17  }
0x9: {  	_ =	strace $0x8000004D;
	s29 =	ssub.s32 $0x2, s17;
	s11 =	sor.u32 $0x8000, s10  }
0xa: {  	p0 =	seq.s32 s17, $0x0;
	s17 =	simm.s32 $0x2000;
	s30 =	sshrl.u32 s9, $0x2  }
0xb: {  	s31 =	sshrl.u32 s29, $0x1;
	s9 =	sshll.u32 s1, $0xB;
	s8 =	sadd.s32 s6, s5  }
.Ltmp0:
0xc: {  	s5 =	sadd.s32 $0xC000, s7;
	s6 =	sadd.s32 $0x2000, s7;
	(pc) =	sbr.rel .LBB2_1-.Ltmp0, $4  }
0xd: {  	s13 =	ssub.s32 s29, s31;
	s8 =	sshrl.u32 s8, $0x3;
	s10 =	sadd.s32 s6, s11  }
0xe: {  	s11 =	sadd.s32 s2, s11;
	s12 =	sadd.s32 s8, s7;
	s7 =	sadd.s32 s30, s3  }
0xf: {  	s13 =	smax.u32 s13, $0x1;
	s8 =	sadd.s32 $0x10000, s7;
	s12 =	sadd.s32 $0xAA000, s12  }
0x10: {  	v0 =	vimm.f32 $0.0e+00;
	s14 =	sadd.s32 $0x4000, s7;
	s15 =	sadd.s32 $0x8000, s7;
	s16 =	sadd.s32 $0xC000, s7  }
.LBB2_10:
0x11: {  	s4 =	sadd.s32 $0x1, s4  }
0x12: {  	s26 =	sshll.u32 s1, $0x6;
	[bflag:$0x0] =	sbarrier.arrive $0xFFFF;
	p1 =	sne.s32 s4, s13  }
.Ltmp1:
0x13: {  	s28 =	sshrl.u32 s7, $0x3;
	s26 =	sor.u32 $0x1C03, s26;
	(pc) =	sbr.rel @!p1 .LBB2_11-.Ltmp1, $4  }
0x14: {  	[hbm:s12], [sflag:s26] =	dma.local [spmem:s28], $0x2780  }
0x15: {  	_ =	swait.ge [sflag:s18], $0x2780  }
0x16: {  	[sflag:s18] =	ssyncset.done $0x0  }
0x17: {  	[sflag:s18] =	ssyncadd.s32 $0xFFFFD880  }
.LBB2_1:
0x18: {  	s26 =	simm.s32 $0x0;
	s28 =	simm.s32 $0x200  }
.LBB2_2:
0x19: {  	p1 =	sne.s32 s28, $0xFE00;
	[tilespmem:s26+$0x2070] =	vst v0  }
0x1a: {  	[tilespmem:s26+$0x2000] =	vst v0  }
0x1b: {  	[tilespmem:s26+$0x2010] =	vst v0  }
.Ltmp2:
0x1c: {  	[tilespmem:s26+$0x2020] =	vst v0;
	(pc) =	sbr.rel @p1 .LBB2_2-.Ltmp2, $4  }
0x1d: {  	[tilespmem:s26+$0x2030] =	vst v0  }
0x1e: {  	[tilespmem:s26+$0x2040] =	vst v0  }
0x1f: {  	[tilespmem:s26+$0x2050] =	vst v0  }
0x20: {  	[tilespmem:s26+$0x2060] =	vst v0;
	s26 =	sshra.s32 s28, $0x2;
	s28 =	sadd.s32 $0x200, s28  }
0x21: {  	[tilespmem:s26+$0x2070] =	vst v0  }
0x22: {  	[tilespmem:s26+$0x2000] =	vst v0  }
0x23: {  	[tilespmem:s26+$0x2010] =	vst v0  }
0x24: {  	[tilespmem:s26+$0x2020] =	vst v0  }
0x25: {  	[tilespmem:s26+$0x2030] =	vst v0  }
0x26: {  	[tilespmem:s26+$0x2040] =	vst v0  }
0x27: {  	[tilespmem:s26+$0x2050] =	vst v0  }
0x28: {  	[tilespmem:s26+$0x2060] =	vst v0  }
0x29: {  	[spmem:s7] =	stream.linear.scatter [tilespmem:s17], [sflag:$0x3], $0x4000, $0x38;
	[tilespmem:$0x1DC00] =	vst v63  }
0x2a: {  	_ =	swait.ge [sflag:s18], $0x4000  }
0x2b: {  	[sflag:s18] =	ssyncset.done $0x0  }
0x2c: {  	[sflag:s18] =	ssyncadd.s32 $0xFFFFC000  }
0x2d: {  	[spmem:s14] =	stream.linear.scatter [tilespmem:s17], [sflag:$0x3], $0x4000, $0x38;
	[tilespmem:$0x1DC00] =	vst v63  }
0x2e: {  	_ =	swait.ge [sflag:s18], $0x4000  }
0x2f: {  	[sflag:s18] =	ssyncset.done $0x0  }
0x30: {  	[sflag:s18] =	ssyncadd.s32 $0xFFFFC000  }
0x31: {  	[spmem:s15] =	stream.linear.scatter [tilespmem:s17], [sflag:$0x3], $0x4000, $0x38;
	[tilespmem:$0x1DC00] =	vst v63  }
0x32: {  	_ =	swait.ge [sflag:s18], $0x4000  }
0x33: {  	[sflag:s18] =	ssyncset.done $0x0  }
0x34: {  	[sflag:s18] =	ssyncadd.s32 $0xFFFFC000  }
0x35: {  	[spmem:s16] =	stream.linear.scatter [tilespmem:s17], [sflag:$0x3], $0x4000, $0x38;
	[tilespmem:$0x1DC00] =	vst v63  }
0x36: {  	_ =	swait.ge [sflag:s18], $0x4000  }
0x37: {  	[sflag:s18] =	ssyncset.done $0x0  }
0x38: {  	[sflag:s18] =	ssyncadd.s32 $0xFFFFC000  }
0x39: {  	[spmem:s8] =	stream.linear.scatter [tilespmem:s17], [sflag:$0x3], $0x3C00, $0x38;
	[tilespmem:$0x1DC00] =	vst v63  }
.Ltmp3:
0x3a: {  	_ =	swait.ge [sflag:s18], $0x3C00;
	(pc) =	sbr.rel @!p0 .LBB2_4-.Ltmp3, $4  }
0x3b: {  	[sflag:s18] =	ssyncset.done $0x0  }
0x3c: {  	[sflag:s18] =	ssyncadd.s32 $0xFFFFC400  }
0x3d: {  	[bflag:$0x0] =	sbarrier.arrive $0xFFFF  }
0x3e: {  	s26 =	simm.s32 $0x0;
	s28 =	simm.s32 $0x0  }
0x3f: {  	s26 =	simm.s32 $0x0  }
0x40: {  	[tilespmem:s26], [sflag:$0x3] =	stream.linear.gather [hbm4b:s10+s26], $0x1000, $0x38;
	[tilespmem:$0x1DC00] =	vst v63  }
0x41: {  	_ =	swait.ge [sflag:s18], $0x1000  }
0x42: {  	[sflag:s18] =	ssyncset.done $0x0  }
0x43: {  	[sflag:s18] =	ssyncadd.s32 $0xFFFFF000  }
0x44: {  	[tilespmem:s19], [sflag:$0x3] =	stream.linear.gather [hbm4b:s11+s26], $0x1000, $0x38;
	[tilespmem:$0x1DC00] =	vst v63  }
0x45: {  	_ =	swait.ge [sflag:s18], $0x1000  }
0x46: {  	[sflag:s18] =	ssyncset.done $0x0  }
0x47: {  	[sflag:s18] =	ssyncadd.s32 $0xFFFFF000  }
0x48: {  	[tilespmem:s17], [sflag:$0x1] =	stream.indirect.gather [hbm4b:s5+s20], $0x80, s26, s20, $0xb8;
	[tilespmem:$0x1DC00] =	vst v63  }
0x49: {  	_ = 	snop  }
0x4a: {  	[tilespmem:s21], [sflag:$0x2] =	stream.indirect.gather [hbm4b:s5+s20], $0x80, s20, s20, $0xb8;
	[tilespmem:$0x1DC00] =	vst v63  }
0x4b: {  	_ =	swait.ge [sflag:s22], $0x4000  }
0x4c: {  	[sflag:s22] =	ssyncset.done $0x0  }
0x4d: {  	s29 =	simm.s32 $0x1000;
	[sflag:s22] =	ssyncadd.s32 $0xFFFFC000  }
0x4e: {  	[spmem:s3] =	stream.indirect.scatter.add.f32 [tilespmem:s17], [sflag:$0x3], $0x80, s29, s20, $0xb8;
	[tilespmem:$0x1DC00] =	vst v63  }
0x4f: {  	_ =	swait.ge [sflag:s18], $0x4000  }
0x50: {  	[sflag:s18] =	ssyncset.done $0x0  }
0x51: {  	s30 =	simm.s32 $0x100;
	[sflag:s18] =	ssyncadd.s32 $0xFFFFC000  }
0x52: {  	[tilespmem:s17], [sflag:$0x1] =	stream.indirect.gather [hbm4b:s5+s20], $0x80, s30, s20, $0xb8;
	[tilespmem:$0x1DC00] =	vst v63  }
0x53: {  	_ =	swait.ge [sflag:s23], $0x4000  }
0x54: {  	[sflag:s23] =	ssyncset.done $0x0  }
0x55: {  	s31 =	simm.s32 $0x1080;
	[sflag:s23] =	ssyncadd.s32 $0xFFFFC000  }
0x56: {  	[spmem:s3] =	stream.indirect.scatter.add.f32 [tilespmem:s21], [sflag:$0x3], $0x80, s31, s20, $0xb8;
	[tilespmem:$0x1DC00] =	vst v63  }
0x57: {  	_ =	swait.ge [sflag:s18], $0x4000  }
0x58: {  	[sflag:s18] =	ssyncset.done $0x0  }
0x59: {  	s28 =	simm.s32 $0x180;
	s26 =	simm.s32 $0x400;
	[sflag:s18] =	ssyncadd.s32 $0xFFFFC000  }
.LBB2_8:
0x5a: {  	[tilespmem:s21], [sflag:$0x2] =	stream.indirect.gather [hbm4b:s5+s20], $0x80, s28, s20, $0xb8;
	[tilespmem:$0x1DC00] =	vst v63  }
0x5b: {  	s28 =	smov.u32 s26  }
0x5c: {  	p1 =	sne.s32 s26, $0x3800;
	s26 =	sadd.s32 $0x400, s26;
	_ =	swait.ge [sflag:s22], $0x4000  }
0x5d: {  	s28 =	sshra.s32 s28, $0x2;
	[sflag:s22] =	ssyncset.done $0x0  }
0x5e: {  	s29 =	sadd.s32 $0x1000, s28;
	[sflag:s22] =	ssyncadd.s32 $0xFFFFC000  }
0x5f: {  	[spmem:s3] =	stream.indirect.scatter.add.f32 [tilespmem:s17], [sflag:$0x3], $0x80, s29, s20, $0xb8;
	[tilespmem:$0x1DC00] =	vst v63  }
0x60: {  	_ =	swait.ge [sflag:s18], $0x4000  }
0x61: {  	[sflag:s18] =	ssyncset.done $0x0  }
0x62: {  	s29 =	sadd.s32 $0x100, s28;
	[sflag:s18] =	ssyncadd.s32 $0xFFFFC000  }
0x63: {  	[tilespmem:s17], [sflag:$0x1] =	stream.indirect.gather [hbm4b:s5+s20], $0x80, s29, s20, $0xb8;
	[tilespmem:$0x1DC00] =	vst v63  }
0x64: {  	_ =	swait.ge [sflag:s23], $0x4000  }
0x65: {  	[sflag:s23] =	ssyncset.done $0x0  }
.Ltmp4:
0x66: {  	s29 =	sadd.s32 $0x1080, s28;
	[sflag:s23] =	ssyncadd.s32 $0xFFFFC000;
	(pc) =	sbr.rel @p1 .LBB2_8-.Ltmp4, $4  }
0x67: {  	[spmem:s3] =	stream.indirect.scatter.add.f32 [tilespmem:s21], [sflag:$0x3], $0x80, s29, s20, $0xb8;
	[tilespmem:$0x1DC00] =	vst v63  }
0x68: {  	_ =	swait.ge [sflag:s18], $0x4000  }
0x69: {  	[sflag:s18] =	ssyncset.done $0x0  }
0x6a: {  	s28 =	sadd.s32 $0x180, s28;
	[sflag:s18] =	ssyncadd.s32 $0xFFFFC000  }
0x6b: {  	[tilespmem:s21], [sflag:$0x2] =	stream.indirect.gather [hbm4b:s5+s20], $0x80, s28, s20, $0xb8;
	[tilespmem:$0x1DC00] =	vst v63  }
0x6c: {  	_ =	swait.ge [sflag:s22], $0x4000  }
0x6d: {  	[sflag:s22] =	ssyncset.done $0x0  }
0x6e: {  	[sflag:s22] =	ssyncadd.s32 $0xFFFFC000  }
0x6f: {  	[spmem:s3] =	stream.indirect.scatter.add.f32 [tilespmem:s17], [sflag:$0x3], $0x80, s24, s20, $0xb8;
	[tilespmem:$0x1DC00] =	vst v63  }
0x70: {  	_ =	swait.ge [sflag:s18], $0x4000  }
0x71: {  	[sflag:s18] =	ssyncset.done $0x0  }
0x72: {  	[sflag:s18] =	ssyncadd.s32 $0xFFFFC000  }
0x73: {  	_ =	swait.ge [sflag:s23], $0x4000  }
0x74: {  	[sflag:s23] =	ssyncset.done $0x0  }
.Ltmp5:
0x75: {  	[sflag:s23] =	ssyncadd.s32 $0xFFFFC000;
	(pc) =	sbr.rel .LBB2_10-.Ltmp5, $4  }
0x76: {  	[spmem:s3] =	stream.indirect.scatter.add.f32 [tilespmem:s21], [sflag:$0x3], $0x80, s25, s20, $0xb8;
	[tilespmem:$0x1DC00] =	vst v63  }
0x77: {  	_ =	swait.ge [sflag:s18], $0x4000  }
0x78: {  	[sflag:s18] =	ssyncset.done $0x0  }
0x79: {  	[sflag:s18] =	ssyncadd.s32 $0xFFFFC000  }
.LBB2_4:
0x7a: {  	s29 =	sshll.u32 s28, $0x9  }
0x7b: {  	s29 =	sadd.s32 s9, s29  }
0x7c: {  	s30 =	sadd.s32 s6, s29  }
0x7d: {  	[tilespmem:s26], [sflag:$0x3] =	stream.linear.gather [hbm4b:s30+s26], $0x1000, $0x38;
	[tilespmem:$0x1DC00] =	vst v63  }
0x7e: {  	_ =	swait.ge [sflag:s18], $0x1000  }
0x7f: {  	[sflag:s18] =	ssyncset.done $0x0  }
0x80: {  	s29 =	sadd.s32 s2, s29;
	[sflag:s18] =	ssyncadd.s32 $0xFFFFF000  }
0x81: {  	[tilespmem:s19], [sflag:$0x3] =	stream.linear.gather [hbm4b:s29+s26], $0x1000, $0x38;
	[tilespmem:$0x1DC00] =	vst v63  }
0x82: {  	_ =	swait.ge [sflag:s18], $0x1000  }
0x83: {  	[sflag:s18] =	ssyncset.done $0x0  }
0x84: {  	[sflag:s18] =	ssyncadd.s32 $0xFFFFF000  }
0x85: {  	[tilespmem:s17], [sflag:$0x1] =	stream.indirect.gather [hbm4b:s5+s20], $0x80, s26, s20, $0xb8;
	[tilespmem:$0x1DC00] =	vst v63  }
0x86: {  	_ = 	snop  }
0x87: {  	[tilespmem:s21], [sflag:$0x2] =	stream.indirect.gather [hbm4b:s5+s20], $0x80, s20, s20, $0xb8;
	[tilespmem:$0x1DC00] =	vst v63  }
0x88: {  	_ =	swait.ge [sflag:s22], $0x4000  }
0x89: {  	[sflag:s22] =	ssyncset.done $0x0  }
0x8a: {  	s29 =	simm.s32 $0x1000;
	[sflag:s22] =	ssyncadd.s32 $0xFFFFC000  }
0x8b: {  	[spmem:s3] =	stream.indirect.scatter.add.f32 [tilespmem:s17], [sflag:$0x3], $0x80, s29, s20, $0xb8;
	[tilespmem:$0x1DC00] =	vst v63  }
0x8c: {  	_ =	swait.ge [sflag:s18], $0x4000  }
0x8d: {  	[sflag:s18] =	ssyncset.done $0x0  }
0x8e: {  	s29 =	simm.s32 $0x100;
	[sflag:s18] =	ssyncadd.s32 $0xFFFFC000  }
0x8f: {  	[tilespmem:s17], [sflag:$0x1] =	stream.indirect.gather [hbm4b:s5+s20], $0x80, s29, s20, $0xb8;
	[tilespmem:$0x1DC00] =	vst v63  }
0x90: {  	_ =	swait.ge [sflag:s23], $0x4000  }
0x91: {  	[sflag:s23] =	ssyncset.done $0x0  }
0x92: {  	s29 =	simm.s32 $0x1080;
	[sflag:s23] =	ssyncadd.s32 $0xFFFFC000  }
0x93: {  	[spmem:s3] =	stream.indirect.scatter.add.f32 [tilespmem:s21], [sflag:$0x3], $0x80, s29, s20, $0xb8;
	[tilespmem:$0x1DC00] =	vst v63  }
0x94: {  	_ =	swait.ge [sflag:s18], $0x4000  }
0x95: {  	[sflag:s18] =	ssyncset.done $0x0  }
0x96: {  	s30 =	simm.s32 $0x180;
	s29 =	simm.s32 $0x400;
	[sflag:s18] =	ssyncadd.s32 $0xFFFFC000  }
.LBB2_5:
0x97: {  	[tilespmem:s21], [sflag:$0x2] =	stream.indirect.gather [hbm4b:s5+s20], $0x80, s30, s20, $0xb8;
	[tilespmem:$0x1DC00] =	vst v63  }
0x98: {  	s30 =	smov.u32 s29  }
0x99: {  	p1 =	sne.s32 s29, $0x3800;
	s29 =	sadd.s32 $0x400, s29;
	_ =	swait.ge [sflag:s22], $0x4000  }
0x9a: {  	s30 =	sshra.s32 s30, $0x2;
	[sflag:s22] =	ssyncset.done $0x0  }
0x9b: {  	s31 =	sadd.s32 $0x1000, s30;
	[sflag:s22] =	ssyncadd.s32 $0xFFFFC000  }
0x9c: {  	[spmem:s3] =	stream.indirect.scatter.add.f32 [tilespmem:s17], [sflag:$0x3], $0x80, s31, s20, $0xb8;
	[tilespmem:$0x1DC00] =	vst v63  }
0x9d: {  	_ =	swait.ge [sflag:s18], $0x4000  }
0x9e: {  	[sflag:s18] =	ssyncset.done $0x0  }
0x9f: {  	s31 =	sadd.s32 $0x100, s30;
	[sflag:s18] =	ssyncadd.s32 $0xFFFFC000  }
0xa0: {  	[tilespmem:s17], [sflag:$0x1] =	stream.indirect.gather [hbm4b:s5+s20], $0x80, s31, s20, $0xb8;
	[tilespmem:$0x1DC00] =	vst v63  }
0xa1: {  	_ =	swait.ge [sflag:s23], $0x4000  }
0xa2: {  	[sflag:s23] =	ssyncset.done $0x0  }
.Ltmp6:
0xa3: {  	s31 =	sadd.s32 $0x1080, s30;
	[sflag:s23] =	ssyncadd.s32 $0xFFFFC000;
	(pc) =	sbr.rel @p1 .LBB2_5-.Ltmp6, $4  }
0xa4: {  	[spmem:s3] =	stream.indirect.scatter.add.f32 [tilespmem:s21], [sflag:$0x3], $0x80, s31, s20, $0xb8;
	[tilespmem:$0x1DC00] =	vst v63  }
0xa5: {  	_ =	swait.ge [sflag:s18], $0x4000  }
0xa6: {  	[sflag:s18] =	ssyncset.done $0x0  }
0xa7: {  	s30 =	sadd.s32 $0x180, s30;
	[sflag:s18] =	ssyncadd.s32 $0xFFFFC000  }
0xa8: {  	[tilespmem:s21], [sflag:$0x2] =	stream.indirect.gather [hbm4b:s5+s20], $0x80, s30, s20, $0xb8;
	[tilespmem:$0x1DC00] =	vst v63  }
0xa9: {  	_ =	swait.ge [sflag:s22], $0x4000  }
0xaa: {  	[sflag:s22] =	ssyncset.done $0x0  }
0xab: {  	[sflag:s22] =	ssyncadd.s32 $0xFFFFC000  }
0xac: {  	[spmem:s3] =	stream.indirect.scatter.add.f32 [tilespmem:s17], [sflag:$0x3], $0x80, s24, s20, $0xb8;
	[tilespmem:$0x1DC00] =	vst v63  }
0xad: {  	_ =	swait.ge [sflag:s18], $0x4000  }
0xae: {  	[sflag:s18] =	ssyncset.done $0x0  }
0xaf: {  	[sflag:s18] =	ssyncadd.s32 $0xFFFFC000  }
0xb0: {  	_ =	swait.ge [sflag:s23], $0x4000  }
0xb1: {  	s28 =	sadd.s32 $0x1, s28;
	[sflag:s23] =	ssyncset.done $0x0  }
0xb2: {  	p1 =	seq.s32 s28, $0x4;
	[sflag:s23] =	ssyncadd.s32 $0xFFFFC000  }
0xb3: {  	[spmem:s3] =	stream.indirect.scatter.add.f32 [tilespmem:s21], [sflag:$0x3], $0x80, s25, s20, $0xb8;
	[tilespmem:$0x1DC00] =	vst v63  }
.Ltmp7:
0xb4: {  	_ = 	snop;
	(pc) =	sbr.rel @!p1 .LBB2_4-.Ltmp7, $4  }
.Ltmp8:
0xb5: {  	_ = 	snop;
	(pc) =	sbr.rel @p1 .LBB2_10-.Ltmp8, $4  }
0xb6: {  	_ =	swait.ge [sflag:s18], $0x4000  }
0xb7: {  	[sflag:s18] =	ssyncset.done $0x0  }
0xb8: {  	[sflag:s18] =	ssyncadd.s32 $0xFFFFC000  }
0xb9: {  	_ = 	snop  }
.LBB2_11:
0xba: {  	_ =	sfence.sel $0x180000  }
0xbb: {  	[bflag:$0x0] =	sbarrier.arrive $0xFFFF  }
0xbc: {  	p0 =	sne.s32 s1, $0x0;
	_ =	strace $0x9000004D  }
0xbd: {  	s0 =	sadd.s32 @!p0 $0x100000, s0;
	[bflag:$0x2] =	sbarrier.arrive $0xFFFF  }
0xbe: {  	[sflag:s0] =	ssyncadd.tile.s32 @!p0 $0x1;
	_ =	shalt  }
.Lfunc_end2:
_tile_overlayer_lowered:
.L_overlay_start_2:
0xbf: {  	(tag) =	ssettag $0x2  }
0xc0: {  	s0 =	rddreg [dreg:$0x0];
	s2 =	stileid.u32  }
0xc1: {  	s1 =	rddreg [dreg:$0x1];
	p0 =	sne.s32 s2, $0x0  }
0xc2: {  	s3 =	rddreg [dreg:$0x2];
	[bflag:$0x3] =	sbarrier.arrive $0xFFFF;
	s2 =	simm.s32 @!p0 $0x1C03  }
0xc3: {  	[timem:s3], [sflag:s2] =	dma.local @!p0 [hbm:s0], s1  }
0xc4: {  	s0 =	simm.s32 @!p0 $0x3  }
0xc5: {  	_ =	swait.ge @!p0 [sflag:s0], s1  }
0xc6: {  	s1 =	ssub.s32 @!p0 $0x0, s1;
	[sflag:s0] =	ssyncset.done @!p0 $0x0  }
0xc7: {  	[sflag:s0] =	ssyncadd.s32 @!p0 s1  }
0xc8: {  	[bflag:$0x3] =	sbarrier.arrive $0xFFFF  }
0xc9: {  	_ =	shalt  }

// kernel: kernel.7.cloned.1.call-start
scs
__scs_entry_jumppad:
0x0: {  	(pc) =	sbr.rel $0x88, $3  }
0x1: {  	(tag) =	ssettag $0x0;
	lr =	simm.s32 $0x1  }
0x2: {  	[smem:$0x3F99] =	sst lr;
	_ =	strace $0xD0000000  }
0x3: {  	_ = 	snop  }
0x4: {  	_ = 	snop  }
0x5: {  	_ = 	snop  }
0x6: {  	_ = 	snop  }
0x7: {  	_ = 	snop  }
__scs_overlays_trampoline_lowered:
0x8: {  	[smem:$0x3FA8] =	sst s0  }
0x9: {  	[smem:$0x3FA9] =	sst s1  }
0xa: {  	[smem:$0x3FAA] =	sst s2  }
0xb: {  	[smem:$0x3FAB] =	sst s3  }
0xc: {  	[smem:$0x3FAC] =	sst s4  }
0xd: {  	[smem:$0x3FAD] =	sst s5  }
0xe: {  	[smem:$0x3FAE] =	sst s6  }
0xf: {  	[smem:$0x3FAF] =	sst s7  }
0x10: {  	[smem:$0x3FB0] =	sst s8  }
0x11: {  	[smem:$0x3FB1] =	sst s9;
	s0 =	simm.s32 @!p0 $0x0  }
0x12: {  	s1 =	sld [smem:$0x3F97];
	s0 =	simm.s32 @p0 $0x1  }
0x13: {  	[smem:$0x3FB2] =	sst s0;
	s0 =	simm.s32 @!p1 $0x0  }
0x14: {  	s2 =	sld [smem:$0x3F96];
	s0 =	simm.s32 @p1 $0x1  }
0x15: {  	[smem:$0x3FB3] =	sst s0;
	s0 =	simm.s32 @!p2 $0x0  }
0x16: {  	s3 =	sld [smem:$0x3FDB];
	s0 =	simm.s32 @p2 $0x1  }
0x17: {  	s4 =	simm.s32 $0x1BF5;
	[smem:$0x3FB5] =	sst s0  }
0x18: {  	s0 =	sld [smem:$0x3F98];
	_ =	swait.ge [sflag:s4], $0x0  }
0x19: {  	s7 =	sld [smem:$0x3F99]  }
0x1a: {  	s8 =	sadd.s32 $0xFFFFE003, lr  }
0x1b: {  	s9 =	sadd.s32 $0xFFFFFEF7, lr;
	s5 =	simm.s32 $0xFFFFFFFF;
	p2 =	slt.u32 s8, $0xFFFFF086  }
0x1c: {  	p1 =	slt.u32 s9, $0xF7A;
	s5 =	simm.s32 @!p2 $0x0  }
0x1d: {  	s5 =	simm.s32 @p1 $0x1;
	p0 =	seq.s32 s7, s2  }
0x1e: {  	s7 =	smul.u32 @!p0 $0xF7A, s2;
	p2 =	seq.s32 @!p0 s5, $0x0  }
0x1f: {  	s9 =	smul.u32 $0xF7A, s1;
	s8 =	simm.s32 @!p0 $0x1BF5;
	p2 =	por !p2, p0  }
0x20: {  	[sflag:s8] =	ssyncset.s32 @!p0 $0xFFFFF086;
	s6 =	sadd.s32 @!p0 s3, s7;
	s7 =	simm.s32 @!p0 $0x108  }
0x21: {  	s3 =	sadd.s32 s3, s9;
	s6 =	sadd.s32 @!p0 $0x88, s6;
	s7 =	simm.s32 @p2 $0x1082  }
0x22: {  	[simem:s7], [sflag:s8] =	dma.local @!p0 [hbm:s6], $0xF7A  }
0x23: {  	s9 =	sor.u32 $0xD0000000, s2;
	s6 =	simm.s32 $0x108;
	_ =	swait.ge @!p0 [sflag:s8], $0x0  }
0x24: {  	s3 =	sadd.s32 $0x88, s3;
	s6 =	simm.s32 @!p1 $0x1082;
	[sflag:s4] =	ssyncset.s32 $0xFFFFF086  }
0x25: {  	[simem:s6], [sflag:s4] =	dma.local [hbm:s3], $0xF7A  }
0x26: {  	[smem:$0x3F99] =	sst s1;
	(tag) =	ssettag s2;
	_ =	strace s9  }
0x27: {  	s1 =	sld [smem:$0x3FA9]  }
0x28: {  	s2 =	sld [smem:$0x3FAA]  }
0x29: {  	s4 =	sld [smem:$0x3FAC]  }
0x2a: {  	p0 =	seq.s32 s5, $0x0;
	s5 =	sld [smem:$0x3FAD]  }
0x2b: {  	s6 =	sld [smem:$0x3FAE]  }
0x2c: {  	s7 =	sld [smem:$0x3FAF]  }
0x2d: {  	s3 =	simm.s32 $0x108;
	s8 =	sld [smem:$0x3FB0]  }
0x2e: {  	s3 =	simm.s32 @!p0 $0x1082;
	s9 =	sld [smem:$0x3FB1]  }
0x2f: {  	lr =	sadd.s32 s0, s3;
	s0 =	sld [smem:$0x3FA8]  }
0x30: {  	s3 =	sld [smem:$0x3FAB]  }
0x31: {  	[smem:$0x3FB4] =	sst s10  }
0x32: {  	s10 =	sld [smem:$0x3FB2];
	_ =	sdelay $0x3  }
0x33: {  	p0 =	seq.s32 s10, $0x1;
	s10 =	sld [smem:$0x3FB4];
	_ =	sdelay $0x3  }
0x34: {  	[smem:$0x3FB4] =	sst s10  }
0x35: {  	s10 =	sld [smem:$0x3FB3];
	_ =	sdelay $0x3  }
0x36: {  	p1 =	seq.s32 s10, $0x1;
	s10 =	sld [smem:$0x3FB4];
	_ =	sdelay $0x3  }
0x37: {  	[smem:$0x3FB4] =	sst s10  }
0x38: {  	s10 =	sld [smem:$0x3FB5]  }
0x39: {  	_ = 	snop;
	(pc) =	sbr.ind lr, $3  }
0x3a: {  	_ = 	snop  }
0x3b: {  	_ = 	snop  }
0x3c: {  	p2 =	seq.s32 s10, $0x1;
	s10 =	sld [smem:$0x3FB4]  }
0x3d: {  	_ =	shalt  }
0x3e: {  	_ =	shalt  }
0x3f: {  	_ =	shalt  }
0x40: {  	_ =	shalt  }
0x41: {  	_ =	shalt  }
0x42: {  	_ =	shalt  }
0x43: {  	_ =	shalt  }
0x44: {  	_ =	shalt  }
0x45: {  	_ =	shalt  }
0x46: {  	_ =	shalt  }
0x47: {  	_ =	shalt  }
0x48: {  	_ =	shalt  }
0x49: {  	_ =	shalt  }
0x4a: {  	_ =	shalt  }
0x4b: {  	_ =	shalt  }
0x4c: {  	_ =	shalt  }
0x4d: {  	_ =	shalt  }
0x4e: {  	_ =	shalt  }
0x4f: {  	_ =	shalt  }
0x50: {  	_ =	shalt  }
0x51: {  	_ =	shalt  }
0x52: {  	_ =	shalt  }
0x53: {  	_ =	shalt  }
0x54: {  	_ =	shalt  }
0x55: {  	_ =	shalt  }
0x56: {  	_ =	shalt  }
0x57: {  	_ =	shalt  }
0x58: {  	_ =	shalt  }
0x59: {  	_ =	shalt  }
0x5a: {  	_ =	shalt  }
0x5b: {  	_ =	shalt  }
0x5c: {  	_ =	shalt  }
0x5d: {  	_ =	shalt  }
0x5e: {  	_ =	shalt  }
0x5f: {  	_ =	shalt  }
0x60: {  	_ =	shalt  }
0x61: {  	_ =	shalt  }
0x62: {  	_ =	shalt  }
0x63: {  	_ =	shalt  }
0x64: {  	_ =	shalt  }
0x65: {  	_ =	shalt  }
0x66: {  	_ =	shalt  }
0x67: {  	_ =	shalt  }
0x68: {  	_ =	shalt  }
0x69: {  	_ =	shalt  }
0x6a: {  	_ =	shalt  }
0x6b: {  	_ =	shalt  }
0x6c: {  	_ =	shalt  }
0x6d: {  	_ =	shalt  }
0x6e: {  	_ =	shalt  }
0x6f: {  	_ =	shalt  }
0x70: {  	_ =	shalt  }
0x71: {  	_ =	shalt  }
0x72: {  	_ =	shalt  }
0x73: {  	_ =	shalt  }
0x74: {  	_ =	shalt  }
0x75: {  	_ =	shalt  }
0x76: {  	_ =	shalt  }
0x77: {  	_ =	shalt  }
0x78: {  	_ =	shalt  }
0x79: {  	_ =	shalt  }
0x7a: {  	_ =	shalt  }
0x7b: {  	_ =	shalt  }
0x7c: {  	_ =	shalt  }
0x7d: {  	_ =	shalt  }
0x7e: {  	_ =	shalt  }
0x7f: {  	_ =	shalt  }
0x80: {  	_ =	shalt  }
0x81: {  	_ =	shalt  }
0x82: {  	_ =	shalt  }
0x83: {  	_ =	shalt  }
0x84: {  	_ =	shalt  }
0x85: {  	_ =	shalt  }
0x86: {  	_ =	shalt  }
0x87: {  	_ =	shalt  }
.Lfunc_end0:
.L_simem_size_0:
called_computation_lowered:
.L_overlay_start_0:
0x88: {  	s2 =	sld [smem:$0x3FD9]  }
0x89: {  	s3 =	sld [smem:$0x3FFE];
	_ =	sdelay $0x1  }
0x8a: {  	s1 =	srdreg.scid  }
0x8b: {  	s0 =	sand.u32 $0x1, s1  }
0x8c: {  	s17 =	sshll.u32 s0, $0xA;
	s2 =	sadd.s32 s3, s2  }
0x8d: {  	s2 =	sadd.s32 s2, s17  }
0x8e: {  	[smem:$0x3FC0] =	sst s2  }
0x8f: {  	_ = 	snop  }
0x90: {  	s18 =	sld [smem:$0x3FD0];
	(tm) =	ssettm $0x1  }
0x91: {  	s19 =	sld [smem:$0x3FFB];
	_ =	sdelay $0x3  }
0x92: {  	_ =	strace s19  }
0x93: {  	s2 =	sld [smem:$0x3FFC];
	_ =	sdelay $0x3  }
0x94: {  	_ =	strace s2  }
0x95: {  	s2 =	sld [smem:$0x3FFD];
	_ =	sdelay $0x3  }
0x96: {  	_ =	strace s2  }
0x97: {  	_ =	strace $0x8FFFFFFF  }
0x98: {  	s20 =	sld [smem:$0x3FDB];
	_ =	sdelay $0x1  }
0x99: {  	s4 =	simm.s32 $_scs_section_size  }
0x9a: {  	s5 =	simm.s32 $_size__tile_overlayer_lowered;
	s6 =	simm.s32 $_tile_overlayer_lowered  }
0x9b: {  	s7 =	simm.s32 $0x1BFF;
	s21 =	sshll.u32 s6, $0x1;
	s4 =	sadd.s32 s4, s20  }
0x9c: {  	s22 =	simm.s32 $0x0;
	s5 =	sshll.u32 s5, $0x1;
	s6 =	sadd.s32 s21, s4  }
0x9d: {  	[timem:s22], [sflag:s7] =	dma.local [hbm:s6], s5  }
0x9e: {  	_ =	swait.ge [sflag:s7], s5  }
0x9f: {  	s5 =	ssub.s32 $0x0, s5;
	[sflag:s7] =	ssyncset.done $0x0  }
0xa0: {  	[sflag:s7] =	ssyncadd.s32 s5;
	_ =	sdelay $0x1  }
0xa1: {  	s23 =	simm.s32 $0x1B8B  }
0xa2: {  	_ =	swait.ge [sflag:s23], $0x1  }
0xa3: {  	[sflag:s23] =	ssyncset.done $0x0  }
0xa4: {  	[sflag:s23] =	ssyncadd.s32 $0xFFFFFFFF  }
0xa5: {  	s5 =	sld [smem:$0x0]  }
0xa6: {  	s6 =	sand.u32 $0xFFFFFFFE, s1  }
0xa7: {  	p0 =	sne.s32 s1, s6  }
0xa8: {  	s6 =	sshll.u32 @p0 s6, $0xE  }
0xa9: {  	s6 =	sadd.s32 @p0 $0x11B8D, s6;
	s7 =	sshll.u32 @p0 s5, $0x11  }
0xaa: {  	s6 =	sor.u32 @p0 s7, s6  }
0xab: {  	[sflag:s6] =	ssyncadd.remote.s32 @p0 $0x1;
	_ =	sdelay $0x1  }
0xac: {  	s6 =	simm.s32 @p0 $0x1B8D  }
0xad: {  	_ =	swait.eq @p0 [sflag:s6], $0x1  }
0xae: {  	[sflag:s6] =	ssyncadd.s32 @p0 $0xFFFFFFFF  }
0xaf: {  	s7 =	sshll.u32 @!p0 s1, $0xE  }
0xb0: {  	s7 =	sor.u32 @!p0 $0x4000, s7;
	s6 =	simm.s32 @!p0 $0x1B8D  }
0xb1: {  	s5 =	sshll.u32 @!p0 s5, $0x11;
	s7 =	sadd.s32 @!p0 $0x11B8D, s7;
	_ =	swait.eq @!p0 [sflag:s6], $0x1  }
0xb2: {  	s5 =	sor.u32 @!p0 s5, s7;
	[sflag:s6] =	ssyncadd.s32 @!p0 $0xFFFFFFFF  }
0xb3: {  	s25 =	simm.s32 $0x1B8E;
	s24 =	sld [smem:$0x3FFE];
	[sflag:s5] =	ssyncadd.remote.s32 @!p0 $0x1  }
0xb4: {  	s26 =	simm.s32 $execute0_lowered;
	[smem:$0x3FD2] =	sst s25  }
0xb5: {  	s6 =	sshll.u32 s26, $0x1;
	_ =	strace $0x80000049;
	[dreg:$0x1] =	wrdreg $0xFFFFFFFF  }
0xb6: {  	s28 =	simm.s32 $_size_execute0_lowered;
	s4 =	sadd.s32 s4, s6;
	[dreg:$0x0] =	wrdreg $0x0  }
0xb7: {  	s6 =	sshll.u32 s28, $0x1;
	[dreg:$0x2] =	wrdreg s4  }
0xb8: {  	[dreg:$0x3] =	wrdreg s6  }
0xb9: {  	[dreg:$0x4] =	wrdreg $0xC0  }
0xba: {  	_ =	task [dreg:s22], $0x5FFFF  }
0xbb: {  	[dreg:$0x1] =	wrdreg $0xFFFFFFFF  }
0xbc: {  	[dreg:$0x0] =	wrdreg $0x60  }
0xbd: {  	[dreg:$0x2] =	wrdreg s18  }
0xbe: {  	[dreg:$0x3] =	wrdreg s24  }
0xbf: {  	[dreg:$0x4] =	wrdreg $0x68000  }
0xc0: {  	[dreg:$0x5] =	wrdreg $0x9  }
0xc1: {  	_ =	task.clear_ibuf [dreg:s22], $0x6FFFF;
	_ =	strace $0x90000049  }
0xc2: {  	s29 =	simm.s32 $0x9;
	_ =	strace $0x8000004B  }
0xc3: {  	_ =	swait.ge [sflag:s29], $0x1  }
0xc4: {  	[sflag:s29] =	ssyncadd.s32 $0xFFFFFFFF  }
0xc5: {  	_ =	strace $0x9000004B  }
0xc6: {  	_ =	sfence  }
0xc7: {  	s30 =	sld [smem:$0x0];
	_ =	sdelay $0x2  }
0xc8: {  	s31 =	sshll.u32 s1, $0xD;
	s1 =	sshrl.u32 s1, $0x2  }
0xc9: {  	s4 =	sand.u32 $0x4000, s31;
	s1 =	sadd.s32 s1, s30  }
0xca: {  	s0 =	sor.u32 s4, s0;
	s1 =	sshll.u32 s1, $0x11  }
0xcb: {  	s0 =	sor.u32 s1, s0  }
0xcc: {  	s0 =	sadd.s32 $0x8F2B, s0  }
0xcd: {  	[sflag:s0] =	ssyncadd.remote.s32 $0x1  }
0xce: {  	_ =	sfence.sel $0xFFFF  }
0xcf: {  	[dreg:$0x0] =	wrdreg $0xFFFFFFFF;
	(pc) =	sbr.abs _section_cstart, $3  }
0xd0: {  	[dreg:$0x1] =	wrdreg $0xFFFFFFFF  }
0xd1: {  	_ =	task.clear_ibuf [dreg:s22], $0x2FFFF;
	_ =	strace $0x9FFFFFFF  }
0xd2: {  	(tm) =	ssettm $0x7FFFFFFF  }
0xd3: {  	_ =	shalt  }
tec
execute0_lowered:
.L_overlay_start_1:
0x0: {  	(tag) =	ssettag $0x1  }
0x1: {  	s5 =	rddreg [dreg:$0x0]  }
0x2: {  	s4 =	rddreg [dreg:$0x1]  }
0x3: {  	s1 =	rddreg [dreg:$0x2]  }
0x4: {  	s2 =	srdreg.scid;
	s0 =	rddreg [dreg:$0x3];
	s3 =	simm.s32 $0x0  }
0x5: {  	s12 =	simm.s32 $0x2;
	s13 =	simm.s32 $0x2800;
	s14 =	simm.s32 $0x80  }
0x6: {  	s15 =	simm.s32 $0x1;
	s6 =	sand.u32 $0x1, s2;
	s2 =	stileid.u32  }
0x7: {  	s18 =	simm.s32 $0x0;
	[smem:$0x7FF] =	sst s3;
	s7 =	smul.u32 $0x13C000, s6  }
0x8: {  	s8 =	smul.u32 $0x13C00, s2;
	_ =	strace $0x8000004A;
	s30 =	sshll.u32 s2, $0x1  }
0x9: {  	s9 =	smul.u32 $0x4F000, s2;
	s10 =	ssub.s32 $0x2, s6;
	s16 =	sshll.u32 s2, $0x6  }
0xa: {  	s6 =	sor.u32 s6, s30;
	s31 =	sshrl.u32 s10, $0x1;
	s16 =	sor.u32 $0x1C02, s16  }
0xb: {  	s7 =	sadd.s32 s8, s7;
	s6 =	smul.u32 $0x500, s6;
	s8 =	ssub.s32 s10, s31  }
0xc: {  	s9 =	sshrl.u32 s9, $0x2;
	s7 =	sshrl.u32 s7, $0x3;
	s8 =	smax.u32 s8, $0x1  }
0xd: {  	s7 =	sadd.s32 s7, s4;
	s4 =	sadd.s32 s9, s1;
	s5 =	sadd.s32 s5, s6  }
0xe: {  	s6 =	sadd.s32 $0x10000, s4;
	s7 =	sadd.s32 $0x5B000, s7;
	s9 =	sadd.s32 $0x4000, s4  }
0xf: {  	v0 =	vimm.f32 $0.0e+00;
	v1 =	vimm.f32 $1.000000000e+00;
	s10 =	sadd.s32 $0x8000, s4;
	s11 =	sadd.s32 $0xC000, s4;
	s17 =	sshrl.u32 s4, $0x3  }
.LBB2_1:
0x10: {  	[tilespmem:s3], [sflag:$0x2] =	stream.linear.gather [hbm4b:s5+s3], $0x2800, $0x38;
	[tilespmem:$0x1A400] =	vst v63  }
0x11: {  	_ =	swait.ge [sflag:s12], $0x2800  }
0x12: {  	[sflag:s12] =	ssyncset.done $0x0  }
0x13: {  	s19 =	simm.s32 $0x0;
	s20 =	simm.s32 $0x200;
	[sflag:s12] =	ssyncadd.s32 $0xFFFFD800  }
.LBB2_2:
0x14: {  	p0 =	sne.s32 s20, $0xFE00;
	[tilespmem:s19+$0x2870] =	vst v0  }
0x15: {  	[tilespmem:s19+$0x2800] =	vst v0  }
0x16: {  	[tilespmem:s19+$0x2810] =	vst v0  }
.Ltmp0:
0x17: {  	[tilespmem:s19+$0x2820] =	vst v0;
	(pc) =	sbr.rel @p0 .LBB2_2-.Ltmp0, $4  }
0x18: {  	[tilespmem:s19+$0x2830] =	vst v0  }
0x19: {  	[tilespmem:s19+$0x2840] =	vst v0  }
0x1a: {  	[tilespmem:s19+$0x2850] =	vst v0  }
0x1b: {  	[tilespmem:s19+$0x2860] =	vst v0;
	s19 =	sshra.s32 s20, $0x2;
	s20 =	sadd.s32 $0x200, s20  }
0x1c: {  	[tilespmem:s19+$0x2870] =	vst v0  }
0x1d: {  	[tilespmem:s19+$0x2800] =	vst v0  }
0x1e: {  	[tilespmem:s19+$0x2810] =	vst v0  }
0x1f: {  	[tilespmem:s19+$0x2820] =	vst v0  }
0x20: {  	[tilespmem:s19+$0x2830] =	vst v0  }
0x21: {  	[tilespmem:s19+$0x2840] =	vst v0  }
0x22: {  	[tilespmem:s19+$0x2850] =	vst v0  }
0x23: {  	[tilespmem:s19+$0x2860] =	vst v0  }
0x24: {  	[spmem:s4] =	stream.linear.scatter [tilespmem:s13], [sflag:$0x2], $0x4000, $0x38;
	[tilespmem:$0x1A400] =	vst v63  }
0x25: {  	_ =	swait.ge [sflag:s12], $0x4000  }
0x26: {  	[sflag:s12] =	ssyncset.done $0x0  }
0x27: {  	[sflag:s12] =	ssyncadd.s32 $0xFFFFC000  }
0x28: {  	[spmem:s9] =	stream.linear.scatter [tilespmem:s13], [sflag:$0x2], $0x4000, $0x38;
	[tilespmem:$0x1A400] =	vst v63  }
0x29: {  	_ =	swait.ge [sflag:s12], $0x4000  }
0x2a: {  	[sflag:s12] =	ssyncset.done $0x0  }
0x2b: {  	[sflag:s12] =	ssyncadd.s32 $0xFFFFC000  }
0x2c: {  	[spmem:s10] =	stream.linear.scatter [tilespmem:s13], [sflag:$0x2], $0x4000, $0x38;
	[tilespmem:$0x1A400] =	vst v63  }
0x2d: {  	_ =	swait.ge [sflag:s12], $0x4000  }
0x2e: {  	[sflag:s12] =	ssyncset.done $0x0  }
0x2f: {  	[sflag:s12] =	ssyncadd.s32 $0xFFFFC000  }
0x30: {  	[spmem:s11] =	stream.linear.scatter [tilespmem:s13], [sflag:$0x2], $0x4000, $0x38;
	[tilespmem:$0x1A400] =	vst v63  }
0x31: {  	_ =	swait.ge [sflag:s12], $0x4000  }
0x32: {  	[sflag:s12] =	ssyncset.done $0x0  }
0x33: {  	[sflag:s12] =	ssyncadd.s32 $0xFFFFC000  }
0x34: {  	[spmem:s6] =	stream.linear.scatter [tilespmem:s13], [sflag:$0x2], $0x3C00, $0x38;
	[tilespmem:$0x1A400] =	vst v63  }
0x35: {  	_ =	swait.ge [sflag:s12], $0x3C00  }
0x36: {  	[sflag:s12] =	ssyncset.done $0x0  }
0x37: {  	s19 =	simm.s32 $0x0;
	s20 =	simm.s32 $0x200;
	[sflag:s12] =	ssyncadd.s32 $0xFFFFC400  }
.LBB2_4:
0x38: {  	p0 =	sne.s32 s20, $0xFE00;
	[tilespmem:s19+$0x2870] =	vst v1  }
0x39: {  	[tilespmem:s19+$0x2800] =	vst v1  }
0x3a: {  	[tilespmem:s19+$0x2810] =	vst v1  }
.Ltmp1:
0x3b: {  	[tilespmem:s19+$0x2820] =	vst v1;
	(pc) =	sbr.rel @p0 .LBB2_4-.Ltmp1, $4  }
0x3c: {  	[tilespmem:s19+$0x2830] =	vst v1  }
0x3d: {  	[tilespmem:s19+$0x2840] =	vst v1  }
0x3e: {  	[tilespmem:s19+$0x2850] =	vst v1  }
0x3f: {  	[tilespmem:s19+$0x2860] =	vst v1;
	s19 =	sshra.s32 s20, $0x2;
	s20 =	sadd.s32 $0x200, s20  }
0x40: {  	[tilespmem:s19+$0x2870] =	vst v1  }
0x41: {  	[tilespmem:s19+$0x2800] =	vst v1  }
0x42: {  	[tilespmem:s19+$0x2810] =	vst v1  }
0x43: {  	[tilespmem:s19+$0x2820] =	vst v1  }
0x44: {  	[tilespmem:s19+$0x2830] =	vst v1  }
0x45: {  	[tilespmem:s19+$0x2840] =	vst v1  }
0x46: {  	[tilespmem:s19+$0x2850] =	vst v1  }
0x47: {  	[tilespmem:s19+$0x2860] =	vst v1  }
0x48: {  	s23 =	simm.s32 $0x0;
	[bflag:$0x0] =	sbarrier.arrive $0xFFFF  }
0x49: {  	[spmem:s1] =	stream.indirect.scatter.add.f32 [tilespmem:s13], [sflag:$0x1], $0x80, s23, s14, $0xb8;
	[tilespmem:$0x1A400] =	vst v63  }
0x4a: {  	s24 =	simm.s32 $0x80  }
0x4b: {  	[spmem:s1] =	stream.indirect.scatter.add.f32 [tilespmem:s13], [sflag:$0x1], $0x80, s24, s14, $0xb8;
	[tilespmem:$0x1A400] =	vst v63  }
0x4c: {  	s25 =	simm.s32 $0x100  }
0x4d: {  	[spmem:s1] =	stream.indirect.scatter.add.f32 [tilespmem:s13], [sflag:$0x1], $0x80, s25, s14, $0xb8;
	[tilespmem:$0x1A400] =	vst v63  }
0x4e: {  	s26 =	simm.s32 $0x180  }
0x4f: {  	[spmem:s1] =	stream.indirect.scatter.add.f32 [tilespmem:s13], [sflag:$0x1], $0x80, s26, s14, $0xb8;
	[tilespmem:$0x1A400] =	vst v63  }
0x50: {  	s28 =	simm.s32 $0x200  }
0x51: {  	[spmem:s1] =	stream.indirect.scatter.add.f32 [tilespmem:s13], [sflag:$0x1], $0x80, s28, s14, $0xb8;
	[tilespmem:$0x1A400] =	vst v63  }
0x52: {  	s29 =	simm.s32 $0x280  }
0x53: {  	[spmem:s1] =	stream.indirect.scatter.add.f32 [tilespmem:s13], [sflag:$0x1], $0x80, s29, s14, $0xb8;
	[tilespmem:$0x1A400] =	vst v63  }
0x54: {  	s30 =	simm.s32 $0x300  }
0x55: {  	[spmem:s1] =	stream.indirect.scatter.add.f32 [tilespmem:s13], [sflag:$0x1], $0x80, s30, s14, $0xb8;
	[tilespmem:$0x1A400] =	vst v63  }
0x56: {  	s31 =	simm.s32 $0x380  }
0x57: {  	[spmem:s1] =	stream.indirect.scatter.add.f32 [tilespmem:s13], [sflag:$0x1], $0x80, s31, s14, $0xb8;
	[tilespmem:$0x1A400] =	vst v63  }
0x58: {  	_ =	swait.ge [sflag:s15], $0x4000  }
0x59: {  	[sflag:s15] =	ssyncset.done $0x0  }
0x5a: {  	[sflag:s15] =	ssyncadd.s32 $0xFFFFC000  }
0x5b: {  	_ =	swait.ge [sflag:s15], $0x4000  }
0x5c: {  	[sflag:s15] =	ssyncset.done $0x0  }
0x5d: {  	[sflag:s15] =	ssyncadd.s32 $0xFFFFC000  }
0x5e: {  	_ =	swait.ge [sflag:s15], $0x4000  }
0x5f: {  	[sflag:s15] =	ssyncset.done $0x0  }
0x60: {  	[sflag:s15] =	ssyncadd.s32 $0xFFFFC000  }
0x61: {  	_ =	swait.ge [sflag:s15], $0x4000  }
0x62: {  	[sflag:s15] =	ssyncset.done $0x0  }
0x63: {  	[sflag:s15] =	ssyncadd.s32 $0xFFFFC000  }
0x64: {  	_ =	swait.ge [sflag:s15], $0x4000  }
0x65: {  	[sflag:s15] =	ssyncset.done $0x0  }
0x66: {  	[sflag:s15] =	ssyncadd.s32 $0xFFFFC000  }
0x67: {  	_ =	swait.ge [sflag:s15], $0x4000  }
0x68: {  	[sflag:s15] =	ssyncset.done $0x0  }
0x69: {  	[sflag:s15] =	ssyncadd.s32 $0xFFFFC000  }
0x6a: {  	_ =	swait.ge [sflag:s15], $0x4000  }
0x6b: {  	[sflag:s15] =	ssyncset.done $0x0  }
0x6c: {  	[sflag:s15] =	ssyncadd.s32 $0xFFFFC000  }
0x6d: {  	_ =	swait.ge [sflag:s15], $0x4000  }
0x6e: {  	s19 =	simm.s32 $0x1000;
	s21 =	simm.s32 $0x2000;
	[sflag:s15] =	ssyncset.done $0x0  }
.LBB2_6:
0x6f: {  	s22 =	sshra.s32 s19, $0x2  }
0x70: {  	[sflag:s15] =	ssyncadd.s32 $0xFFFFC000;
	s19 =	smov.u32 s21;
	s20 =	sadd.s32 $0x1000, s21  }
0x71: {  	[spmem:s1] =	stream.indirect.scatter.add.f32 [tilespmem:s13], [sflag:$0x1], $0x80, s22, s14, $0xb8;
	[tilespmem:$0x1A400] =	vst v63  }
0x72: {  	p0 =	sne.s32 s21, $0x9000;
	s21 =	sadd.s32 $0x80, s22  }
0x73: {  	[spmem:s1] =	stream.indirect.scatter.add.f32 [tilespmem:s13], [sflag:$0x1], $0x80, s21, s14, $0xb8;
	[tilespmem:$0x1A400] =	vst v63  }
0x74: {  	s21 =	sadd.s32 $0x100, s22  }
0x75: {  	[spmem:s1] =	stream.indirect.scatter.add.f32 [tilespmem:s13], [sflag:$0x1], $0x80, s21, s14, $0xb8;
	[tilespmem:$0x1A400] =	vst v63  }
0x76: {  	s21 =	sadd.s32 $0x180, s22  }
0x77: {  	[spmem:s1] =	stream.indirect.scatter.add.f32 [tilespmem:s13], [sflag:$0x1], $0x80, s21, s14, $0xb8;
	[tilespmem:$0x1A400] =	vst v63  }
0x78: {  	s21 =	sadd.s32 $0x200, s22  }
0x79: {  	[spmem:s1] =	stream.indirect.scatter.add.f32 [tilespmem:s13], [sflag:$0x1], $0x80, s21, s14, $0xb8;
	[tilespmem:$0x1A400] =	vst v63  }
0x7a: {  	s21 =	sadd.s32 $0x280, s22  }
0x7b: {  	[spmem:s1] =	stream.indirect.scatter.add.f32 [tilespmem:s13], [sflag:$0x1], $0x80, s21, s14, $0xb8;
	[tilespmem:$0x1A400] =	vst v63  }
0x7c: {  	s21 =	sadd.s32 $0x300, s22  }
0x7d: {  	[spmem:s1] =	stream.indirect.scatter.add.f32 [tilespmem:s13], [sflag:$0x1], $0x80, s21, s14, $0xb8;
	[tilespmem:$0x1A400] =	vst v63  }
0x7e: {  	s21 =	sadd.s32 $0x380, s22  }
0x7f: {  	[spmem:s1] =	stream.indirect.scatter.add.f32 [tilespmem:s13], [sflag:$0x1], $0x80, s21, s14, $0xb8;
	[tilespmem:$0x1A400] =	vst v63  }
0x80: {  	_ =	swait.ge [sflag:s15], $0x4000  }
0x81: {  	[sflag:s15] =	ssyncset.done $0x0  }
0x82: {  	[sflag:s15] =	ssyncadd.s32 $0xFFFFC000  }
0x83: {  	_ =	swait.ge [sflag:s15], $0x4000  }
0x84: {  	[sflag:s15] =	ssyncset.done $0x0  }
0x85: {  	[sflag:s15] =	ssyncadd.s32 $0xFFFFC000  }
0x86: {  	_ =	swait.ge [sflag:s15], $0x4000  }
0x87: {  	[sflag:s15] =	ssyncset.done $0x0  }
0x88: {  	[sflag:s15] =	ssyncadd.s32 $0xFFFFC000  }
0x89: {  	_ =	swait.ge [sflag:s15], $0x4000  }
0x8a: {  	[sflag:s15] =	ssyncset.done $0x0  }
0x8b: {  	[sflag:s15] =	ssyncadd.s32 $0xFFFFC000  }
0x8c: {  	_ =	swait.ge [sflag:s15], $0x4000  }
0x8d: {  	[sflag:s15] =	ssyncset.done $0x0  }
0x8e: {  	[sflag:s15] =	ssyncadd.s32 $0xFFFFC000  }
0x8f: {  	_ =	swait.ge [sflag:s15], $0x4000  }
0x90: {  	[sflag:s15] =	ssyncset.done $0x0  }
0x91: {  	[sflag:s15] =	ssyncadd.s32 $0xFFFFC000  }
.Ltmp2:
0x92: {  	_ =	swait.ge [sflag:s15], $0x4000;
	(pc) =	sbr.rel @p0 .LBB2_6-.Ltmp2, $4  }
0x93: {  	[sflag:s15] =	ssyncset.done $0x0  }
0x94: {  	[sflag:s15] =	ssyncadd.s32 $0xFFFFC000  }
0x95: {  	_ =	swait.ge [sflag:s15], $0x4000  }
0x96: {  	s21 =	smov.u32 s20;
	[sflag:s15] =	ssyncset.done $0x0  }
0x97: {  	s19 =	sshra.s32 s19, $0x2;
	[sflag:s15] =	ssyncadd.s32 $0xFFFFC000  }
0x98: {  	[spmem:s1] =	stream.indirect.scatter.add.f32 [tilespmem:s13], [sflag:$0x1], $0x80, s19, s14, $0xb8;
	[tilespmem:$0x1A400] =	vst v63  }
0x99: {  	s20 =	sadd.s32 $0x80, s19  }
0x9a: {  	[spmem:s1] =	stream.indirect.scatter.add.f32 [tilespmem:s13], [sflag:$0x1], $0x80, s20, s14, $0xb8;
	[tilespmem:$0x1A400] =	vst v63  }
0x9b: {  	s26 =	sadd.s32 $0x100, s19  }
0x9c: {  	[spmem:s1] =	stream.indirect.scatter.add.f32 [tilespmem:s13], [sflag:$0x1], $0x80, s26, s14, $0xb8;
	[tilespmem:$0x1A400] =	vst v63  }
0x9d: {  	s28 =	sadd.s32 $0x180, s19  }
0x9e: {  	[spmem:s1] =	stream.indirect.scatter.add.f32 [tilespmem:s13], [sflag:$0x1], $0x80, s28, s14, $0xb8;
	[tilespmem:$0x1A400] =	vst v63  }
0x9f: {  	s29 =	sadd.s32 $0x200, s19  }
0xa0: {  	[spmem:s1] =	stream.indirect.scatter.add.f32 [tilespmem:s13], [sflag:$0x1], $0x80, s29, s14, $0xb8;
	[tilespmem:$0x1A400] =	vst v63  }
0xa1: {  	s30 =	sadd.s32 $0x280, s19  }
0xa2: {  	[spmem:s1] =	stream.indirect.scatter.add.f32 [tilespmem:s13], [sflag:$0x1], $0x80, s30, s14, $0xb8;
	[tilespmem:$0x1A400] =	vst v63  }
0xa3: {  	s31 =	sadd.s32 $0x300, s19  }
0xa4: {  	[spmem:s1] =	stream.indirect.scatter.add.f32 [tilespmem:s13], [sflag:$0x1], $0x80, s31, s14, $0xb8;
	[tilespmem:$0x1A400] =	vst v63  }
0xa5: {  	s19 =	sadd.s32 $0x380, s19  }
0xa6: {  	[spmem:s1] =	stream.indirect.scatter.add.f32 [tilespmem:s13], [sflag:$0x1], $0x80, s19, s14, $0xb8;
	[tilespmem:$0x1A400] =	vst v63  }
0xa7: {  	_ =	swait.ge [sflag:s15], $0x4000  }
0xa8: {  	[sflag:s15] =	ssyncset.done $0x0  }
0xa9: {  	[sflag:s15] =	ssyncadd.s32 $0xFFFFC000  }
0xaa: {  	_ =	swait.ge [sflag:s15], $0x4000  }
0xab: {  	[sflag:s15] =	ssyncset.done $0x0  }
0xac: {  	[sflag:s15] =	ssyncadd.s32 $0xFFFFC000  }
0xad: {  	_ =	swait.ge [sflag:s15], $0x4000  }
0xae: {  	[sflag:s15] =	ssyncset.done $0x0  }
0xaf: {  	[sflag:s15] =	ssyncadd.s32 $0xFFFFC000  }
0xb0: {  	_ =	swait.ge [sflag:s15], $0x4000  }
0xb1: {  	[sflag:s15] =	ssyncset.done $0x0  }
0xb2: {  	[sflag:s15] =	ssyncadd.s32 $0xFFFFC000  }
0xb3: {  	_ =	swait.ge [sflag:s15], $0x4000  }
0xb4: {  	[sflag:s15] =	ssyncset.done $0x0  }
0xb5: {  	[sflag:s15] =	ssyncadd.s32 $0xFFFFC000  }
0xb6: {  	_ =	swait.ge [sflag:s15], $0x4000  }
0xb7: {  	[sflag:s15] =	ssyncset.done $0x0  }
0xb8: {  	[sflag:s15] =	ssyncadd.s32 $0xFFFFC000  }
0xb9: {  	_ =	swait.ge [sflag:s15], $0x4000  }
0xba: {  	[sflag:s15] =	ssyncset.done $0x0  }
0xbb: {  	[sflag:s15] =	ssyncadd.s32 $0xFFFFC000  }
0xbc: {  	_ =	swait.ge [sflag:s15], $0x4000  }
0xbd: {  	s18 =	sadd.s32 $0x1, s18;
	[sflag:s15] =	ssyncset.done $0x0  }
0xbe: {  	p0 =	sne.s32 s18, s8;
	[sflag:s15] =	ssyncadd.s32 $0xFFFFC000  }
.Ltmp3:
0xbf: {  	[bflag:$0x0] =	sbarrier.arrive $0xFFFF;
	(pc) =	sbr.rel @p0 .LBB2_1-.Ltmp3, $4  }
0xc0: {  	[hbm:s7], [sflag:s16] =	dma.local [spmem:s17], $0x2780  }
0xc1: {  	_ =	swait.ge [sflag:s12], $0x2780  }
0xc2: {  	[sflag:s12] =	ssyncset.done $0x0  }
0xc3: {  	[sflag:s12] =	ssyncadd.s32 $0xFFFFD880  }
0xc4: {  	_ =	sfence.sel $0x180000  }
0xc5: {  	[bflag:$0x0] =	sbarrier.arrive $0xFFFF  }
0xc6: {  	p0 =	sne.s32 s2, $0x0;
	_ =	strace $0x9000004A  }
0xc7: {  	s0 =	sadd.s32 @!p0 $0x100000, s0;
	[bflag:$0x2] =	sbarrier.arrive $0xFFFF  }
0xc8: {  	[sflag:s0] =	ssyncadd.tile.s32 @!p0 $0x1;
	_ =	shalt  }
.Lfunc_end2:
_tile_overlayer_lowered:
.L_overlay_start_2:
0xc9: {  	(tag) =	ssettag $0x2  }
0xca: {  	s0 =	rddreg [dreg:$0x0];
	s2 =	stileid.u32  }
0xcb: {  	s1 =	rddreg [dreg:$0x1];
	p0 =	sne.s32 s2, $0x0  }
0xcc: {  	s3 =	rddreg [dreg:$0x2];
	[bflag:$0x3] =	sbarrier.arrive $0xFFFF;
	s2 =	simm.s32 @!p0 $0x1C02  }
0xcd: {  	[timem:s3], [sflag:s2] =	dma.local @!p0 [hbm:s0], s1  }
0xce: {  	s0 =	simm.s32 @!p0 $0x2  }
0xcf: {  	_ =	swait.ge @!p0 [sflag:s0], s1  }
0xd0: {  	s1 =	ssub.s32 @!p0 $0x0, s1;
	[sflag:s0] =	ssyncset.done @!p0 $0x0  }
0xd1: {  	[sflag:s0] =	ssyncadd.s32 @!p0 s1  }
0xd2: {  	[bflag:$0x3] =	sbarrier.arrive $0xFFFF  }
0xd3: {  	_ =	shalt  }

</sc_bundles>
